<compile_context>
chip_gen: v7x
topology: tpu7x:2x2x1
jax: 0.10.2.dev20260603
libtpu: 0.0.44.dev20260713+nightly
codegen_flags: <defaults>
</compile_context>

<pallas_src>
import functools

import numpy as np
import jax
import jax.numpy as jnp
from jax import lax
from jax.experimental import pallas as pl
from jax.experimental.pallas import tpu as pltpu
from jax.experimental.pallas import tpu_sc as plsc

N = 10000
E = 320000
H = 128
HC = 64

NP = 10240
NC = 2
NS = 16
SUB = 128
KI = 40
NBLK = 4
NSUB = KI * NBLK
EP = NS * NSUB * SUB
ROWS_PER_TILE = NP // NS

_HALF_PERM = np.concatenate([
    np.arange(0, 32, 2), np.arange(1, 32, 2),
    np.arange(32, 64, 2), np.arange(33, 64, 2),
])


def _pre_body(h_ref, wa_ref, wb_ref, be_ref, a_ref, b_ref):
    h = h_ref[...]
    a = jnp.dot(h, wa_ref[...],
                preferred_element_type=jnp.float32).astype(jnp.bfloat16)
    b = (jnp.dot(h, wb_ref[...], preferred_element_type=jnp.float32)
         + be_ref[...]).astype(jnp.bfloat16)
    a_ref[0] = a[:, :HC]
    a_ref[1] = a[:, HC:]
    b_ref[0] = b[:, :HC]
    b_ref[1] = b[:, HC:]


def _pre_ab(hidden_pad, wa, wb, be2):
    blk = NP // 5
    return pl.pallas_call(
        _pre_body,
        grid=(5,),
        in_specs=[
            pl.BlockSpec((blk, H), lambda i: (i, 0)),
            pl.BlockSpec((H, H), lambda i: (0, 0)),
            pl.BlockSpec((H, H), lambda i: (0, 0)),
            pl.BlockSpec((1, H), lambda i: (0, 0)),
        ],
        out_specs=[
            pl.BlockSpec((NC, blk, HC), lambda i: (0, i, 0)),
            pl.BlockSpec((NC, blk, HC), lambda i: (0, i, 0)),
        ],
        out_shape=[
            jax.ShapeDtypeStruct((NC, NP, HC), jnp.bfloat16),
            jax.ShapeDtypeStruct((NC, NP, HC), jnp.bfloat16),
        ],
    )(hidden_pad, wa, wb, be2)


def _zero_buf(buf):
    zeros = jnp.zeros((16,), jnp.float32)

    def row(i, _):
        for c in range(HC // 16):
            buf[i, pl.ds(c * 16, 16)] = zeros
        return 0

    lax.fori_loop(0, SUB, row, 0)


def _relu_add(buf_a, buf_b, buf_o):
    hi_mask = jnp.full((16,), -65536, jnp.int32)

    @plsc.parallel_loop(0, SUB, unroll=4)
    def _(i):
        for c in range(HC // 32):
            wa = plsc.bitcast(buf_a[i, pl.ds(c * 32, 32)], jnp.int32)
            wb = plsc.bitcast(buf_b[i, pl.ds(c * 32, 32)], jnp.int32)
            ae = plsc.bitcast(wa << 16, jnp.float32)
            be = plsc.bitcast(wb << 16, jnp.float32)
            ao = plsc.bitcast(wa & hi_mask, jnp.float32)
            bo = plsc.bitcast(wb & hi_mask, jnp.float32)
            buf_o[i, pl.ds(c * 32, 16)] = jnp.maximum(ae + be, 0.0)
            buf_o[i, pl.ds(c * 32 + 16, 16)] = jnp.maximum(ao + bo, 0.0)


def _sc_body(a_hbm, b_hbm, src_hbm, dst_hbm, out_hbm,
             src_v, dst_v, ab0, ab1, bb0, bb1, fb0, fb1, agg_sh,
             sa0, sa1, sb0, sb1, ss0, ss1):
    cid = lax.axis_index("c")
    sid = lax.axis_index("s")
    wid = sid

    abuf = (ab0, ab1)
    bbuf = (bb0, bb1)
    fbuf = (fb0, fb1)
    sema = (sa0, sa1)
    semb = (sb0, sb1)
    sems = (ss0, ss1)

    a_tab = a_hbm.at[cid]
    b_tab = b_hbm.at[cid]

    _zero_buf(fb0)
    for kk in range(ROWS_PER_TILE // SUB):
        pltpu.sync_copy(
            fb0, agg_sh.at[pl.ds(sid * ROWS_PER_TILE + kk * SUB, SUB)])
    plsc.subcore_barrier()

    def start(j, k):
        pltpu.async_copy(a_tab.at[src_v.at[j]], abuf[k], sema[k])
        pltpu.async_copy(b_tab.at[dst_v.at[j]], bbuf[k], semb[k])

    def wait(j, k):
        pltpu.make_async_copy(a_tab.at[src_v.at[j]], abuf[k], sema[k]).wait()
        pltpu.make_async_copy(b_tab.at[dst_v.at[j]], bbuf[k], semb[k]).wait()

    def scatter_wait(k):
        pltpu.make_async_copy(fbuf[k], agg_sh.at[dst_v.at[0]],
                              sems[k]).wait()

    def step(j, k, j_next, drain):
        if j_next is not None:
            start(j_next, 1 - k)
        wait(j, k)
        if drain:
            scatter_wait(k)
        _relu_add(abuf[k], bbuf[k], fbuf[k])
        pltpu.async_copy(fbuf[k], agg_sh.at[dst_v.at[j]], sems[k], add=True)

    def block(kb, _):
        pltpu.sync_copy(src_hbm.at[wid, pl.ds(kb * KI, KI)], src_v)
        pltpu.sync_copy(dst_hbm.at[wid, pl.ds(kb * KI, KI)], dst_v)

        start(0, 0)
        step(0, 0, 1, False)
        step(1, 1, 2, False)

        def pair(j2, _):
            j = 2 + j2 * 2
            step(j, 0, j + 1, True)
            step(j + 1, 1, j + 2, True)
            return 0

        lax.fori_loop(0, (KI - 4) // 2, pair, 0)
        step(KI - 2, 0, KI - 1, True)
        step(KI - 1, 1, None, True)
        scatter_wait(0)
        scatter_wait(1)
        return 0

    lax.fori_loop(0, NBLK, block, 0)

    plsc.subcore_barrier()
    base = sid * ROWS_PER_TILE
    pltpu.sync_copy(agg_sh.at[pl.ds(base, ROWS_PER_TILE)],
                    out_hbm.at[cid, pl.ds(base, ROWS_PER_TILE)])


def _sc_aggregate(a_tab, b_tab, src_r, dst_r):
    mesh = plsc.VectorSubcoreMesh(core_axis_name="c", subcore_axis_name="s",
                                  num_cores=NC)
    fn = functools.partial(
        pl.kernel,
        out_type=jax.ShapeDtypeStruct((NC, NP, HC), jnp.float32),
        mesh=mesh,
        compiler_params=pltpu.CompilerParams(use_tc_tiling_on_sc=False,
                                             needs_layout_passes=False),
        scratch_types=[
            pltpu.VMEM((KI, SUB), jnp.int32),
            pltpu.VMEM((KI, SUB), jnp.int32),
            pltpu.VMEM((SUB, HC), jnp.bfloat16),
            pltpu.VMEM((SUB, HC), jnp.bfloat16),
            pltpu.VMEM((SUB, HC), jnp.bfloat16),
            pltpu.VMEM((SUB, HC), jnp.bfloat16),
            pltpu.VMEM((SUB, HC), jnp.float32),
            pltpu.VMEM((SUB, HC), jnp.float32),
            pltpu.VMEM_SHARED((NP, HC), jnp.float32),
            pltpu.SemaphoreType.DMA,
            pltpu.SemaphoreType.DMA,
            pltpu.SemaphoreType.DMA,
            pltpu.SemaphoreType.DMA,
            pltpu.SemaphoreType.DMA,
            pltpu.SemaphoreType.DMA,
        ],
    )(_sc_body)
    return fn(a_tab, b_tab, src_r, dst_r)


def _post_body(h_ref, p0_ref, p1_ref, w1a_ref, w1b0_ref, w1b1_ref, b1_ref,
               w2_ref, b2_ref, w3_ref, b3_ref, o_ref):
    h1 = jnp.tanh(
        jnp.dot(h_ref[...], w1a_ref[...], preferred_element_type=jnp.float32)
        + jnp.dot(p0_ref[...], w1b0_ref[...],
                  preferred_element_type=jnp.float32)
        + jnp.dot(p1_ref[...], w1b1_ref[...],
                  preferred_element_type=jnp.float32)
        + b1_ref[...])
    h2 = jnp.tanh(
        jnp.dot(h1, w2_ref[...], preferred_element_type=jnp.float32)
        + b2_ref[...])
    o_ref[...] = (jnp.dot(h2, w3_ref[...], preferred_element_type=jnp.float32)
                  + b3_ref[...])


def _post_mlp(hidden, p0, p1, w1a, w1b0, w1b1, b1, w2, b2, w3, b3):
    blk = 2000
    row_spec = pl.BlockSpec((blk, H), lambda i: (i, 0))
    half_spec = pl.BlockSpec((blk, HC), lambda i: (i, 0))
    w_spec = pl.BlockSpec((H, H), lambda i: (0, 0))
    wh_spec = pl.BlockSpec((HC, H), lambda i: (0, 0))
    b_spec = pl.BlockSpec((1, H), lambda i: (0, 0))
    return pl.pallas_call(
        _post_body,
        grid=(N // blk,),
        in_specs=[row_spec, half_spec, half_spec,
                  w_spec, wh_spec, wh_spec, b_spec,
                  w_spec, b_spec, w_spec, b_spec],
        out_specs=row_spec,
        out_shape=jax.ShapeDtypeStruct((N, H), jnp.float32),
    )(hidden, p0, p1, w1a, w1b0, w1b1, b1, w2, b2, w3, b3)


@jax.jit
def kernel(hidden, edge_index, We, be, W1, b1, W2, b2, W3, b3):
    ei = edge_index.astype(jnp.int32)
    pad_e = EP - E
    src_r = jnp.concatenate(
        [ei[0], jnp.full((pad_e,), N, jnp.int32)]).reshape(NS, NSUB, SUB)
    dst_r = jnp.concatenate(
        [ei[1], jnp.full((pad_e,), N, jnp.int32)]).reshape(NS, NSUB, SUB)
    hidden_pad = jnp.concatenate(
        [hidden, jnp.zeros((NP - N, H), jnp.float32)], axis=0)

    a_tab, b_tab = _pre_ab(hidden_pad, We[:H], We[H:], be.reshape(1, H))
    parts = _sc_aggregate(a_tab, b_tab, src_r, dst_r)
    w1b = W1[H:]
    return _post_mlp(hidden, parts[0], parts[1],
                     W1[:H], w1b[:HC][_HALF_PERM], w1b[HC:][_HALF_PERM],
                     b1.reshape(1, H),
                     W2, b2.reshape(1, H), W3, b3.reshape(1, H))

# --- scband reference (transcript-rebuilt; emitter-appended) ---
"""Pipeline reference for scband-processer-13623636263131 (READ-ONLY COPY).

The authoritative reference and input builder live on the scoring server;
editing this copy changes nothing except your own understanding.
"""

import jax, jax.numpy as jnp
import numpy as np

N = 10000
E = 320000
HID = 128


def setup_inputs(seed: int = 0) -> dict:
    key = jax.random.key(seed)
    ks = jax.random.split(key, 10)
    hidden = jax.random.normal(ks[0], (N, HID), dtype=jnp.float32)
    edge_index = jax.random.randint(ks[1], (2, E), 0, N, dtype=jnp.int64)
    # EdgeEncoder(2*hid, hid): linear + relu
    We = jax.random.normal(ks[2], (2 * HID, HID), dtype=jnp.float32) * 0.05
    be = jnp.zeros((HID,), dtype=jnp.float32)
    # update MLP: Linear(2h,h) Tanh Linear(h,h) Tanh Linear(h,h)
    W1 = jax.random.normal(ks[3], (2 * HID, HID), dtype=jnp.float32) * 0.05
    b1 = jnp.zeros((HID,), dtype=jnp.float32)
    W2 = jax.random.normal(ks[4], (HID, HID), dtype=jnp.float32) * 0.05
    b2 = jnp.zeros((HID,), dtype=jnp.float32)
    W3 = jax.random.normal(ks[5], (HID, HID), dtype=jnp.float32) * 0.05
    b3 = jnp.zeros((HID,), dtype=jnp.float32)
    return {"hidden": hidden, "edge_index": edge_index, "We": We, "be": be,
            "W1": W1, "b1": b1, "W2": W2, "b2": b2, "W3": W3, "b3": b3}


def reference(hidden, edge_index, We, be, W1, b1, W2, b2, W3, b3):
    src = edge_index[0]
    dst = edge_index[1]
    # gather endpoint features and concat
    edge_feat = jnp.concatenate([jnp.take(hidden, src, axis=0),
                                 jnp.take(hidden, dst, axis=0)], axis=1)
    # EdgeEncoder(2h -> h)
    edge_feat = jax.nn.relu(edge_feat @ We + be)
    # scatter_add by destination node
    agg = jax.ops.segment_sum(edge_feat, dst, num_segments=hidden.shape[0])
    cat_feat = jnp.concatenate([hidden, agg], axis=1)
    h = jnp.tanh(cat_feat @ W1 + b1)
    h = jnp.tanh(h @ W2 + b2)
    return h @ W3 + b3

if __name__ == "__main__":
    import jax
    _d = setup_inputs()
    print(jax.jit(kernel)(*tuple(_d.values())))

</pallas_src>

<mosaic_0001>
#map = affine_map<(d0, d1) -> (0, 0, 0)>
module attributes {stable_mosaic.version = 14 : i64} {
  func.func @_sc_body(%arg0: i32, %arg1: i32, %arg2: memref<2x10240x64xbf16, #tpu.memory_space<hbm>>, %arg3: memref<2x10240x64xbf16, #tpu.memory_space<hbm>>, %arg4: memref<16x160x128xi32, #tpu.memory_space<hbm>>, %arg5: memref<16x160x128xi32, #tpu.memory_space<hbm>>, %arg6: memref<2x10240x64xf32, #tpu.memory_space<hbm>>, %arg7: memref<40x128xi32, #tpu.memory_space<vmem>>, %arg8: memref<40x128xi32, #tpu.memory_space<vmem>>, %arg9: memref<128x64xbf16, #tpu.memory_space<vmem>>, %arg10: memref<128x64xbf16, #tpu.memory_space<vmem>>, %arg11: memref<128x64xbf16, #tpu.memory_space<vmem>>, %arg12: memref<128x64xbf16, #tpu.memory_space<vmem>>, %arg13: memref<128x64xf32, #tpu.memory_space<vmem>>, %arg14: memref<128x64xf32, #tpu.memory_space<vmem>>, %arg15: memref<10240x64xf32, #tpu.memory_space<vmem_shared>>, %arg16: memref<!tpu.dma_semaphore, #tpu.memory_space<semaphore_mem>>, %arg17: memref<!tpu.dma_semaphore, #tpu.memory_space<semaphore_mem>>, %arg18: memref<!tpu.dma_semaphore, #tpu.memory_space<semaphore_mem>>, %arg19: memref<!tpu.dma_semaphore, #tpu.memory_space<semaphore_mem>>, %arg20: memref<!tpu.dma_semaphore, #tpu.memory_space<semaphore_mem>>, %arg21: memref<!tpu.dma_semaphore, #tpu.memory_space<semaphore_mem>>) attributes {dimension_semantics = [#tpu.dimension_semantics<core_parallel>, #tpu.dimension_semantics<subcore_parallel>], iteration_bounds = array<i64: 2, 16>, scalar_prefetch = 0 : i64, scratch_operands = 15 : i64, tpu.core_type = #tpu.core_type<sc_vector_subcore>, window_params = [{transform_indices = #map}, {transform_indices = #map}, {transform_indices = #map}, {transform_indices = #map}, {transform_indices = #map}]} {
    %broadcast_in_dim3A = arith.constant 0.000000e+00 : f32
    %broadcast_in_dim3A_0 = vector.broadcast %broadcast_in_dim3A : f32 to vector<16xf32>
    %scan3A = arith.constant 0 : i32
    %scan3A_1 = arith.constant 0 : i32
    %scan3A_2 = arith.constant 128 : i32
    %scan3A_3 = arith.addi %scan3A_1, %scan3A_2 : i32
    %scan3A_4 = arith.constant 1 : i32
    %scan3A_5 = scf.for %scan3A_35 = %scan3A_1 to %scan3A_3 step %scan3A_4 iter_args(%scan3A_36 = %scan3A) -> (i32)  : i32 {
      %swap3A = arith.index_cast %scan3A_35 : i32 to index
      %swap3A_37 = arith.constant 0 : index
      %swap3A_38 = tpu.vector_load %arg13[%swap3A, %swap3A_37] {strides = array<i32>} : memref<128x64xf32, #tpu.memory_space<vmem>>, vector<16xf32>,
      tpu.vector_store %arg13[%swap3A, %swap3A_37], %broadcast_in_dim3A_0 {strides = array<i32>} : memref<128x64xf32, #tpu.memory_space<vmem>>, vector<16xf32>,
      %swap3A_39 = arith.index_cast %scan3A_35 : i32 to index
      %swap3A_40 = arith.constant 16 : index
      %swap3A_41 = tpu.vector_load %arg13[%swap3A_39, %swap3A_40] {strides = array<i32>} : memref<128x64xf32, #tpu.memory_space<vmem>>, vector<16xf32>,
      tpu.vector_store %arg13[%swap3A_39, %swap3A_40], %broadcast_in_dim3A_0 {strides = array<i32>} : memref<128x64xf32, #tpu.memory_space<vmem>>, vector<16xf32>,
      %swap3A_42 = arith.index_cast %scan3A_35 : i32 to index
      %swap3A_43 = arith.constant 32 : index
      %swap3A_44 = tpu.vector_load %arg13[%swap3A_42, %swap3A_43] {strides = array<i32>} : memref<128x64xf32, #tpu.memory_space<vmem>>, vector<16xf32>,
      tpu.vector_store %arg13[%swap3A_42, %swap3A_43], %broadcast_in_dim3A_0 {strides = array<i32>} : memref<128x64xf32, #tpu.memory_space<vmem>>, vector<16xf32>,
      %swap3A_45 = arith.index_cast %scan3A_35 : i32 to index
      %swap3A_46 = arith.constant 48 : index
      %swap3A_47 = tpu.vector_load %arg13[%swap3A_45, %swap3A_46] {strides = array<i32>} : memref<128x64xf32, #tpu.memory_space<vmem>>, vector<16xf32>,
      tpu.vector_store %arg13[%swap3A_45, %swap3A_46], %broadcast_in_dim3A_0 {strides = array<i32>} : memref<128x64xf32, #tpu.memory_space<vmem>>, vector<16xf32>,
      %scan3A_48 = arith.constant 0 : i32
      scf.yield %scan3A_48 : i32
    }
    %scan3A_6 = arith.constant 128 : i32
    %mul3A = arith.constant 640 : i32
    %mul3A_7 = arith.muli %arg1, %mul3A : i32
    %add3A = arith.constant 0 : i32
    %add3A_8 = arith.addi %mul3A_7, %add3A : i32
    "tpu.region"() ({
      %run_scoped3A = tpu.sem_alloc : memref<!tpu.dma_semaphore, #tpu.memory_space<semaphore_mem>>
      %dma_start3A = arith.constant 0 : i32
      %dma_start3A_35 = tpu.memref_slice %arg15[%add3A_8, %dma_start3A] : memref<10240x64xf32, #tpu.memory_space<vmem_shared>> -> memref<128x64xf32, #tpu.memory_space<vmem_shared>>
      %dma_start3A_36 = arith.constant 0 : i32
      %dma_start3A_37 = tpu.memref_slice %arg15[%add3A_8, %dma_start3A_36] : memref<10240x64xf32, #tpu.memory_space<vmem_shared>> -> memref<128x64xf32, #tpu.memory_space<vmem_shared>>
      tpu.enqueue_dma source(%arg13 : memref<128x64xf32, #tpu.memory_space<vmem>>) target(%dma_start3A_37 : memref<128x64xf32, #tpu.memory_space<vmem_shared>>) target_semaphore(%run_scoped3A : memref<!tpu.dma_semaphore, #tpu.memory_space<semaphore_mem>>)
      %dma_wait3A = arith.constant 0 : i32
      %dma_wait3A_38 = tpu.memref_slice %arg15[%add3A_8, %dma_wait3A] : memref<10240x64xf32, #tpu.memory_space<vmem_shared>> -> memref<128x64xf32, #tpu.memory_space<vmem_shared>>
      %dma_wait3A_39 = arith.constant 0 : i32
      %dma_wait3A_40 = tpu.memref_slice %arg15[%add3A_8, %dma_wait3A_39] : memref<10240x64xf32, #tpu.memory_space<vmem_shared>> -> memref<128x64xf32, #tpu.memory_space<vmem_shared>>
      tpu.wait_dma2 semaphore(%run_scoped3A : memref<!tpu.dma_semaphore, #tpu.memory_space<semaphore_mem>>) src(%arg13 : memref<128x64xf32, #tpu.memory_space<vmem>>) dst(%dma_wait3A_40 : memref<128x64xf32, #tpu.memory_space<vmem_shared>>)
      tpu.yield
    }) : () -> ()
    %mul3A_9 = arith.constant 640 : i32
    %mul3A_10 = arith.muli %arg1, %mul3A_9 : i32
    %add3A_11 = arith.constant 128 : i32
    %add3A_12 = arith.addi %mul3A_10, %add3A_11 : i32
    "tpu.region"() ({
      %run_scoped3A = tpu.sem_alloc : memref<!tpu.dma_semaphore, #tpu.memory_space<semaphore_mem>>
      %dma_start3A = arith.constant 0 : i32
      %dma_start3A_35 = tpu.memref_slice %arg15[%add3A_12, %dma_start3A] : memref<10240x64xf32, #tpu.memory_space<vmem_shared>> -> memref<128x64xf32, #tpu.memory_space<vmem_shared>>
      %dma_start3A_36 = arith.constant 0 : i32
      %dma_start3A_37 = tpu.memref_slice %arg15[%add3A_12, %dma_start3A_36] : memref<10240x64xf32, #tpu.memory_space<vmem_shared>> -> memref<128x64xf32, #tpu.memory_space<vmem_shared>>
      tpu.enqueue_dma source(%arg13 : memref<128x64xf32, #tpu.memory_space<vmem>>) target(%dma_start3A_37 : memref<128x64xf32, #tpu.memory_space<vmem_shared>>) target_semaphore(%run_scoped3A : memref<!tpu.dma_semaphore, #tpu.memory_space<semaphore_mem>>)
      %dma_wait3A = arith.constant 0 : i32
      %dma_wait3A_38 = tpu.memref_slice %arg15[%add3A_12, %dma_wait3A] : memref<10240x64xf32, #tpu.memory_space<vmem_shared>> -> memref<128x64xf32, #tpu.memory_space<vmem_shared>>
      %dma_wait3A_39 = arith.constant 0 : i32
      %dma_wait3A_40 = tpu.memref_slice %arg15[%add3A_12, %dma_wait3A_39] : memref<10240x64xf32, #tpu.memory_space<vmem_shared>> -> memref<128x64xf32, #tpu.memory_space<vmem_shared>>
      tpu.wait_dma2 semaphore(%run_scoped3A : memref<!tpu.dma_semaphore, #tpu.memory_space<semaphore_mem>>) src(%arg13 : memref<128x64xf32, #tpu.memory_space<vmem>>) dst(%dma_wait3A_40 : memref<128x64xf32, #tpu.memory_space<vmem_shared>>)
      tpu.yield
    }) : () -> ()
    %mul3A_13 = arith.constant 640 : i32
    %mul3A_14 = arith.muli %arg1, %mul3A_13 : i32
    %add3A_15 = arith.constant 256 : i32
    %add3A_16 = arith.addi %mul3A_14, %add3A_15 : i32
    "tpu.region"() ({
      %run_scoped3A = tpu.sem_alloc : memref<!tpu.dma_semaphore, #tpu.memory_space<semaphore_mem>>
      %dma_start3A = arith.constant 0 : i32
      %dma_start3A_35 = tpu.memref_slice %arg15[%add3A_16, %dma_start3A] : memref<10240x64xf32, #tpu.memory_space<vmem_shared>> -> memref<128x64xf32, #tpu.memory_space<vmem_shared>>
      %dma_start3A_36 = arith.constant 0 : i32
      %dma_start3A_37 = tpu.memref_slice %arg15[%add3A_16, %dma_start3A_36] : memref<10240x64xf32, #tpu.memory_space<vmem_shared>> -> memref<128x64xf32, #tpu.memory_space<vmem_shared>>
      tpu.enqueue_dma source(%arg13 : memref<128x64xf32, #tpu.memory_space<vmem>>) target(%dma_start3A_37 : memref<128x64xf32, #tpu.memory_space<vmem_shared>>) target_semaphore(%run_scoped3A : memref<!tpu.dma_semaphore, #tpu.memory_space<semaphore_mem>>)
      %dma_wait3A = arith.constant 0 : i32
      %dma_wait3A_38 = tpu.memref_slice %arg15[%add3A_16, %dma_wait3A] : memref<10240x64xf32, #tpu.memory_space<vmem_shared>> -> memref<128x64xf32, #tpu.memory_space<vmem_shared>>
      %dma_wait3A_39 = arith.constant 0 : i32
      %dma_wait3A_40 = tpu.memref_slice %arg15[%add3A_16, %dma_wait3A_39] : memref<10240x64xf32, #tpu.memory_space<vmem_shared>> -> memref<128x64xf32, #tpu.memory_space<vmem_shared>>
      tpu.wait_dma2 semaphore(%run_scoped3A : memref<!tpu.dma_semaphore, #tpu.memory_space<semaphore_mem>>) src(%arg13 : memref<128x64xf32, #tpu.memory_space<vmem>>) dst(%dma_wait3A_40 : memref<128x64xf32, #tpu.memory_space<vmem_shared>>)
      tpu.yield
    }) : () -> ()
    %mul3A_17 = arith.constant 640 : i32
    %mul3A_18 = arith.muli %arg1, %mul3A_17 : i32
    %add3A_19 = arith.constant 384 : i32
    %add3A_20 = arith.addi %mul3A_18, %add3A_19 : i32
    "tpu.region"() ({
      %run_scoped3A = tpu.sem_alloc : memref<!tpu.dma_semaphore, #tpu.memory_space<semaphore_mem>>
      %dma_start3A = arith.constant 0 : i32
      %dma_start3A_35 = tpu.memref_slice %arg15[%add3A_20, %dma_start3A] : memref<10240x64xf32, #tpu.memory_space<vmem_shared>> -> memref<128x64xf32, #tpu.memory_space<vmem_shared>>
      %dma_start3A_36 = arith.constant 0 : i32
      %dma_start3A_37 = tpu.memref_slice %arg15[%add3A_20, %dma_start3A_36] : memref<10240x64xf32, #tpu.memory_space<vmem_shared>> -> memref<128x64xf32, #tpu.memory_space<vmem_shared>>
      tpu.enqueue_dma source(%arg13 : memref<128x64xf32, #tpu.memory_space<vmem>>) target(%dma_start3A_37 : memref<128x64xf32, #tpu.memory_space<vmem_shared>>) target_semaphore(%run_scoped3A : memref<!tpu.dma_semaphore, #tpu.memory_space<semaphore_mem>>)
      %dma_wait3A = arith.constant 0 : i32
      %dma_wait3A_38 = tpu.memref_slice %arg15[%add3A_20, %dma_wait3A] : memref<10240x64xf32, #tpu.memory_space<vmem_shared>> -> memref<128x64xf32, #tpu.memory_space<vmem_shared>>
      %dma_wait3A_39 = arith.constant 0 : i32
      %dma_wait3A_40 = tpu.memref_slice %arg15[%add3A_20, %dma_wait3A_39] : memref<10240x64xf32, #tpu.memory_space<vmem_shared>> -> memref<128x64xf32, #tpu.memory_space<vmem_shared>>
      tpu.wait_dma2 semaphore(%run_scoped3A : memref<!tpu.dma_semaphore, #tpu.memory_space<semaphore_mem>>) src(%arg13 : memref<128x64xf32, #tpu.memory_space<vmem>>) dst(%dma_wait3A_40 : memref<128x64xf32, #tpu.memory_space<vmem_shared>>)
      tpu.yield
    }) : () -> ()
    %mul3A_21 = arith.constant 640 : i32
    %mul3A_22 = arith.muli %arg1, %mul3A_21 : i32
    %add3A_23 = arith.constant 512 : i32
    %add3A_24 = arith.addi %mul3A_22, %add3A_23 : i32
    "tpu.region"() ({
      %run_scoped3A = tpu.sem_alloc : memref<!tpu.dma_semaphore, #tpu.memory_space<semaphore_mem>>
      %dma_start3A = arith.constant 0 : i32
      %dma_start3A_35 = tpu.memref_slice %arg15[%add3A_24, %dma_start3A] : memref<10240x64xf32, #tpu.memory_space<vmem_shared>> -> memref<128x64xf32, #tpu.memory_space<vmem_shared>>
      %dma_start3A_36 = arith.constant 0 : i32
      %dma_start3A_37 = tpu.memref_slice %arg15[%add3A_24, %dma_start3A_36] : memref<10240x64xf32, #tpu.memory_space<vmem_shared>> -> memref<128x64xf32, #tpu.memory_space<vmem_shared>>
      tpu.enqueue_dma source(%arg13 : memref<128x64xf32, #tpu.memory_space<vmem>>) target(%dma_start3A_37 : memref<128x64xf32, #tpu.memory_space<vmem_shared>>) target_semaphore(%run_scoped3A : memref<!tpu.dma_semaphore, #tpu.memory_space<semaphore_mem>>)
      %dma_wait3A = arith.constant 0 : i32
      %dma_wait3A_38 = tpu.memref_slice %arg15[%add3A_24, %dma_wait3A] : memref<10240x64xf32, #tpu.memory_space<vmem_shared>> -> memref<128x64xf32, #tpu.memory_space<vmem_shared>>
      %dma_wait3A_39 = arith.constant 0 : i32
      %dma_wait3A_40 = tpu.memref_slice %arg15[%add3A_24, %dma_wait3A_39] : memref<10240x64xf32, #tpu.memory_space<vmem_shared>> -> memref<128x64xf32, #tpu.memory_space<vmem_shared>>
      tpu.wait_dma2 semaphore(%run_scoped3A : memref<!tpu.dma_semaphore, #tpu.memory_space<semaphore_mem>>) src(%arg13 : memref<128x64xf32, #tpu.memory_space<vmem>>) dst(%dma_wait3A_40 : memref<128x64xf32, #tpu.memory_space<vmem_shared>>)
      tpu.yield
    }) : () -> ()
    %barrier3A = arith.constant 0 : index
    tpu.barrier barrier_id(%barrier3A)
    %scan3A_25 = arith.constant 0 : i32
    %scan3A_26 = arith.constant 0 : i32
    %scan3A_27 = arith.constant 4 : i32
    %scan3A_28 = arith.addi %scan3A_26, %scan3A_27 : i32
    %scan3A_29 = arith.constant 1 : i32
    %scan3A_30 = scf.for %scan3A_35 = %scan3A_26 to %scan3A_28 step %scan3A_29 iter_args(%scan3A_36 = %scan3A_25) -> (i32)  : i32 {
      %mul3A_37 = arith.constant 40 : i32
      %mul3A_38 = arith.muli %scan3A_35, %mul3A_37 : i32
      "tpu.region"() ({
        %run_scoped3A = tpu.sem_alloc : memref<!tpu.dma_semaphore, #tpu.memory_space<semaphore_mem>>
        %dma_start3A_298 = arith.constant 0 : i32
        %dma_start3A_299 = tpu.memref_slice %arg4[%arg1, %mul3A_38, %dma_start3A_298] : memref<16x160x128xi32, #tpu.memory_space<hbm>> -> memref<1x40x128xi32, #tpu.memory_space<hbm>>
        %dma_start3A_300 = tpu.memref_squeeze %dma_start3A_299 : memref<1x40x128xi32, #tpu.memory_space<hbm>> -> memref<40x128xi32, #tpu.memory_space<hbm>>
        %dma_start3A_301 = arith.constant 0 : i32
        %dma_start3A_302 = tpu.memref_slice %arg4[%arg1, %mul3A_38, %dma_start3A_301] : memref<16x160x128xi32, #tpu.memory_space<hbm>> -> memref<1x40x128xi32, #tpu.memory_space<hbm>>
        %dma_start3A_303 = tpu.memref_squeeze %dma_start3A_302 : memref<1x40x128xi32, #tpu.memory_space<hbm>> -> memref<40x128xi32, #tpu.memory_space<hbm>>
        tpu.enqueue_dma source(%dma_start3A_303 : memref<40x128xi32, #tpu.memory_space<hbm>>) target(%arg7 : memref<40x128xi32, #tpu.memory_space<vmem>>) target_semaphore(%run_scoped3A : memref<!tpu.dma_semaphore, #tpu.memory_space<semaphore_mem>>)
        %dma_wait3A_304 = arith.constant 0 : i32
        %dma_wait3A_305 = tpu.memref_slice %arg4[%arg1, %mul3A_38, %dma_wait3A_304] : memref<16x160x128xi32, #tpu.memory_space<hbm>> -> memref<1x40x128xi32, #tpu.memory_space<hbm>>
        %dma_wait3A_306 = tpu.memref_squeeze %dma_wait3A_305 : memref<1x40x128xi32, #tpu.memory_space<hbm>> -> memref<40x128xi32, #tpu.memory_space<hbm>>
        %dma_wait3A_307 = arith.constant 0 : i32
        %dma_wait3A_308 = tpu.memref_slice %arg4[%arg1, %mul3A_38, %dma_wait3A_307] : memref<16x160x128xi32, #tpu.memory_space<hbm>> -> memref<1x40x128xi32, #tpu.memory_space<hbm>>
        %dma_wait3A_309 = tpu.memref_squeeze %dma_wait3A_308 : memref<1x40x128xi32, #tpu.memory_space<hbm>> -> memref<40x128xi32, #tpu.memory_space<hbm>>
        tpu.wait_dma2 semaphore(%run_scoped3A : memref<!tpu.dma_semaphore, #tpu.memory_space<semaphore_mem>>) src(%dma_wait3A_309 : memref<40x128xi32, #tpu.memory_space<hbm>>) dst(%arg7 : memref<40x128xi32, #tpu.memory_space<vmem>>)
        tpu.yield
      }) : () -> ()
      %mul3A_39 = arith.constant 40 : i32
      %mul3A_40 = arith.muli %scan3A_35, %mul3A_39 : i32
      "tpu.region"() ({
        %run_scoped3A = tpu.sem_alloc : memref<!tpu.dma_semaphore, #tpu.memory_space<semaphore_mem>>
        %dma_start3A_298 = arith.constant 0 : i32
        %dma_start3A_299 = tpu.memref_slice %arg5[%arg1, %mul3A_40, %dma_start3A_298] : memref<16x160x128xi32, #tpu.memory_space<hbm>> -> memref<1x40x128xi32, #tpu.memory_space<hbm>>
        %dma_start3A_300 = tpu.memref_squeeze %dma_start3A_299 : memref<1x40x128xi32, #tpu.memory_space<hbm>> -> memref<40x128xi32, #tpu.memory_space<hbm>>
        %dma_start3A_301 = arith.constant 0 : i32
        %dma_start3A_302 = tpu.memref_slice %arg5[%arg1, %mul3A_40, %dma_start3A_301] : memref<16x160x128xi32, #tpu.memory_space<hbm>> -> memref<1x40x128xi32, #tpu.memory_space<hbm>>
        %dma_start3A_303 = tpu.memref_squeeze %dma_start3A_302 : memref<1x40x128xi32, #tpu.memory_space<hbm>> -> memref<40x128xi32, #tpu.memory_space<hbm>>
        tpu.enqueue_dma source(%dma_start3A_303 : memref<40x128xi32, #tpu.memory_space<hbm>>) target(%arg8 : memref<40x128xi32, #tpu.memory_space<vmem>>) target_semaphore(%run_scoped3A : memref<!tpu.dma_semaphore, #tpu.memory_space<semaphore_mem>>)
        %dma_wait3A_304 = arith.constant 0 : i32
        %dma_wait3A_305 = tpu.memref_slice %arg5[%arg1, %mul3A_40, %dma_wait3A_304] : memref<16x160x128xi32, #tpu.memory_space<hbm>> -> memref<1x40x128xi32, #tpu.memory_space<hbm>>
        %dma_wait3A_306 = tpu.memref_squeeze %dma_wait3A_305 : memref<1x40x128xi32, #tpu.memory_space<hbm>> -> memref<40x128xi32, #tpu.memory_space<hbm>>
        %dma_wait3A_307 = arith.constant 0 : i32
        %dma_wait3A_308 = tpu.memref_slice %arg5[%arg1, %mul3A_40, %dma_wait3A_307] : memref<16x160x128xi32, #tpu.memory_space<hbm>> -> memref<1x40x128xi32, #tpu.memory_space<hbm>>
        %dma_wait3A_309 = tpu.memref_squeeze %dma_wait3A_308 : memref<1x40x128xi32, #tpu.memory_space<hbm>> -> memref<40x128xi32, #tpu.memory_space<hbm>>
        tpu.wait_dma2 semaphore(%run_scoped3A : memref<!tpu.dma_semaphore, #tpu.memory_space<semaphore_mem>>) src(%dma_wait3A_309 : memref<40x128xi32, #tpu.memory_space<hbm>>) dst(%arg8 : memref<40x128xi32, #tpu.memory_space<vmem>>)
        tpu.yield
      }) : () -> ()
      %dma_start3A = arith.constant 0 : i32
      %dma_start3A_41 = arith.constant 0 : i32
      %dma_start3A_42 = tpu.memref_slice %arg7[%dma_start3A, %dma_start3A_41] : memref<40x128xi32, #tpu.memory_space<vmem>> -> memref<1x128xi32, #tpu.memory_space<vmem>>
      %dma_start3A_43 = tpu.memref_squeeze %dma_start3A_42 : memref<1x128xi32, #tpu.memory_space<vmem>> -> memref<128xi32, #tpu.memory_space<vmem>>
      %dma_start3A_44 = arith.constant 0 : i32
      %dma_start3A_45 = arith.constant 0 : i32
      %dma_start3A_46 = tpu.memref_slice %arg2[%arg0, %dma_start3A_44, %dma_start3A_45] : memref<2x10240x64xbf16, #tpu.memory_space<hbm>> -> memref<1x10240x64xbf16, #tpu.memory_space<hbm>>
      %dma_start3A_47 = tpu.memref_squeeze %dma_start3A_46 : memref<1x10240x64xbf16, #tpu.memory_space<hbm>> -> memref<10240x64xbf16, #tpu.memory_space<hbm>>
      %dma_start3A_48 = arith.constant 0 : i32
      %dma_start3A_49 = arith.constant 0 : i32
      %dma_start3A_50 = tpu.memref_slice %dma_start3A_47[%dma_start3A_48, %dma_start3A_49] : memref<10240x64xbf16, #tpu.memory_space<hbm>> -> memref<10240x64xbf16, #tpu.memory_space<hbm>>
      tpu.enqueue_indirect_dma source(%dma_start3A_50 : memref<10240x64xbf16, #tpu.memory_space<hbm>>) target(%arg9 : memref<128x64xbf16, #tpu.memory_space<vmem>>) offsets(%dma_start3A_43 : memref<128xi32, #tpu.memory_space<vmem>>) semaphore(%arg16 : memref<!tpu.dma_semaphore, #tpu.memory_space<semaphore_mem>>)
      %dma_start3A_51 = arith.constant 0 : i32
      %dma_start3A_52 = arith.constant 0 : i32
      %dma_start3A_53 = tpu.memref_slice %arg8[%dma_start3A_51, %dma_start3A_52] : memref<40x128xi32, #tpu.memory_space<vmem>> -> memref<1x128xi32, #tpu.memory_space<vmem>>
      %dma_start3A_54 = tpu.memref_squeeze %dma_start3A_53 : memref<1x128xi32, #tpu.memory_space<vmem>> -> memref<128xi32, #tpu.memory_space<vmem>>
      %dma_start3A_55 = arith.constant 0 : i32
      %dma_start3A_56 = arith.constant 0 : i32
      %dma_start3A_57 = tpu.memref_slice %arg3[%arg0, %dma_start3A_55, %dma_start3A_56] : memref<2x10240x64xbf16, #tpu.memory_space<hbm>> -> memref<1x10240x64xbf16, #tpu.memory_space<hbm>>
      %dma_start3A_58 = tpu.memref_squeeze %dma_start3A_57 : memref<1x10240x64xbf16, #tpu.memory_space<hbm>> -> memref<10240x64xbf16, #tpu.memory_space<hbm>>
      %dma_start3A_59 = arith.constant 0 : i32
      %dma_start3A_60 = arith.constant 0 : i32
      %dma_start3A_61 = tpu.memref_slice %dma_start3A_58[%dma_start3A_59, %dma_start3A_60] : memref<10240x64xbf16, #tpu.memory_space<hbm>> -> memref<10240x64xbf16, #tpu.memory_space<hbm>>
      tpu.enqueue_indirect_dma source(%dma_start3A_61 : memref<10240x64xbf16, #tpu.memory_space<hbm>>) target(%arg11 : memref<128x64xbf16, #tpu.memory_space<vmem>>) offsets(%dma_start3A_54 : memref<128xi32, #tpu.memory_space<vmem>>) semaphore(%arg18 : memref<!tpu.dma_semaphore, #tpu.memory_space<semaphore_mem>>)
      %dma_start3A_62 = arith.constant 1 : i32
      %dma_start3A_63 = arith.constant 0 : i32
      %dma_start3A_64 = tpu.memref_slice %arg7[%dma_start3A_62, %dma_start3A_63] : memref<40x128xi32, #tpu.memory_space<vmem>> -> memref<1x128xi32, #tpu.memory_space<vmem>>
      %dma_start3A_65 = tpu.memref_squeeze %dma_start3A_64 : memref<1x128xi32, #tpu.memory_space<vmem>> -> memref<128xi32, #tpu.memory_space<vmem>>
      %dma_start3A_66 = arith.constant 0 : i32
      %dma_start3A_67 = arith.constant 0 : i32
      %dma_start3A_68 = tpu.memref_slice %arg2[%arg0, %dma_start3A_66, %dma_start3A_67] : memref<2x10240x64xbf16, #tpu.memory_space<hbm>> -> memref<1x10240x64xbf16, #tpu.memory_space<hbm>>
      %dma_start3A_69 = tpu.memref_squeeze %dma_start3A_68 : memref<1x10240x64xbf16, #tpu.memory_space<hbm>> -> memref<10240x64xbf16, #tpu.memory_space<hbm>>
      %dma_start3A_70 = arith.constant 0 : i32
      %dma_start3A_71 = arith.constant 0 : i32
      %dma_start3A_72 = tpu.memref_slice %dma_start3A_69[%dma_start3A_70, %dma_start3A_71] : memref<10240x64xbf16, #tpu.memory_space<hbm>> -> memref<10240x64xbf16, #tpu.memory_space<hbm>>
      tpu.enqueue_indirect_dma source(%dma_start3A_72 : memref<10240x64xbf16, #tpu.memory_space<hbm>>) target(%arg10 : memref<128x64xbf16, #tpu.memory_space<vmem>>) offsets(%dma_start3A_65 : memref<128xi32, #tpu.memory_space<vmem>>) semaphore(%arg17 : memref<!tpu.dma_semaphore, #tpu.memory_space<semaphore_mem>>)
      %dma_start3A_73 = arith.constant 1 : i32
      %dma_start3A_74 = arith.constant 0 : i32
      %dma_start3A_75 = tpu.memref_slice %arg8[%dma_start3A_73, %dma_start3A_74] : memref<40x128xi32, #tpu.memory_space<vmem>> -> memref<1x128xi32, #tpu.memory_space<vmem>>
      %dma_start3A_76 = tpu.memref_squeeze %dma_start3A_75 : memref<1x128xi32, #tpu.memory_space<vmem>> -> memref<128xi32, #tpu.memory_space<vmem>>
      %dma_start3A_77 = arith.constant 0 : i32
      %dma_start3A_78 = arith.constant 0 : i32
      %dma_start3A_79 = tpu.memref_slice %arg3[%arg0, %dma_start3A_77, %dma_start3A_78] : memref<2x10240x64xbf16, #tpu.memory_space<hbm>> -> memref<1x10240x64xbf16, #tpu.memory_space<hbm>>
      %dma_start3A_80 = tpu.memref_squeeze %dma_start3A_79 : memref<1x10240x64xbf16, #tpu.memory_space<hbm>> -> memref<10240x64xbf16, #tpu.memory_space<hbm>>
      %dma_start3A_81 = arith.constant 0 : i32
      %dma_start3A_82 = arith.constant 0 : i32
      %dma_start3A_83 = tpu.memref_slice %dma_start3A_80[%dma_start3A_81, %dma_start3A_82] : memref<10240x64xbf16, #tpu.memory_space<hbm>> -> memref<10240x64xbf16, #tpu.memory_space<hbm>>
      tpu.enqueue_indirect_dma source(%dma_start3A_83 : memref<10240x64xbf16, #tpu.memory_space<hbm>>) target(%arg12 : memref<128x64xbf16, #tpu.memory_space<vmem>>) offsets(%dma_start3A_76 : memref<128xi32, #tpu.memory_space<vmem>>) semaphore(%arg19 : memref<!tpu.dma_semaphore, #tpu.memory_space<semaphore_mem>>)
      %dma_wait3A = arith.constant 0 : i32
      %dma_wait3A_84 = arith.constant 0 : i32
      %dma_wait3A_85 = tpu.memref_slice %arg7[%dma_wait3A, %dma_wait3A_84] : memref<40x128xi32, #tpu.memory_space<vmem>> -> memref<1x128xi32, #tpu.memory_space<vmem>>
      %dma_wait3A_86 = tpu.memref_squeeze %dma_wait3A_85 : memref<1x128xi32, #tpu.memory_space<vmem>> -> memref<128xi32, #tpu.memory_space<vmem>>
      %dma_wait3A_87 = arith.constant 0 : i32
      %dma_wait3A_88 = arith.constant 0 : i32
      %dma_wait3A_89 = tpu.memref_slice %arg2[%arg0, %dma_wait3A_87, %dma_wait3A_88] : memref<2x10240x64xbf16, #tpu.memory_space<hbm>> -> memref<1x10240x64xbf16, #tpu.memory_space<hbm>>
      %dma_wait3A_90 = tpu.memref_squeeze %dma_wait3A_89 : memref<1x10240x64xbf16, #tpu.memory_space<hbm>> -> memref<10240x64xbf16, #tpu.memory_space<hbm>>
      %dma_wait3A_91 = arith.constant 0 : i32
      %dma_wait3A_92 = arith.constant 0 : i32
      %dma_wait3A_93 = tpu.memref_slice %dma_wait3A_90[%dma_wait3A_91, %dma_wait3A_92] : memref<10240x64xbf16, #tpu.memory_space<hbm>> -> memref<10240x64xbf16, #tpu.memory_space<hbm>>
      tpu.wait_indirect_dma semaphore(%arg16 : memref<!tpu.dma_semaphore, #tpu.memory_space<semaphore_mem>>) src(%dma_wait3A_93 : memref<10240x64xbf16, #tpu.memory_space<hbm>>) dst(%arg9 : memref<128x64xbf16, #tpu.memory_space<vmem>>)
      %dma_wait3A_94 = arith.constant 0 : i32
      %dma_wait3A_95 = arith.constant 0 : i32
      %dma_wait3A_96 = tpu.memref_slice %arg8[%dma_wait3A_94, %dma_wait3A_95] : memref<40x128xi32, #tpu.memory_space<vmem>> -> memref<1x128xi32, #tpu.memory_space<vmem>>
      %dma_wait3A_97 = tpu.memref_squeeze %dma_wait3A_96 : memref<1x128xi32, #tpu.memory_space<vmem>> -> memref<128xi32, #tpu.memory_space<vmem>>
      %dma_wait3A_98 = arith.constant 0 : i32
      %dma_wait3A_99 = arith.constant 0 : i32
      %dma_wait3A_100 = tpu.memref_slice %arg3[%arg0, %dma_wait3A_98, %dma_wait3A_99] : memref<2x10240x64xbf16, #tpu.memory_space<hbm>> -> memref<1x10240x64xbf16, #tpu.memory_space<hbm>>
      %dma_wait3A_101 = tpu.memref_squeeze %dma_wait3A_100 : memref<1x10240x64xbf16, #tpu.memory_space<hbm>> -> memref<10240x64xbf16, #tpu.memory_space<hbm>>
      %dma_wait3A_102 = arith.constant 0 : i32
      %dma_wait3A_103 = arith.constant 0 : i32
      %dma_wait3A_104 = tpu.memref_slice %dma_wait3A_101[%dma_wait3A_102, %dma_wait3A_103] : memref<10240x64xbf16, #tpu.memory_space<hbm>> -> memref<10240x64xbf16, #tpu.memory_space<hbm>>
      tpu.wait_indirect_dma semaphore(%arg18 : memref<!tpu.dma_semaphore, #tpu.memory_space<semaphore_mem>>) src(%dma_wait3A_104 : memref<10240x64xbf16, #tpu.memory_space<hbm>>) dst(%arg11 : memref<128x64xbf16, #tpu.memory_space<vmem>>)
      %broadcast_in_dim3A_105 = arith.constant -65536 : i32
      %broadcast_in_dim3A_106 = vector.broadcast %broadcast_in_dim3A_105 : i32 to vector<16xi32>
      %parallel_loop3A = arith.constant 0 : i32
      %parallel_loop3A_107 = arith.constant 128 : i32
      %parallel_loop3A_108 = arith.constant 1 : i32
      scf.for %parallel_loop3A_298 = %parallel_loop3A to %parallel_loop3A_107 step %parallel_loop3A_108  : i32 {
        %parallel_loop3A_299 = arith.index_cast %parallel_loop3A_298 : i32 to index
        %parallel_loop3A_300 = arith.constant 0 : index
        %parallel_loop3A_301 = tpu.vector_load %arg9[%parallel_loop3A_299, %parallel_loop3A_300] {strides = array<i32>} : memref<128x64xbf16, #tpu.memory_space<vmem>>, vector<32xbf16>,
        %parallel_loop3A_302 = vector.bitcast %parallel_loop3A_301 : vector<32xbf16> to vector<16xi32>
        %parallel_loop3A_303 = arith.index_cast %parallel_loop3A_298 : i32 to index
        %parallel_loop3A_304 = arith.constant 0 : index
        %parallel_loop3A_305 = tpu.vector_load %arg11[%parallel_loop3A_303, %parallel_loop3A_304] {strides = array<i32>} : memref<128x64xbf16, #tpu.memory_space<vmem>>, vector<32xbf16>,
        %parallel_loop3A_306 = vector.bitcast %parallel_loop3A_305 : vector<32xbf16> to vector<16xi32>
        %parallel_loop3A_307 = arith.constant 16 : i32
        %parallel_loop3A_308 = vector.broadcast %parallel_loop3A_307 : i32 to vector<16xi32>
        %parallel_loop3A_309 = arith.shli %parallel_loop3A_302, %parallel_loop3A_308 : vector<16xi32>
        %parallel_loop3A_310 = vector.bitcast %parallel_loop3A_309 : vector<16xi32> to vector<16xf32>
        %parallel_loop3A_311 = arith.constant 16 : i32
        %parallel_loop3A_312 = vector.broadcast %parallel_loop3A_311 : i32 to vector<16xi32>
        %parallel_loop3A_313 = arith.shli %parallel_loop3A_306, %parallel_loop3A_312 : vector<16xi32>
        %parallel_loop3A_314 = vector.bitcast %parallel_loop3A_313 : vector<16xi32> to vector<16xf32>
        %parallel_loop3A_315 = arith.andi %parallel_loop3A_302, %broadcast_in_dim3A_106 : vector<16xi32>
        %parallel_loop3A_316 = vector.bitcast %parallel_loop3A_315 : vector<16xi32> to vector<16xf32>
        %parallel_loop3A_317 = arith.andi %parallel_loop3A_306, %broadcast_in_dim3A_106 : vector<16xi32>
        %parallel_loop3A_318 = vector.bitcast %parallel_loop3A_317 : vector<16xi32> to vector<16xf32>
        %parallel_loop3A_319 = arith.addf %parallel_loop3A_310, %parallel_loop3A_314 : vector<16xf32>
        %parallel_loop3A_320 = arith.constant 0.000000e+00 : f32
        %parallel_loop3A_321 = vector.broadcast %parallel_loop3A_320 : f32 to vector<16xf32>
        %parallel_loop3A_322 = arith.maximumf %parallel_loop3A_319, %parallel_loop3A_321 : vector<16xf32>
        %parallel_loop3A_323 = arith.index_cast %parallel_loop3A_298 : i32 to index
        %parallel_loop3A_324 = arith.constant 0 : index
        %parallel_loop3A_325 = tpu.vector_load %arg13[%parallel_loop3A_323, %parallel_loop3A_324] {strides = array<i32>} : memref<128x64xf32, #tpu.memory_space<vmem>>, vector<16xf32>,
        tpu.vector_store %arg13[%parallel_loop3A_323, %parallel_loop3A_324], %parallel_loop3A_322 {strides = array<i32>} : memref<128x64xf32, #tpu.memory_space<vmem>>, vector<16xf32>,
        %parallel_loop3A_326 = arith.addf %parallel_loop3A_316, %parallel_loop3A_318 : vector<16xf32>
        %parallel_loop3A_327 = arith.constant 0.000000e+00 : f32
        %parallel_loop3A_328 = vector.broadcast %parallel_loop3A_327 : f32 to vector<16xf32>
        %parallel_loop3A_329 = arith.maximumf %parallel_loop3A_326, %parallel_loop3A_328 : vector<16xf32>
        %parallel_loop3A_330 = arith.index_cast %parallel_loop3A_298 : i32 to index
        %parallel_loop3A_331 = arith.constant 16 : index
        %parallel_loop3A_332 = tpu.vector_load %arg13[%parallel_loop3A_330, %parallel_loop3A_331] {strides = array<i32>} : memref<128x64xf32, #tpu.memory_space<vmem>>, vector<16xf32>,
        tpu.vector_store %arg13[%parallel_loop3A_330, %parallel_loop3A_331], %parallel_loop3A_329 {strides = array<i32>} : memref<128x64xf32, #tpu.memory_space<vmem>>, vector<16xf32>,
        %parallel_loop3A_333 = arith.index_cast %parallel_loop3A_298 : i32 to index
        %parallel_loop3A_334 = arith.constant 32 : index
        %parallel_loop3A_335 = tpu.vector_load %arg9[%parallel_loop3A_333, %parallel_loop3A_334] {strides = array<i32>} : memref<128x64xbf16, #tpu.memory_space<vmem>>, vector<32xbf16>,
        %parallel_loop3A_336 = vector.bitcast %parallel_loop3A_335 : vector<32xbf16> to vector<16xi32>
        %parallel_loop3A_337 = arith.index_cast %parallel_loop3A_298 : i32 to index
        %parallel_loop3A_338 = arith.constant 32 : index
        %parallel_loop3A_339 = tpu.vector_load %arg11[%parallel_loop3A_337, %parallel_loop3A_338] {strides = array<i32>} : memref<128x64xbf16, #tpu.memory_space<vmem>>, vector<32xbf16>,
        %parallel_loop3A_340 = vector.bitcast %parallel_loop3A_339 : vector<32xbf16> to vector<16xi32>
        %parallel_loop3A_341 = arith.constant 16 : i32
        %parallel_loop3A_342 = vector.broadcast %parallel_loop3A_341 : i32 to vector<16xi32>
        %parallel_loop3A_343 = arith.shli %parallel_loop3A_336, %parallel_loop3A_342 : vector<16xi32>
        %parallel_loop3A_344 = vector.bitcast %parallel_loop3A_343 : vector<16xi32> to vector<16xf32>
        %parallel_loop3A_345 = arith.constant 16 : i32
        %parallel_loop3A_346 = vector.broadcast %parallel_loop3A_345 : i32 to vector<16xi32>
        %parallel_loop3A_347 = arith.shli %parallel_loop3A_340, %parallel_loop3A_346 : vector<16xi32>
        %parallel_loop3A_348 = vector.bitcast %parallel_loop3A_347 : vector<16xi32> to vector<16xf32>
        %parallel_loop3A_349 = arith.andi %parallel_loop3A_336, %broadcast_in_dim3A_106 : vector<16xi32>
        %parallel_loop3A_350 = vector.bitcast %parallel_loop3A_349 : vector<16xi32> to vector<16xf32>
        %parallel_loop3A_351 = arith.andi %parallel_loop3A_340, %broadcast_in_dim3A_106 : vector<16xi32>
        %parallel_loop3A_352 = vector.bitcast %parallel_loop3A_351 : vector<16xi32> to vector<16xf32>
        %parallel_loop3A_353 = arith.addf %parallel_loop3A_344, %parallel_loop3A_348 : vector<16xf32>
        %parallel_loop3A_354 = arith.constant 0.000000e+00 : f32
        %parallel_loop3A_355 = vector.broadcast %parallel_loop3A_354 : f32 to vector<16xf32>
        %parallel_loop3A_356 = arith.maximumf %parallel_loop3A_353, %parallel_loop3A_355 : vector<16xf32>
        %parallel_loop3A_357 = arith.index_cast %parallel_loop3A_298 : i32 to index
        %parallel_loop3A_358 = arith.constant 32 : index
        %parallel_loop3A_359 = tpu.vector_load %arg13[%parallel_loop3A_357, %parallel_loop3A_358] {strides = array<i32>} : memref<128x64xf32, #tpu.memory_space<vmem>>, vector<16xf32>,
        tpu.vector_store %arg13[%parallel_loop3A_357, %parallel_loop3A_358], %parallel_loop3A_356 {strides = array<i32>} : memref<128x64xf32, #tpu.memory_space<vmem>>, vector<16xf32>,
        %parallel_loop3A_360 = arith.addf %parallel_loop3A_350, %parallel_loop3A_352 : vector<16xf32>
        %parallel_loop3A_361 = arith.constant 0.000000e+00 : f32
        %parallel_loop3A_362 = vector.broadcast %parallel_loop3A_361 : f32 to vector<16xf32>
        %parallel_loop3A_363 = arith.maximumf %parallel_loop3A_360, %parallel_loop3A_362 : vector<16xf32>
        %parallel_loop3A_364 = arith.index_cast %parallel_loop3A_298 : i32 to index
        %parallel_loop3A_365 = arith.constant 48 : index
        %parallel_loop3A_366 = tpu.vector_load %arg13[%parallel_loop3A_364, %parallel_loop3A_365] {strides = array<i32>} : memref<128x64xf32, #tpu.memory_space<vmem>>, vector<16xf32>,
        tpu.vector_store %arg13[%parallel_loop3A_364, %parallel_loop3A_365], %parallel_loop3A_363 {strides = array<i32>} : memref<128x64xf32, #tpu.memory_space<vmem>>, vector<16xf32>,
      } {sc.loop_unroll_factor = 4 : i64, sc.parallel_access}
      %dma_start3A_109 = arith.constant 0 : i32
      %dma_start3A_110 = arith.constant 0 : i32
      %dma_start3A_111 = tpu.memref_slice %arg8[%dma_start3A_109, %dma_start3A_110] : memref<40x128xi32, #tpu.memory_space<vmem>> -> memref<1x128xi32, #tpu.memory_space<vmem>>
      %dma_start3A_112 = tpu.memref_squeeze %dma_start3A_111 : memref<1x128xi32, #tpu.memory_space<vmem>> -> memref<128xi32, #tpu.memory_space<vmem>>
      %dma_start3A_113 = arith.constant 0 : i32
      %dma_start3A_114 = arith.constant 0 : i32
      %dma_start3A_115 = tpu.memref_slice %arg15[%dma_start3A_113, %dma_start3A_114] : memref<10240x64xf32, #tpu.memory_space<vmem_shared>> -> memref<10240x64xf32, #tpu.memory_space<vmem_shared>>
      tpu.enqueue_indirect_dma source(%arg13 : memref<128x64xf32, #tpu.memory_space<vmem>>) target(%dma_start3A_115 : memref<10240x64xf32, #tpu.memory_space<vmem_shared>>) offsets(%dma_start3A_112 : memref<128xi32, #tpu.memory_space<vmem>>) semaphore(%arg20 : memref<!tpu.dma_semaphore, #tpu.memory_space<semaphore_mem>>) {add = true}
      %dma_start3A_116 = arith.constant 2 : i32
      %dma_start3A_117 = arith.constant 0 : i32
      %dma_start3A_118 = tpu.memref_slice %arg7[%dma_start3A_116, %dma_start3A_117] : memref<40x128xi32, #tpu.memory_space<vmem>> -> memref<1x128xi32, #tpu.memory_space<vmem>>
      %dma_start3A_119 = tpu.memref_squeeze %dma_start3A_118 : memref<1x128xi32, #tpu.memory_space<vmem>> -> memref<128xi32, #tpu.memory_space<vmem>>
      %dma_start3A_120 = arith.constant 0 : i32
      %dma_start3A_121 = arith.constant 0 : i32
      %dma_start3A_122 = tpu.memref_slice %arg2[%arg0, %dma_start3A_120, %dma_start3A_121] : memref<2x10240x64xbf16, #tpu.memory_space<hbm>> -> memref<1x10240x64xbf16, #tpu.memory_space<hbm>>
      %dma_start3A_123 = tpu.memref_squeeze %dma_start3A_122 : memref<1x10240x64xbf16, #tpu.memory_space<hbm>> -> memref<10240x64xbf16, #tpu.memory_space<hbm>>
      %dma_start3A_124 = arith.constant 0 : i32
      %dma_start3A_125 = arith.constant 0 : i32
      %dma_start3A_126 = tpu.memref_slice %dma_start3A_123[%dma_start3A_124, %dma_start3A_125] : memref<10240x64xbf16, #tpu.memory_space<hbm>> -> memref<10240x64xbf16, #tpu.memory_space<hbm>>
      tpu.enqueue_indirect_dma source(%dma_start3A_126 : memref<10240x64xbf16, #tpu.memory_space<hbm>>) target(%arg9 : memref<128x64xbf16, #tpu.memory_space<vmem>>) offsets(%dma_start3A_119 : memref<128xi32, #tpu.memory_space<vmem>>) semaphore(%arg16 : memref<!tpu.dma_semaphore, #tpu.memory_space<semaphore_mem>>)
      %dma_start3A_127 = arith.constant 2 : i32
      %dma_start3A_128 = arith.constant 0 : i32
      %dma_start3A_129 = tpu.memref_slice %arg8[%dma_start3A_127, %dma_start3A_128] : memref<40x128xi32, #tpu.memory_space<vmem>> -> memref<1x128xi32, #tpu.memory_space<vmem>>
      %dma_start3A_130 = tpu.memref_squeeze %dma_start3A_129 : memref<1x128xi32, #tpu.memory_space<vmem>> -> memref<128xi32, #tpu.memory_space<vmem>>
      %dma_start3A_131 = arith.constant 0 : i32
      %dma_start3A_132 = arith.constant 0 : i32
      %dma_start3A_133 = tpu.memref_slice %arg3[%arg0, %dma_start3A_131, %dma_start3A_132] : memref<2x10240x64xbf16, #tpu.memory_space<hbm>> -> memref<1x10240x64xbf16, #tpu.memory_space<hbm>>
      %dma_start3A_134 = tpu.memref_squeeze %dma_start3A_133 : memref<1x10240x64xbf16, #tpu.memory_space<hbm>> -> memref<10240x64xbf16, #tpu.memory_space<hbm>>
      %dma_start3A_135 = arith.constant 0 : i32
      %dma_start3A_136 = arith.constant 0 : i32
      %dma_start3A_137 = tpu.memref_slice %dma_start3A_134[%dma_start3A_135, %dma_start3A_136] : memref<10240x64xbf16, #tpu.memory_space<hbm>> -> memref<10240x64xbf16, #tpu.memory_space<hbm>>
      tpu.enqueue_indirect_dma source(%dma_start3A_137 : memref<10240x64xbf16, #tpu.memory_space<hbm>>) target(%arg11 : memref<128x64xbf16, #tpu.memory_space<vmem>>) offsets(%dma_start3A_130 : memref<128xi32, #tpu.memory_space<vmem>>) semaphore(%arg18 : memref<!tpu.dma_semaphore, #tpu.memory_space<semaphore_mem>>)
      %dma_wait3A_138 = arith.constant 1 : i32
      %dma_wait3A_139 = arith.constant 0 : i32
      %dma_wait3A_140 = tpu.memref_slice %arg7[%dma_wait3A_138, %dma_wait3A_139] : memref<40x128xi32, #tpu.memory_space<vmem>> -> memref<1x128xi32, #tpu.memory_space<vmem>>
      %dma_wait3A_141 = tpu.memref_squeeze %dma_wait3A_140 : memref<1x128xi32, #tpu.memory_space<vmem>> -> memref<128xi32, #tpu.memory_space<vmem>>
      %dma_wait3A_142 = arith.constant 0 : i32
      %dma_wait3A_143 = arith.constant 0 : i32
      %dma_wait3A_144 = tpu.memref_slice %arg2[%arg0, %dma_wait3A_142, %dma_wait3A_143] : memref<2x10240x64xbf16, #tpu.memory_space<hbm>> -> memref<1x10240x64xbf16, #tpu.memory_space<hbm>>
      %dma_wait3A_145 = tpu.memref_squeeze %dma_wait3A_144 : memref<1x10240x64xbf16, #tpu.memory_space<hbm>> -> memref<10240x64xbf16, #tpu.memory_space<hbm>>
      %dma_wait3A_146 = arith.constant 0 : i32
      %dma_wait3A_147 = arith.constant 0 : i32
      %dma_wait3A_148 = tpu.memref_slice %dma_wait3A_145[%dma_wait3A_146, %dma_wait3A_147] : memref<10240x64xbf16, #tpu.memory_space<hbm>> -> memref<10240x64xbf16, #tpu.memory_space<hbm>>
      tpu.wait_indirect_dma semaphore(%arg17 : memref<!tpu.dma_semaphore, #tpu.memory_space<semaphore_mem>>) src(%dma_wait3A_148 : memref<10240x64xbf16, #tpu.memory_space<hbm>>) dst(%arg10 : memref<128x64xbf16, #tpu.memory_space<vmem>>)
      %dma_wait3A_149 = arith.constant 1 : i32
      %dma_wait3A_150 = arith.constant 0 : i32
      %dma_wait3A_151 = tpu.memref_slice %arg8[%dma_wait3A_149, %dma_wait3A_150] : memref<40x128xi32, #tpu.memory_space<vmem>> -> memref<1x128xi32, #tpu.memory_space<vmem>>
      %dma_wait3A_152 = tpu.memref_squeeze %dma_wait3A_151 : memref<1x128xi32, #tpu.memory_space<vmem>> -> memref<128xi32, #tpu.memory_space<vmem>>
      %dma_wait3A_153 = arith.constant 0 : i32
      %dma_wait3A_154 = arith.constant 0 : i32
      %dma_wait3A_155 = tpu.memref_slice %arg3[%arg0, %dma_wait3A_153, %dma_wait3A_154] : memref<2x10240x64xbf16, #tpu.memory_space<hbm>> -> memref<1x10240x64xbf16, #tpu.memory_space<hbm>>
      %dma_wait3A_156 = tpu.memref_squeeze %dma_wait3A_155 : memref<1x10240x64xbf16, #tpu.memory_space<hbm>> -> memref<10240x64xbf16, #tpu.memory_space<hbm>>
      %dma_wait3A_157 = arith.constant 0 : i32
      %dma_wait3A_158 = arith.constant 0 : i32
      %dma_wait3A_159 = tpu.memref_slice %dma_wait3A_156[%dma_wait3A_157, %dma_wait3A_158] : memref<10240x64xbf16, #tpu.memory_space<hbm>> -> memref<10240x64xbf16, #tpu.memory_space<hbm>>
      tpu.wait_indirect_dma semaphore(%arg19 : memref<!tpu.dma_semaphore, #tpu.memory_space<semaphore_mem>>) src(%dma_wait3A_159 : memref<10240x64xbf16, #tpu.memory_space<hbm>>) dst(%arg12 : memref<128x64xbf16, #tpu.memory_space<vmem>>)
      %broadcast_in_dim3A_160 = arith.constant -65536 : i32
      %broadcast_in_dim3A_161 = vector.broadcast %broadcast_in_dim3A_160 : i32 to vector<16xi32>
      %parallel_loop3A_162 = arith.constant 0 : i32
      %parallel_loop3A_163 = arith.constant 128 : i32
      %parallel_loop3A_164 = arith.constant 1 : i32
      scf.for %parallel_loop3A_298 = %parallel_loop3A_162 to %parallel_loop3A_163 step %parallel_loop3A_164  : i32 {
        %parallel_loop3A_299 = arith.index_cast %parallel_loop3A_298 : i32 to index
        %parallel_loop3A_300 = arith.constant 0 : index
        %parallel_loop3A_301 = tpu.vector_load %arg10[%parallel_loop3A_299, %parallel_loop3A_300] {strides = array<i32>} : memref<128x64xbf16, #tpu.memory_space<vmem>>, vector<32xbf16>,
        %parallel_loop3A_302 = vector.bitcast %parallel_loop3A_301 : vector<32xbf16> to vector<16xi32>
        %parallel_loop3A_303 = arith.index_cast %parallel_loop3A_298 : i32 to index
        %parallel_loop3A_304 = arith.constant 0 : index
        %parallel_loop3A_305 = tpu.vector_load %arg12[%parallel_loop3A_303, %parallel_loop3A_304] {strides = array<i32>} : memref<128x64xbf16, #tpu.memory_space<vmem>>, vector<32xbf16>,
        %parallel_loop3A_306 = vector.bitcast %parallel_loop3A_305 : vector<32xbf16> to vector<16xi32>
        %parallel_loop3A_307 = arith.constant 16 : i32
        %parallel_loop3A_308 = vector.broadcast %parallel_loop3A_307 : i32 to vector<16xi32>
        %parallel_loop3A_309 = arith.shli %parallel_loop3A_302, %parallel_loop3A_308 : vector<16xi32>
        %parallel_loop3A_310 = vector.bitcast %parallel_loop3A_309 : vector<16xi32> to vector<16xf32>
        %parallel_loop3A_311 = arith.constant 16 : i32
        %parallel_loop3A_312 = vector.broadcast %parallel_loop3A_311 : i32 to vector<16xi32>
        %parallel_loop3A_313 = arith.shli %parallel_loop3A_306, %parallel_loop3A_312 : vector<16xi32>
        %parallel_loop3A_314 = vector.bitcast %parallel_loop3A_313 : vector<16xi32> to vector<16xf32>
        %parallel_loop3A_315 = arith.andi %parallel_loop3A_302, %broadcast_in_dim3A_161 : vector<16xi32>
        %parallel_loop3A_316 = vector.bitcast %parallel_loop3A_315 : vector<16xi32> to vector<16xf32>
        %parallel_loop3A_317 = arith.andi %parallel_loop3A_306, %broadcast_in_dim3A_161 : vector<16xi32>
        %parallel_loop3A_318 = vector.bitcast %parallel_loop3A_317 : vector<16xi32> to vector<16xf32>
        %parallel_loop3A_319 = arith.addf %parallel_loop3A_310, %parallel_loop3A_314 : vector<16xf32>
        %parallel_loop3A_320 = arith.constant 0.000000e+00 : f32
        %parallel_loop3A_321 = vector.broadcast %parallel_loop3A_320 : f32 to vector<16xf32>
        %parallel_loop3A_322 = arith.maximumf %parallel_loop3A_319, %parallel_loop3A_321 : vector<16xf32>
        %parallel_loop3A_323 = arith.index_cast %parallel_loop3A_298 : i32 to index
        %parallel_loop3A_324 = arith.constant 0 : index
        %parallel_loop3A_325 = tpu.vector_load %arg14[%parallel_loop3A_323, %parallel_loop3A_324] {strides = array<i32>} : memref<128x64xf32, #tpu.memory_space<vmem>>, vector<16xf32>,
        tpu.vector_store %arg14[%parallel_loop3A_323, %parallel_loop3A_324], %parallel_loop3A_322 {strides = array<i32>} : memref<128x64xf32, #tpu.memory_space<vmem>>, vector<16xf32>,
        %parallel_loop3A_326 = arith.addf %parallel_loop3A_316, %parallel_loop3A_318 : vector<16xf32>
        %parallel_loop3A_327 = arith.constant 0.000000e+00 : f32
        %parallel_loop3A_328 = vector.broadcast %parallel_loop3A_327 : f32 to vector<16xf32>
        %parallel_loop3A_329 = arith.maximumf %parallel_loop3A_326, %parallel_loop3A_328 : vector<16xf32>
        %parallel_loop3A_330 = arith.index_cast %parallel_loop3A_298 : i32 to index
        %parallel_loop3A_331 = arith.constant 16 : index
        %parallel_loop3A_332 = tpu.vector_load %arg14[%parallel_loop3A_330, %parallel_loop3A_331] {strides = array<i32>} : memref<128x64xf32, #tpu.memory_space<vmem>>, vector<16xf32>,
        tpu.vector_store %arg14[%parallel_loop3A_330, %parallel_loop3A_331], %parallel_loop3A_329 {strides = array<i32>} : memref<128x64xf32, #tpu.memory_space<vmem>>, vector<16xf32>,
        %parallel_loop3A_333 = arith.index_cast %parallel_loop3A_298 : i32 to index
        %parallel_loop3A_334 = arith.constant 32 : index
        %parallel_loop3A_335 = tpu.vector_load %arg10[%parallel_loop3A_333, %parallel_loop3A_334] {strides = array<i32>} : memref<128x64xbf16, #tpu.memory_space<vmem>>, vector<32xbf16>,
        %parallel_loop3A_336 = vector.bitcast %parallel_loop3A_335 : vector<32xbf16> to vector<16xi32>
        %parallel_loop3A_337 = arith.index_cast %parallel_loop3A_298 : i32 to index
        %parallel_loop3A_338 = arith.constant 32 : index
        %parallel_loop3A_339 = tpu.vector_load %arg12[%parallel_loop3A_337, %parallel_loop3A_338] {strides = array<i32>} : memref<128x64xbf16, #tpu.memory_space<vmem>>, vector<32xbf16>,
        %parallel_loop3A_340 = vector.bitcast %parallel_loop3A_339 : vector<32xbf16> to vector<16xi32>
        %parallel_loop3A_341 = arith.constant 16 : i32
        %parallel_loop3A_342 = vector.broadcast %parallel_loop3A_341 : i32 to vector<16xi32>
        %parallel_loop3A_343 = arith.shli %parallel_loop3A_336, %parallel_loop3A_342 : vector<16xi32>
        %parallel_loop3A_344 = vector.bitcast %parallel_loop3A_343 : vector<16xi32> to vector<16xf32>
        %parallel_loop3A_345 = arith.constant 16 : i32
        %parallel_loop3A_346 = vector.broadcast %parallel_loop3A_345 : i32 to vector<16xi32>
        %parallel_loop3A_347 = arith.shli %parallel_loop3A_340, %parallel_loop3A_346 : vector<16xi32>
        %parallel_loop3A_348 = vector.bitcast %parallel_loop3A_347 : vector<16xi32> to vector<16xf32>
        %parallel_loop3A_349 = arith.andi %parallel_loop3A_336, %broadcast_in_dim3A_161 : vector<16xi32>
        %parallel_loop3A_350 = vector.bitcast %parallel_loop3A_349 : vector<16xi32> to vector<16xf32>
        %parallel_loop3A_351 = arith.andi %parallel_loop3A_340, %broadcast_in_dim3A_161 : vector<16xi32>
        %parallel_loop3A_352 = vector.bitcast %parallel_loop3A_351 : vector<16xi32> to vector<16xf32>
        %parallel_loop3A_353 = arith.addf %parallel_loop3A_344, %parallel_loop3A_348 : vector<16xf32>
        %parallel_loop3A_354 = arith.constant 0.000000e+00 : f32
        %parallel_loop3A_355 = vector.broadcast %parallel_loop3A_354 : f32 to vector<16xf32>
        %parallel_loop3A_356 = arith.maximumf %parallel_loop3A_353, %parallel_loop3A_355 : vector<16xf32>
        %parallel_loop3A_357 = arith.index_cast %parallel_loop3A_298 : i32 to index
        %parallel_loop3A_358 = arith.constant 32 : index
        %parallel_loop3A_359 = tpu.vector_load %arg14[%parallel_loop3A_357, %parallel_loop3A_358] {strides = array<i32>} : memref<128x64xf32, #tpu.memory_space<vmem>>, vector<16xf32>,
        tpu.vector_store %arg14[%parallel_loop3A_357, %parallel_loop3A_358], %parallel_loop3A_356 {strides = array<i32>} : memref<128x64xf32, #tpu.memory_space<vmem>>, vector<16xf32>,
        %parallel_loop3A_360 = arith.addf %parallel_loop3A_350, %parallel_loop3A_352 : vector<16xf32>
        %parallel_loop3A_361 = arith.constant 0.000000e+00 : f32
        %parallel_loop3A_362 = vector.broadcast %parallel_loop3A_361 : f32 to vector<16xf32>
        %parallel_loop3A_363 = arith.maximumf %parallel_loop3A_360, %parallel_loop3A_362 : vector<16xf32>
        %parallel_loop3A_364 = arith.index_cast %parallel_loop3A_298 : i32 to index
        %parallel_loop3A_365 = arith.constant 48 : index
        %parallel_loop3A_366 = tpu.vector_load %arg14[%parallel_loop3A_364, %parallel_loop3A_365] {strides = array<i32>} : memref<128x64xf32, #tpu.memory_space<vmem>>, vector<16xf32>,
        tpu.vector_store %arg14[%parallel_loop3A_364, %parallel_loop3A_365], %parallel_loop3A_363 {strides = array<i32>} : memref<128x64xf32, #tpu.memory_space<vmem>>, vector<16xf32>,
      } {sc.loop_unroll_factor = 4 : i64, sc.parallel_access}
      %dma_start3A_165 = arith.constant 1 : i32
      %dma_start3A_166 = arith.constant 0 : i32
      %dma_start3A_167 = tpu.memref_slice %arg8[%dma_start3A_165, %dma_start3A_166] : memref<40x128xi32, #tpu.memory_space<vmem>> -> memref<1x128xi32, #tpu.memory_space<vmem>>
      %dma_start3A_168 = tpu.memref_squeeze %dma_start3A_167 : memref<1x128xi32, #tpu.memory_space<vmem>> -> memref<128xi32, #tpu.memory_space<vmem>>
      %dma_start3A_169 = arith.constant 0 : i32
      %dma_start3A_170 = arith.constant 0 : i32
      %dma_start3A_171 = tpu.memref_slice %arg15[%dma_start3A_169, %dma_start3A_170] : memref<10240x64xf32, #tpu.memory_space<vmem_shared>> -> memref<10240x64xf32, #tpu.memory_space<vmem_shared>>
      tpu.enqueue_indirect_dma source(%arg14 : memref<128x64xf32, #tpu.memory_space<vmem>>) target(%dma_start3A_171 : memref<10240x64xf32, #tpu.memory_space<vmem_shared>>) offsets(%dma_start3A_168 : memref<128xi32, #tpu.memory_space<vmem>>) semaphore(%arg21 : memref<!tpu.dma_semaphore, #tpu.memory_space<semaphore_mem>>) {add = true}
      %scan3A_172 = arith.constant 0 : i32
      %scan3A_173 = arith.constant 0 : i32
      %scan3A_174 = arith.constant 18 : i32
      %scan3A_175 = arith.addi %scan3A_173, %scan3A_174 : i32
      %scan3A_176 = arith.constant 1 : i32
      %scan3A_177 = scf.for %scan3A_298 = %scan3A_173 to %scan3A_175 step %scan3A_176 iter_args(%scan3A_299 = %scan3A_172) -> (i32)  : i32 {
        %mul3A_300 = arith.constant 2 : i32
        %mul3A_301 = arith.muli %scan3A_298, %mul3A_300 : i32
        %add3A_302 = arith.constant 2 : i32
        %add3A_303 = arith.addi %add3A_302, %mul3A_301 : i32
        %add3A_304 = arith.constant 1 : i32
        %add3A_305 = arith.addi %add3A_303, %add3A_304 : i32
        %dma_start3A_306 = arith.constant 0 : i32
        %dma_start3A_307 = tpu.memref_slice %arg7[%add3A_305, %dma_start3A_306] : memref<40x128xi32, #tpu.memory_space<vmem>> -> memref<1x128xi32, #tpu.memory_space<vmem>>
        %dma_start3A_308 = tpu.memref_squeeze %dma_start3A_307 : memref<1x128xi32, #tpu.memory_space<vmem>> -> memref<128xi32, #tpu.memory_space<vmem>>
        %dma_start3A_309 = arith.constant 0 : i32
        %dma_start3A_310 = arith.constant 0 : i32
        %dma_start3A_311 = tpu.memref_slice %arg2[%arg0, %dma_start3A_309, %dma_start3A_310] : memref<2x10240x64xbf16, #tpu.memory_space<hbm>> -> memref<1x10240x64xbf16, #tpu.memory_space<hbm>>
        %dma_start3A_312 = tpu.memref_squeeze %dma_start3A_311 : memref<1x10240x64xbf16, #tpu.memory_space<hbm>> -> memref<10240x64xbf16, #tpu.memory_space<hbm>>
        %dma_start3A_313 = arith.constant 0 : i32
        %dma_start3A_314 = arith.constant 0 : i32
        %dma_start3A_315 = tpu.memref_slice %dma_start3A_312[%dma_start3A_313, %dma_start3A_314] : memref<10240x64xbf16, #tpu.memory_space<hbm>> -> memref<10240x64xbf16, #tpu.memory_space<hbm>>
        tpu.enqueue_indirect_dma source(%dma_start3A_315 : memref<10240x64xbf16, #tpu.memory_space<hbm>>) target(%arg10 : memref<128x64xbf16, #tpu.memory_space<vmem>>) offsets(%dma_start3A_308 : memref<128xi32, #tpu.memory_space<vmem>>) semaphore(%arg17 : memref<!tpu.dma_semaphore, #tpu.memory_space<semaphore_mem>>)
        %dma_start3A_316 = arith.constant 0 : i32
        %dma_start3A_317 = tpu.memref_slice %arg8[%add3A_305, %dma_start3A_316] : memref<40x128xi32, #tpu.memory_space<vmem>> -> memref<1x128xi32, #tpu.memory_space<vmem>>
        %dma_start3A_318 = tpu.memref_squeeze %dma_start3A_317 : memref<1x128xi32, #tpu.memory_space<vmem>> -> memref<128xi32, #tpu.memory_space<vmem>>
        %dma_start3A_319 = arith.constant 0 : i32
        %dma_start3A_320 = arith.constant 0 : i32
        %dma_start3A_321 = tpu.memref_slice %arg3[%arg0, %dma_start3A_319, %dma_start3A_320] : memref<2x10240x64xbf16, #tpu.memory_space<hbm>> -> memref<1x10240x64xbf16, #tpu.memory_space<hbm>>
        %dma_start3A_322 = tpu.memref_squeeze %dma_start3A_321 : memref<1x10240x64xbf16, #tpu.memory_space<hbm>> -> memref<10240x64xbf16, #tpu.memory_space<hbm>>
        %dma_start3A_323 = arith.constant 0 : i32
        %dma_start3A_324 = arith.constant 0 : i32
        %dma_start3A_325 = tpu.memref_slice %dma_start3A_322[%dma_start3A_323, %dma_start3A_324] : memref<10240x64xbf16, #tpu.memory_space<hbm>> -> memref<10240x64xbf16, #tpu.memory_space<hbm>>
        tpu.enqueue_indirect_dma source(%dma_start3A_325 : memref<10240x64xbf16, #tpu.memory_space<hbm>>) target(%arg12 : memref<128x64xbf16, #tpu.memory_space<vmem>>) offsets(%dma_start3A_318 : memref<128xi32, #tpu.memory_space<vmem>>) semaphore(%arg19 : memref<!tpu.dma_semaphore, #tpu.memory_space<semaphore_mem>>)
        %dma_wait3A_326 = arith.constant 0 : i32
        %dma_wait3A_327 = tpu.memref_slice %arg7[%add3A_303, %dma_wait3A_326] : memref<40x128xi32, #tpu.memory_space<vmem>> -> memref<1x128xi32, #tpu.memory_space<vmem>>
        %dma_wait3A_328 = tpu.memref_squeeze %dma_wait3A_327 : memref<1x128xi32, #tpu.memory_space<vmem>> -> memref<128xi32, #tpu.memory_space<vmem>>
        %dma_wait3A_329 = arith.constant 0 : i32
        %dma_wait3A_330 = arith.constant 0 : i32
        %dma_wait3A_331 = tpu.memref_slice %arg2[%arg0, %dma_wait3A_329, %dma_wait3A_330] : memref<2x10240x64xbf16, #tpu.memory_space<hbm>> -> memref<1x10240x64xbf16, #tpu.memory_space<hbm>>
        %dma_wait3A_332 = tpu.memref_squeeze %dma_wait3A_331 : memref<1x10240x64xbf16, #tpu.memory_space<hbm>> -> memref<10240x64xbf16, #tpu.memory_space<hbm>>
        %dma_wait3A_333 = arith.constant 0 : i32
        %dma_wait3A_334 = arith.constant 0 : i32
        %dma_wait3A_335 = tpu.memref_slice %dma_wait3A_332[%dma_wait3A_333, %dma_wait3A_334] : memref<10240x64xbf16, #tpu.memory_space<hbm>> -> memref<10240x64xbf16, #tpu.memory_space<hbm>>
        tpu.wait_indirect_dma semaphore(%arg16 : memref<!tpu.dma_semaphore, #tpu.memory_space<semaphore_mem>>) src(%dma_wait3A_335 : memref<10240x64xbf16, #tpu.memory_space<hbm>>) dst(%arg9 : memref<128x64xbf16, #tpu.memory_space<vmem>>)
        %dma_wait3A_336 = arith.constant 0 : i32
        %dma_wait3A_337 = tpu.memref_slice %arg8[%add3A_303, %dma_wait3A_336] : memref<40x128xi32, #tpu.memory_space<vmem>> -> memref<1x128xi32, #tpu.memory_space<vmem>>
        %dma_wait3A_338 = tpu.memref_squeeze %dma_wait3A_337 : memref<1x128xi32, #tpu.memory_space<vmem>> -> memref<128xi32, #tpu.memory_space<vmem>>
        %dma_wait3A_339 = arith.constant 0 : i32
        %dma_wait3A_340 = arith.constant 0 : i32
        %dma_wait3A_341 = tpu.memref_slice %arg3[%arg0, %dma_wait3A_339, %dma_wait3A_340] : memref<2x10240x64xbf16, #tpu.memory_space<hbm>> -> memref<1x10240x64xbf16, #tpu.memory_space<hbm>>
        %dma_wait3A_342 = tpu.memref_squeeze %dma_wait3A_341 : memref<1x10240x64xbf16, #tpu.memory_space<hbm>> -> memref<10240x64xbf16, #tpu.memory_space<hbm>>
        %dma_wait3A_343 = arith.constant 0 : i32
        %dma_wait3A_344 = arith.constant 0 : i32
        %dma_wait3A_345 = tpu.memref_slice %dma_wait3A_342[%dma_wait3A_343, %dma_wait3A_344] : memref<10240x64xbf16, #tpu.memory_space<hbm>> -> memref<10240x64xbf16, #tpu.memory_space<hbm>>
        tpu.wait_indirect_dma semaphore(%arg18 : memref<!tpu.dma_semaphore, #tpu.memory_space<semaphore_mem>>) src(%dma_wait3A_345 : memref<10240x64xbf16, #tpu.memory_space<hbm>>) dst(%arg11 : memref<128x64xbf16, #tpu.memory_space<vmem>>)
        %dma_wait3A_346 = arith.constant 0 : i32
        %dma_wait3A_347 = arith.constant 0 : i32
        %dma_wait3A_348 = tpu.memref_slice %arg8[%dma_wait3A_346, %dma_wait3A_347] : memref<40x128xi32, #tpu.memory_space<vmem>> -> memref<1x128xi32, #tpu.memory_space<vmem>>
        %dma_wait3A_349 = tpu.memref_squeeze %dma_wait3A_348 : memref<1x128xi32, #tpu.memory_space<vmem>> -> memref<128xi32, #tpu.memory_space<vmem>>
        %dma_wait3A_350 = arith.constant 0 : i32
        %dma_wait3A_351 = arith.constant 0 : i32
        %dma_wait3A_352 = tpu.memref_slice %arg15[%dma_wait3A_350, %dma_wait3A_351] : memref<10240x64xf32, #tpu.memory_space<vmem_shared>> -> memref<10240x64xf32, #tpu.memory_space<vmem_shared>>
        tpu.wait_indirect_dma semaphore(%arg20 : memref<!tpu.dma_semaphore, #tpu.memory_space<semaphore_mem>>) src(%arg13 : memref<128x64xf32, #tpu.memory_space<vmem>>) dst(%dma_wait3A_352 : memref<10240x64xf32, #tpu.memory_space<vmem_shared>>)
        %broadcast_in_dim3A_353 = arith.constant -65536 : i32
        %broadcast_in_dim3A_354 = vector.broadcast %broadcast_in_dim3A_353 : i32 to vector<16xi32>
        %parallel_loop3A_355 = arith.constant 0 : i32
        %parallel_loop3A_356 = arith.constant 128 : i32
        %parallel_loop3A_357 = arith.constant 1 : i32
        scf.for %parallel_loop3A_427 = %parallel_loop3A_355 to %parallel_loop3A_356 step %parallel_loop3A_357  : i32 {
          %parallel_loop3A_428 = arith.index_cast %parallel_loop3A_427 : i32 to index
          %parallel_loop3A_429 = arith.constant 0 : index
          %parallel_loop3A_430 = tpu.vector_load %arg9[%parallel_loop3A_428, %parallel_loop3A_429] {strides = array<i32>} : memref<128x64xbf16, #tpu.memory_space<vmem>>, vector<32xbf16>,
          %parallel_loop3A_431 = vector.bitcast %parallel_loop3A_430 : vector<32xbf16> to vector<16xi32>
          %parallel_loop3A_432 = arith.index_cast %parallel_loop3A_427 : i32 to index
          %parallel_loop3A_433 = arith.constant 0 : index
          %parallel_loop3A_434 = tpu.vector_load %arg11[%parallel_loop3A_432, %parallel_loop3A_433] {strides = array<i32>} : memref<128x64xbf16, #tpu.memory_space<vmem>>, vector<32xbf16>,
          %parallel_loop3A_435 = vector.bitcast %parallel_loop3A_434 : vector<32xbf16> to vector<16xi32>
          %parallel_loop3A_436 = arith.constant 16 : i32
          %parallel_loop3A_437 = vector.broadcast %parallel_loop3A_436 : i32 to vector<16xi32>
          %parallel_loop3A_438 = arith.shli %parallel_loop3A_431, %parallel_loop3A_437 : vector<16xi32>
          %parallel_loop3A_439 = vector.bitcast %parallel_loop3A_438 : vector<16xi32> to vector<16xf32>
          %parallel_loop3A_440 = arith.constant 16 : i32
          %parallel_loop3A_441 = vector.broadcast %parallel_loop3A_440 : i32 to vector<16xi32>
          %parallel_loop3A_442 = arith.shli %parallel_loop3A_435, %parallel_loop3A_441 : vector<16xi32>
          %parallel_loop3A_443 = vector.bitcast %parallel_loop3A_442 : vector<16xi32> to vector<16xf32>
          %parallel_loop3A_444 = arith.andi %parallel_loop3A_431, %broadcast_in_dim3A_354 : vector<16xi32>
          %parallel_loop3A_445 = vector.bitcast %parallel_loop3A_444 : vector<16xi32> to vector<16xf32>
          %parallel_loop3A_446 = arith.andi %parallel_loop3A_435, %broadcast_in_dim3A_354 : vector<16xi32>
          %parallel_loop3A_447 = vector.bitcast %parallel_loop3A_446 : vector<16xi32> to vector<16xf32>
          %parallel_loop3A_448 = arith.addf %parallel_loop3A_439, %parallel_loop3A_443 : vector<16xf32>
          %parallel_loop3A_449 = arith.constant 0.000000e+00 : f32
          %parallel_loop3A_450 = vector.broadcast %parallel_loop3A_449 : f32 to vector<16xf32>
          %parallel_loop3A_451 = arith.maximumf %parallel_loop3A_448, %parallel_loop3A_450 : vector<16xf32>
          %parallel_loop3A_452 = arith.index_cast %parallel_loop3A_427 : i32 to index
          %parallel_loop3A_453 = arith.constant 0 : index
          %parallel_loop3A_454 = tpu.vector_load %arg13[%parallel_loop3A_452, %parallel_loop3A_453] {strides = array<i32>} : memref<128x64xf32, #tpu.memory_space<vmem>>, vector<16xf32>,
          tpu.vector_store %arg13[%parallel_loop3A_452, %parallel_loop3A_453], %parallel_loop3A_451 {strides = array<i32>} : memref<128x64xf32, #tpu.memory_space<vmem>>, vector<16xf32>,
          %parallel_loop3A_455 = arith.addf %parallel_loop3A_445, %parallel_loop3A_447 : vector<16xf32>
          %parallel_loop3A_456 = arith.constant 0.000000e+00 : f32
          %parallel_loop3A_457 = vector.broadcast %parallel_loop3A_456 : f32 to vector<16xf32>
          %parallel_loop3A_458 = arith.maximumf %parallel_loop3A_455, %parallel_loop3A_457 : vector<16xf32>
          %parallel_loop3A_459 = arith.index_cast %parallel_loop3A_427 : i32 to index
          %parallel_loop3A_460 = arith.constant 16 : index
          %parallel_loop3A_461 = tpu.vector_load %arg13[%parallel_loop3A_459, %parallel_loop3A_460] {strides = array<i32>} : memref<128x64xf32, #tpu.memory_space<vmem>>, vector<16xf32>,
          tpu.vector_store %arg13[%parallel_loop3A_459, %parallel_loop3A_460], %parallel_loop3A_458 {strides = array<i32>} : memref<128x64xf32, #tpu.memory_space<vmem>>, vector<16xf32>,
          %parallel_loop3A_462 = arith.index_cast %parallel_loop3A_427 : i32 to index
          %parallel_loop3A_463 = arith.constant 32 : index
          %parallel_loop3A_464 = tpu.vector_load %arg9[%parallel_loop3A_462, %parallel_loop3A_463] {strides = array<i32>} : memref<128x64xbf16, #tpu.memory_space<vmem>>, vector<32xbf16>,
          %parallel_loop3A_465 = vector.bitcast %parallel_loop3A_464 : vector<32xbf16> to vector<16xi32>
          %parallel_loop3A_466 = arith.index_cast %parallel_loop3A_427 : i32 to index
          %parallel_loop3A_467 = arith.constant 32 : index
          %parallel_loop3A_468 = tpu.vector_load %arg11[%parallel_loop3A_466, %parallel_loop3A_467] {strides = array<i32>} : memref<128x64xbf16, #tpu.memory_space<vmem>>, vector<32xbf16>,
          %parallel_loop3A_469 = vector.bitcast %parallel_loop3A_468 : vector<32xbf16> to vector<16xi32>
          %parallel_loop3A_470 = arith.constant 16 : i32
          %parallel_loop3A_471 = vector.broadcast %parallel_loop3A_470 : i32 to vector<16xi32>
          %parallel_loop3A_472 = arith.shli %parallel_loop3A_465, %parallel_loop3A_471 : vector<16xi32>
          %parallel_loop3A_473 = vector.bitcast %parallel_loop3A_472 : vector<16xi32> to vector<16xf32>
          %parallel_loop3A_474 = arith.constant 16 : i32
          %parallel_loop3A_475 = vector.broadcast %parallel_loop3A_474 : i32 to vector<16xi32>
          %parallel_loop3A_476 = arith.shli %parallel_loop3A_469, %parallel_loop3A_475 : vector<16xi32>
          %parallel_loop3A_477 = vector.bitcast %parallel_loop3A_476 : vector<16xi32> to vector<16xf32>
          %parallel_loop3A_478 = arith.andi %parallel_loop3A_465, %broadcast_in_dim3A_354 : vector<16xi32>
          %parallel_loop3A_479 = vector.bitcast %parallel_loop3A_478 : vector<16xi32> to vector<16xf32>
          %parallel_loop3A_480 = arith.andi %parallel_loop3A_469, %broadcast_in_dim3A_354 : vector<16xi32>
          %parallel_loop3A_481 = vector.bitcast %parallel_loop3A_480 : vector<16xi32> to vector<16xf32>
          %parallel_loop3A_482 = arith.addf %parallel_loop3A_473, %parallel_loop3A_477 : vector<16xf32>
          %parallel_loop3A_483 = arith.constant 0.000000e+00 : f32
          %parallel_loop3A_484 = vector.broadcast %parallel_loop3A_483 : f32 to vector<16xf32>
          %parallel_loop3A_485 = arith.maximumf %parallel_loop3A_482, %parallel_loop3A_484 : vector<16xf32>
          %parallel_loop3A_486 = arith.index_cast %parallel_loop3A_427 : i32 to index
          %parallel_loop3A_487 = arith.constant 32 : index
          %parallel_loop3A_488 = tpu.vector_load %arg13[%parallel_loop3A_486, %parallel_loop3A_487] {strides = array<i32>} : memref<128x64xf32, #tpu.memory_space<vmem>>, vector<16xf32>,
          tpu.vector_store %arg13[%parallel_loop3A_486, %parallel_loop3A_487], %parallel_loop3A_485 {strides = array<i32>} : memref<128x64xf32, #tpu.memory_space<vmem>>, vector<16xf32>,
          %parallel_loop3A_489 = arith.addf %parallel_loop3A_479, %parallel_loop3A_481 : vector<16xf32>
          %parallel_loop3A_490 = arith.constant 0.000000e+00 : f32
          %parallel_loop3A_491 = vector.broadcast %parallel_loop3A_490 : f32 to vector<16xf32>
          %parallel_loop3A_492 = arith.maximumf %parallel_loop3A_489, %parallel_loop3A_491 : vector<16xf32>
          %parallel_loop3A_493 = arith.index_cast %parallel_loop3A_427 : i32 to index
          %parallel_loop3A_494 = arith.constant 48 : index
          %parallel_loop3A_495 = tpu.vector_load %arg13[%parallel_loop3A_493, %parallel_loop3A_494] {strides = array<i32>} : memref<128x64xf32, #tpu.memory_space<vmem>>, vector<16xf32>,
          tpu.vector_store %arg13[%parallel_loop3A_493, %parallel_loop3A_494], %parallel_loop3A_492 {strides = array<i32>} : memref<128x64xf32, #tpu.memory_space<vmem>>, vector<16xf32>,
        } {sc.loop_unroll_factor = 4 : i64, sc.parallel_access}
        %dma_start3A_358 = arith.constant 0 : i32
        %dma_start3A_359 = tpu.memref_slice %arg8[%add3A_303, %dma_start3A_358] : memref<40x128xi32, #tpu.memory_space<vmem>> -> memref<1x128xi32, #tpu.memory_space<vmem>>
        %dma_start3A_360 = tpu.memref_squeeze %dma_start3A_359 : memref<1x128xi32, #tpu.memory_space<vmem>> -> memref<128xi32, #tpu.memory_space<vmem>>
        %dma_start3A_361 = arith.constant 0 : i32
        %dma_start3A_362 = arith.constant 0 : i32
        %dma_start3A_363 = tpu.memref_slice %arg15[%dma_start3A_361, %dma_start3A_362] : memref<10240x64xf32, #tpu.memory_space<vmem_shared>> -> memref<10240x64xf32, #tpu.memory_space<vmem_shared>>
        tpu.enqueue_indirect_dma source(%arg13 : memref<128x64xf32, #tpu.memory_space<vmem>>) target(%dma_start3A_363 : memref<10240x64xf32, #tpu.memory_space<vmem_shared>>) offsets(%dma_start3A_360 : memref<128xi32, #tpu.memory_space<vmem>>) semaphore(%arg20 : memref<!tpu.dma_semaphore, #tpu.memory_space<semaphore_mem>>) {add = true}
        %add3A_364 = arith.constant 1 : i32
        %add3A_365 = arith.addi %add3A_303, %add3A_364 : i32
        %add3A_366 = arith.constant 2 : i32
        %add3A_367 = arith.addi %add3A_303, %add3A_366 : i32
        %dma_start3A_368 = arith.constant 0 : i32
        %dma_start3A_369 = tpu.memref_slice %arg7[%add3A_367, %dma_start3A_368] : memref<40x128xi32, #tpu.memory_space<vmem>> -> memref<1x128xi32, #tpu.memory_space<vmem>>
        %dma_start3A_370 = tpu.memref_squeeze %dma_start3A_369 : memref<1x128xi32, #tpu.memory_space<vmem>> -> memref<128xi32, #tpu.memory_space<vmem>>
        %dma_start3A_371 = arith.constant 0 : i32
        %dma_start3A_372 = arith.constant 0 : i32
        %dma_start3A_373 = tpu.memref_slice %arg2[%arg0, %dma_start3A_371, %dma_start3A_372] : memref<2x10240x64xbf16, #tpu.memory_space<hbm>> -> memref<1x10240x64xbf16, #tpu.memory_space<hbm>>
        %dma_start3A_374 = tpu.memref_squeeze %dma_start3A_373 : memref<1x10240x64xbf16, #tpu.memory_space<hbm>> -> memref<10240x64xbf16, #tpu.memory_space<hbm>>
        %dma_start3A_375 = arith.constant 0 : i32
        %dma_start3A_376 = arith.constant 0 : i32
        %dma_start3A_377 = tpu.memref_slice %dma_start3A_374[%dma_start3A_375, %dma_start3A_376] : memref<10240x64xbf16, #tpu.memory_space<hbm>> -> memref<10240x64xbf16, #tpu.memory_space<hbm>>
        tpu.enqueue_indirect_dma source(%dma_start3A_377 : memref<10240x64xbf16, #tpu.memory_space<hbm>>) target(%arg9 : memref<128x64xbf16, #tpu.memory_space<vmem>>) offsets(%dma_start3A_370 : memref<128xi32, #tpu.memory_space<vmem>>) semaphore(%arg16 : memref<!tpu.dma_semaphore, #tpu.memory_space<semaphore_mem>>)
        %dma_start3A_378 = arith.constant 0 : i32
        %dma_start3A_379 = tpu.memref_slice %arg8[%add3A_367, %dma_start3A_378] : memref<40x128xi32, #tpu.memory_space<vmem>> -> memref<1x128xi32, #tpu.memory_space<vmem>>
        %dma_start3A_380 = tpu.memref_squeeze %dma_start3A_379 : memref<1x128xi32, #tpu.memory_space<vmem>> -> memref<128xi32, #tpu.memory_space<vmem>>
        %dma_start3A_381 = arith.constant 0 : i32
        %dma_start3A_382 = arith.constant 0 : i32
        %dma_start3A_383 = tpu.memref_slice %arg3[%arg0, %dma_start3A_381, %dma_start3A_382] : memref<2x10240x64xbf16, #tpu.memory_space<hbm>> -> memref<1x10240x64xbf16, #tpu.memory_space<hbm>>
        %dma_start3A_384 = tpu.memref_squeeze %dma_start3A_383 : memref<1x10240x64xbf16, #tpu.memory_space<hbm>> -> memref<10240x64xbf16, #tpu.memory_space<hbm>>
        %dma_start3A_385 = arith.constant 0 : i32
        %dma_start3A_386 = arith.constant 0 : i32
        %dma_start3A_387 = tpu.memref_slice %dma_start3A_384[%dma_start3A_385, %dma_start3A_386] : memref<10240x64xbf16, #tpu.memory_space<hbm>> -> memref<10240x64xbf16, #tpu.memory_space<hbm>>
        tpu.enqueue_indirect_dma source(%dma_start3A_387 : memref<10240x64xbf16, #tpu.memory_space<hbm>>) target(%arg11 : memref<128x64xbf16, #tpu.memory_space<vmem>>) offsets(%dma_start3A_380 : memref<128xi32, #tpu.memory_space<vmem>>) semaphore(%arg18 : memref<!tpu.dma_semaphore, #tpu.memory_space<semaphore_mem>>)
        %dma_wait3A_388 = arith.constant 0 : i32
        %dma_wait3A_389 = tpu.memref_slice %arg7[%add3A_365, %dma_wait3A_388] : memref<40x128xi32, #tpu.memory_space<vmem>> -> memref<1x128xi32, #tpu.memory_space<vmem>>
        %dma_wait3A_390 = tpu.memref_squeeze %dma_wait3A_389 : memref<1x128xi32, #tpu.memory_space<vmem>> -> memref<128xi32, #tpu.memory_space<vmem>>
        %dma_wait3A_391 = arith.constant 0 : i32
        %dma_wait3A_392 = arith.constant 0 : i32
        %dma_wait3A_393 = tpu.memref_slice %arg2[%arg0, %dma_wait3A_391, %dma_wait3A_392] : memref<2x10240x64xbf16, #tpu.memory_space<hbm>> -> memref<1x10240x64xbf16, #tpu.memory_space<hbm>>
        %dma_wait3A_394 = tpu.memref_squeeze %dma_wait3A_393 : memref<1x10240x64xbf16, #tpu.memory_space<hbm>> -> memref<10240x64xbf16, #tpu.memory_space<hbm>>
        %dma_wait3A_395 = arith.constant 0 : i32
        %dma_wait3A_396 = arith.constant 0 : i32
        %dma_wait3A_397 = tpu.memref_slice %dma_wait3A_394[%dma_wait3A_395, %dma_wait3A_396] : memref<10240x64xbf16, #tpu.memory_space<hbm>> -> memref<10240x64xbf16, #tpu.memory_space<hbm>>
        tpu.wait_indirect_dma semaphore(%arg17 : memref<!tpu.dma_semaphore, #tpu.memory_space<semaphore_mem>>) src(%dma_wait3A_397 : memref<10240x64xbf16, #tpu.memory_space<hbm>>) dst(%arg10 : memref<128x64xbf16, #tpu.memory_space<vmem>>)
        %dma_wait3A_398 = arith.constant 0 : i32
        %dma_wait3A_399 = tpu.memref_slice %arg8[%add3A_365, %dma_wait3A_398] : memref<40x128xi32, #tpu.memory_space<vmem>> -> memref<1x128xi32, #tpu.memory_space<vmem>>
        %dma_wait3A_400 = tpu.memref_squeeze %dma_wait3A_399 : memref<1x128xi32, #tpu.memory_space<vmem>> -> memref<128xi32, #tpu.memory_space<vmem>>
        %dma_wait3A_401 = arith.constant 0 : i32
        %dma_wait3A_402 = arith.constant 0 : i32
        %dma_wait3A_403 = tpu.memref_slice %arg3[%arg0, %dma_wait3A_401, %dma_wait3A_402] : memref<2x10240x64xbf16, #tpu.memory_space<hbm>> -> memref<1x10240x64xbf16, #tpu.memory_space<hbm>>
        %dma_wait3A_404 = tpu.memref_squeeze %dma_wait3A_403 : memref<1x10240x64xbf16, #tpu.memory_space<hbm>> -> memref<10240x64xbf16, #tpu.memory_space<hbm>>
        %dma_wait3A_405 = arith.constant 0 : i32
        %dma_wait3A_406 = arith.constant 0 : i32
        %dma_wait3A_407 = tpu.memref_slice %dma_wait3A_404[%dma_wait3A_405, %dma_wait3A_406] : memref<10240x64xbf16, #tpu.memory_space<hbm>> -> memref<10240x64xbf16, #tpu.memory_space<hbm>>
        tpu.wait_indirect_dma semaphore(%arg19 : memref<!tpu.dma_semaphore, #tpu.memory_space<semaphore_mem>>) src(%dma_wait3A_407 : memref<10240x64xbf16, #tpu.memory_space<hbm>>) dst(%arg12 : memref<128x64xbf16, #tpu.memory_space<vmem>>)
        %dma_wait3A_408 = arith.constant 0 : i32
        %dma_wait3A_409 = arith.constant 0 : i32
        %dma_wait3A_410 = tpu.memref_slice %arg8[%dma_wait3A_408, %dma_wait3A_409] : memref<40x128xi32, #tpu.memory_space<vmem>> -> memref<1x128xi32, #tpu.memory_space<vmem>>
        %dma_wait3A_411 = tpu.memref_squeeze %dma_wait3A_410 : memref<1x128xi32, #tpu.memory_space<vmem>> -> memref<128xi32, #tpu.memory_space<vmem>>
        %dma_wait3A_412 = arith.constant 0 : i32
        %dma_wait3A_413 = arith.constant 0 : i32
        %dma_wait3A_414 = tpu.memref_slice %arg15[%dma_wait3A_412, %dma_wait3A_413] : memref<10240x64xf32, #tpu.memory_space<vmem_shared>> -> memref<10240x64xf32, #tpu.memory_space<vmem_shared>>
        tpu.wait_indirect_dma semaphore(%arg21 : memref<!tpu.dma_semaphore, #tpu.memory_space<semaphore_mem>>) src(%arg14 : memref<128x64xf32, #tpu.memory_space<vmem>>) dst(%dma_wait3A_414 : memref<10240x64xf32, #tpu.memory_space<vmem_shared>>)
        %broadcast_in_dim3A_415 = arith.constant -65536 : i32
        %broadcast_in_dim3A_416 = vector.broadcast %broadcast_in_dim3A_415 : i32 to vector<16xi32>
        %parallel_loop3A_417 = arith.constant 0 : i32
        %parallel_loop3A_418 = arith.constant 128 : i32
        %parallel_loop3A_419 = arith.constant 1 : i32
        scf.for %parallel_loop3A_427 = %parallel_loop3A_417 to %parallel_loop3A_418 step %parallel_loop3A_419  : i32 {
          %parallel_loop3A_428 = arith.index_cast %parallel_loop3A_427 : i32 to index
          %parallel_loop3A_429 = arith.constant 0 : index
          %parallel_loop3A_430 = tpu.vector_load %arg10[%parallel_loop3A_428, %parallel_loop3A_429] {strides = array<i32>} : memref<128x64xbf16, #tpu.memory_space<vmem>>, vector<32xbf16>,
          %parallel_loop3A_431 = vector.bitcast %parallel_loop3A_430 : vector<32xbf16> to vector<16xi32>
          %parallel_loop3A_432 = arith.index_cast %parallel_loop3A_427 : i32 to index
          %parallel_loop3A_433 = arith.constant 0 : index
          %parallel_loop3A_434 = tpu.vector_load %arg12[%parallel_loop3A_432, %parallel_loop3A_433] {strides = array<i32>} : memref<128x64xbf16, #tpu.memory_space<vmem>>, vector<32xbf16>,
          %parallel_loop3A_435 = vector.bitcast %parallel_loop3A_434 : vector<32xbf16> to vector<16xi32>
          %parallel_loop3A_436 = arith.constant 16 : i32
          %parallel_loop3A_437 = vector.broadcast %parallel_loop3A_436 : i32 to vector<16xi32>
          %parallel_loop3A_438 = arith.shli %parallel_loop3A_431, %parallel_loop3A_437 : vector<16xi32>
          %parallel_loop3A_439 = vector.bitcast %parallel_loop3A_438 : vector<16xi32> to vector<16xf32>
          %parallel_loop3A_440 = arith.constant 16 : i32
          %parallel_loop3A_441 = vector.broadcast %parallel_loop3A_440 : i32 to vector<16xi32>
          %parallel_loop3A_442 = arith.shli %parallel_loop3A_435, %parallel_loop3A_441 : vector<16xi32>
          %parallel_loop3A_443 = vector.bitcast %parallel_loop3A_442 : vector<16xi32> to vector<16xf32>
          %parallel_loop3A_444 = arith.andi %parallel_loop3A_431, %broadcast_in_dim3A_416 : vector<16xi32>
          %parallel_loop3A_445 = vector.bitcast %parallel_loop3A_444 : vector<16xi32> to vector<16xf32>
          %parallel_loop3A_446 = arith.andi %parallel_loop3A_435, %broadcast_in_dim3A_416 : vector<16xi32>
          %parallel_loop3A_447 = vector.bitcast %parallel_loop3A_446 : vector<16xi32> to vector<16xf32>
          %parallel_loop3A_448 = arith.addf %parallel_loop3A_439, %parallel_loop3A_443 : vector<16xf32>
          %parallel_loop3A_449 = arith.constant 0.000000e+00 : f32
          %parallel_loop3A_450 = vector.broadcast %parallel_loop3A_449 : f32 to vector<16xf32>
          %parallel_loop3A_451 = arith.maximumf %parallel_loop3A_448, %parallel_loop3A_450 : vector<16xf32>
          %parallel_loop3A_452 = arith.index_cast %parallel_loop3A_427 : i32 to index
          %parallel_loop3A_453 = arith.constant 0 : index
          %parallel_loop3A_454 = tpu.vector_load %arg14[%parallel_loop3A_452, %parallel_loop3A_453] {strides = array<i32>} : memref<128x64xf32, #tpu.memory_space<vmem>>, vector<16xf32>,
          tpu.vector_store %arg14[%parallel_loop3A_452, %parallel_loop3A_453], %parallel_loop3A_451 {strides = array<i32>} : memref<128x64xf32, #tpu.memory_space<vmem>>, vector<16xf32>,
          %parallel_loop3A_455 = arith.addf %parallel_loop3A_445, %parallel_loop3A_447 : vector<16xf32>
          %parallel_loop3A_456 = arith.constant 0.000000e+00 : f32
          %parallel_loop3A_457 = vector.broadcast %parallel_loop3A_456 : f32 to vector<16xf32>
          %parallel_loop3A_458 = arith.maximumf %parallel_loop3A_455, %parallel_loop3A_457 : vector<16xf32>
          %parallel_loop3A_459 = arith.index_cast %parallel_loop3A_427 : i32 to index
          %parallel_loop3A_460 = arith.constant 16 : index
          %parallel_loop3A_461 = tpu.vector_load %arg14[%parallel_loop3A_459, %parallel_loop3A_460] {strides = array<i32>} : memref<128x64xf32, #tpu.memory_space<vmem>>, vector<16xf32>,
          tpu.vector_store %arg14[%parallel_loop3A_459, %parallel_loop3A_460], %parallel_loop3A_458 {strides = array<i32>} : memref<128x64xf32, #tpu.memory_space<vmem>>, vector<16xf32>,
          %parallel_loop3A_462 = arith.index_cast %parallel_loop3A_427 : i32 to index
          %parallel_loop3A_463 = arith.constant 32 : index
          %parallel_loop3A_464 = tpu.vector_load %arg10[%parallel_loop3A_462, %parallel_loop3A_463] {strides = array<i32>} : memref<128x64xbf16, #tpu.memory_space<vmem>>, vector<32xbf16>,
          %parallel_loop3A_465 = vector.bitcast %parallel_loop3A_464 : vector<32xbf16> to vector<16xi32>
          %parallel_loop3A_466 = arith.index_cast %parallel_loop3A_427 : i32 to index
          %parallel_loop3A_467 = arith.constant 32 : index
          %parallel_loop3A_468 = tpu.vector_load %arg12[%parallel_loop3A_466, %parallel_loop3A_467] {strides = array<i32>} : memref<128x64xbf16, #tpu.memory_space<vmem>>, vector<32xbf16>,
          %parallel_loop3A_469 = vector.bitcast %parallel_loop3A_468 : vector<32xbf16> to vector<16xi32>
          %parallel_loop3A_470 = arith.constant 16 : i32
          %parallel_loop3A_471 = vector.broadcast %parallel_loop3A_470 : i32 to vector<16xi32>
          %parallel_loop3A_472 = arith.shli %parallel_loop3A_465, %parallel_loop3A_471 : vector<16xi32>
          %parallel_loop3A_473 = vector.bitcast %parallel_loop3A_472 : vector<16xi32> to vector<16xf32>
          %parallel_loop3A_474 = arith.constant 16 : i32
          %parallel_loop3A_475 = vector.broadcast %parallel_loop3A_474 : i32 to vector<16xi32>
          %parallel_loop3A_476 = arith.shli %parallel_loop3A_469, %parallel_loop3A_475 : vector<16xi32>
          %parallel_loop3A_477 = vector.bitcast %parallel_loop3A_476 : vector<16xi32> to vector<16xf32>
          %parallel_loop3A_478 = arith.andi %parallel_loop3A_465, %broadcast_in_dim3A_416 : vector<16xi32>
          %parallel_loop3A_479 = vector.bitcast %parallel_loop3A_478 : vector<16xi32> to vector<16xf32>
          %parallel_loop3A_480 = arith.andi %parallel_loop3A_469, %broadcast_in_dim3A_416 : vector<16xi32>
          %parallel_loop3A_481 = vector.bitcast %parallel_loop3A_480 : vector<16xi32> to vector<16xf32>
          %parallel_loop3A_482 = arith.addf %parallel_loop3A_473, %parallel_loop3A_477 : vector<16xf32>
          %parallel_loop3A_483 = arith.constant 0.000000e+00 : f32
          %parallel_loop3A_484 = vector.broadcast %parallel_loop3A_483 : f32 to vector<16xf32>
          %parallel_loop3A_485 = arith.maximumf %parallel_loop3A_482, %parallel_loop3A_484 : vector<16xf32>
          %parallel_loop3A_486 = arith.index_cast %parallel_loop3A_427 : i32 to index
          %parallel_loop3A_487 = arith.constant 32 : index
          %parallel_loop3A_488 = tpu.vector_load %arg14[%parallel_loop3A_486, %parallel_loop3A_487] {strides = array<i32>} : memref<128x64xf32, #tpu.memory_space<vmem>>, vector<16xf32>,
          tpu.vector_store %arg14[%parallel_loop3A_486, %parallel_loop3A_487], %parallel_loop3A_485 {strides = array<i32>} : memref<128x64xf32, #tpu.memory_space<vmem>>, vector<16xf32>,
          %parallel_loop3A_489 = arith.addf %parallel_loop3A_479, %parallel_loop3A_481 : vector<16xf32>
          %parallel_loop3A_490 = arith.constant 0.000000e+00 : f32
          %parallel_loop3A_491 = vector.broadcast %parallel_loop3A_490 : f32 to vector<16xf32>
          %parallel_loop3A_492 = arith.maximumf %parallel_loop3A_489, %parallel_loop3A_491 : vector<16xf32>
          %parallel_loop3A_493 = arith.index_cast %parallel_loop3A_427 : i32 to index
          %parallel_loop3A_494 = arith.constant 48 : index
          %parallel_loop3A_495 = tpu.vector_load %arg14[%parallel_loop3A_493, %parallel_loop3A_494] {strides = array<i32>} : memref<128x64xf32, #tpu.memory_space<vmem>>, vector<16xf32>,
          tpu.vector_store %arg14[%parallel_loop3A_493, %parallel_loop3A_494], %parallel_loop3A_492 {strides = array<i32>} : memref<128x64xf32, #tpu.memory_space<vmem>>, vector<16xf32>,
        } {sc.loop_unroll_factor = 4 : i64, sc.parallel_access}
        %dma_start3A_420 = arith.constant 0 : i32
        %dma_start3A_421 = tpu.memref_slice %arg8[%add3A_365, %dma_start3A_420] : memref<40x128xi32, #tpu.memory_space<vmem>> -> memref<1x128xi32, #tpu.memory_space<vmem>>
        %dma_start3A_422 = tpu.memref_squeeze %dma_start3A_421 : memref<1x128xi32, #tpu.memory_space<vmem>> -> memref<128xi32, #tpu.memory_space<vmem>>
        %dma_start3A_423 = arith.constant 0 : i32
        %dma_start3A_424 = arith.constant 0 : i32
        %dma_start3A_425 = tpu.memref_slice %arg15[%dma_start3A_423, %dma_start3A_424] : memref<10240x64xf32, #tpu.memory_space<vmem_shared>> -> memref<10240x64xf32, #tpu.memory_space<vmem_shared>>
        tpu.enqueue_indirect_dma source(%arg14 : memref<128x64xf32, #tpu.memory_space<vmem>>) target(%dma_start3A_425 : memref<10240x64xf32, #tpu.memory_space<vmem_shared>>) offsets(%dma_start3A_422 : memref<128xi32, #tpu.memory_space<vmem>>) semaphore(%arg21 : memref<!tpu.dma_semaphore, #tpu.memory_space<semaphore_mem>>) {add = true}
        %scan3A_426 = arith.constant 0 : i32
        scf.yield %scan3A_426 : i32
      }
      %scan3A_178 = arith.constant 18 : i32
      %dma_start3A_179 = arith.constant 39 : i32
      %dma_start3A_180 = arith.constant 0 : i32
      %dma_start3A_181 = tpu.memref_slice %arg7[%dma_start3A_179, %dma_start3A_180] : memref<40x128xi32, #tpu.memory_space<vmem>> -> memref<1x128xi32, #tpu.memory_space<vmem>>
      %dma_start3A_182 = tpu.memref_squeeze %dma_start3A_181 : memref<1x128xi32, #tpu.memory_space<vmem>> -> memref<128xi32, #tpu.memory_space<vmem>>
      %dma_start3A_183 = arith.constant 0 : i32
      %dma_start3A_184 = arith.constant 0 : i32
      %dma_start3A_185 = tpu.memref_slice %arg2[%arg0, %dma_start3A_183, %dma_start3A_184] : memref<2x10240x64xbf16, #tpu.memory_space<hbm>> -> memref<1x10240x64xbf16, #tpu.memory_space<hbm>>
      %dma_start3A_186 = tpu.memref_squeeze %dma_start3A_185 : memref<1x10240x64xbf16, #tpu.memory_space<hbm>> -> memref<10240x64xbf16, #tpu.memory_space<hbm>>
      %dma_start3A_187 = arith.constant 0 : i32
      %dma_start3A_188 = arith.constant 0 : i32
      %dma_start3A_189 = tpu.memref_slice %dma_start3A_186[%dma_start3A_187, %dma_start3A_188] : memref<10240x64xbf16, #tpu.memory_space<hbm>> -> memref<10240x64xbf16, #tpu.memory_space<hbm>>
      tpu.enqueue_indirect_dma source(%dma_start3A_189 : memref<10240x64xbf16, #tpu.memory_space<hbm>>) target(%arg10 : memref<128x64xbf16, #tpu.memory_space<vmem>>) offsets(%dma_start3A_182 : memref<128xi32, #tpu.memory_space<vmem>>) semaphore(%arg17 : memref<!tpu.dma_semaphore, #tpu.memory_space<semaphore_mem>>)
      %dma_start3A_190 = arith.constant 39 : i32
      %dma_start3A_191 = arith.constant 0 : i32
      %dma_start3A_192 = tpu.memref_slice %arg8[%dma_start3A_190, %dma_start3A_191] : memref<40x128xi32, #tpu.memory_space<vmem>> -> memref<1x128xi32, #tpu.memory_space<vmem>>
      %dma_start3A_193 = tpu.memref_squeeze %dma_start3A_192 : memref<1x128xi32, #tpu.memory_space<vmem>> -> memref<128xi32, #tpu.memory_space<vmem>>
      %dma_start3A_194 = arith.constant 0 : i32
      %dma_start3A_195 = arith.constant 0 : i32
      %dma_start3A_196 = tpu.memref_slice %arg3[%arg0, %dma_start3A_194, %dma_start3A_195] : memref<2x10240x64xbf16, #tpu.memory_space<hbm>> -> memref<1x10240x64xbf16, #tpu.memory_space<hbm>>
      %dma_start3A_197 = tpu.memref_squeeze %dma_start3A_196 : memref<1x10240x64xbf16, #tpu.memory_space<hbm>> -> memref<10240x64xbf16, #tpu.memory_space<hbm>>
      %dma_start3A_198 = arith.constant 0 : i32
      %dma_start3A_199 = arith.constant 0 : i32
      %dma_start3A_200 = tpu.memref_slice %dma_start3A_197[%dma_start3A_198, %dma_start3A_199] : memref<10240x64xbf16, #tpu.memory_space<hbm>> -> memref<10240x64xbf16, #tpu.memory_space<hbm>>
      tpu.enqueue_indirect_dma source(%dma_start3A_200 : memref<10240x64xbf16, #tpu.memory_space<hbm>>) target(%arg12 : memref<128x64xbf16, #tpu.memory_space<vmem>>) offsets(%dma_start3A_193 : memref<128xi32, #tpu.memory_space<vmem>>) semaphore(%arg19 : memref<!tpu.dma_semaphore, #tpu.memory_space<semaphore_mem>>)
      %dma_wait3A_201 = arith.constant 38 : i32
      %dma_wait3A_202 = arith.constant 0 : i32
      %dma_wait3A_203 = tpu.memref_slice %arg7[%dma_wait3A_201, %dma_wait3A_202] : memref<40x128xi32, #tpu.memory_space<vmem>> -> memref<1x128xi32, #tpu.memory_space<vmem>>
      %dma_wait3A_204 = tpu.memref_squeeze %dma_wait3A_203 : memref<1x128xi32, #tpu.memory_space<vmem>> -> memref<128xi32, #tpu.memory_space<vmem>>
      %dma_wait3A_205 = arith.constant 0 : i32
      %dma_wait3A_206 = arith.constant 0 : i32
      %dma_wait3A_207 = tpu.memref_slice %arg2[%arg0, %dma_wait3A_205, %dma_wait3A_206] : memref<2x10240x64xbf16, #tpu.memory_space<hbm>> -> memref<1x10240x64xbf16, #tpu.memory_space<hbm>>
      %dma_wait3A_208 = tpu.memref_squeeze %dma_wait3A_207 : memref<1x10240x64xbf16, #tpu.memory_space<hbm>> -> memref<10240x64xbf16, #tpu.memory_space<hbm>>
      %dma_wait3A_209 = arith.constant 0 : i32
      %dma_wait3A_210 = arith.constant 0 : i32
      %dma_wait3A_211 = tpu.memref_slice %dma_wait3A_208[%dma_wait3A_209, %dma_wait3A_210] : memref<10240x64xbf16, #tpu.memory_space<hbm>> -> memref<10240x64xbf16, #tpu.memory_space<hbm>>
      tpu.wait_indirect_dma semaphore(%arg16 : memref<!tpu.dma_semaphore, #tpu.memory_space<semaphore_mem>>) src(%dma_wait3A_211 : memref<10240x64xbf16, #tpu.memory_space<hbm>>) dst(%arg9 : memref<128x64xbf16, #tpu.memory_space<vmem>>)
      %dma_wait3A_212 = arith.constant 38 : i32
      %dma_wait3A_213 = arith.constant 0 : i32
      %dma_wait3A_214 = tpu.memref_slice %arg8[%dma_wait3A_212, %dma_wait3A_213] : memref<40x128xi32, #tpu.memory_space<vmem>> -> memref<1x128xi32, #tpu.memory_space<vmem>>
      %dma_wait3A_215 = tpu.memref_squeeze %dma_wait3A_214 : memref<1x128xi32, #tpu.memory_space<vmem>> -> memref<128xi32, #tpu.memory_space<vmem>>
      %dma_wait3A_216 = arith.constant 0 : i32
      %dma_wait3A_217 = arith.constant 0 : i32
      %dma_wait3A_218 = tpu.memref_slice %arg3[%arg0, %dma_wait3A_216, %dma_wait3A_217] : memref<2x10240x64xbf16, #tpu.memory_space<hbm>> -> memref<1x10240x64xbf16, #tpu.memory_space<hbm>>
      %dma_wait3A_219 = tpu.memref_squeeze %dma_wait3A_218 : memref<1x10240x64xbf16, #tpu.memory_space<hbm>> -> memref<10240x64xbf16, #tpu.memory_space<hbm>>
      %dma_wait3A_220 = arith.constant 0 : i32
      %dma_wait3A_221 = arith.constant 0 : i32
      %dma_wait3A_222 = tpu.memref_slice %dma_wait3A_219[%dma_wait3A_220, %dma_wait3A_221] : memref<10240x64xbf16, #tpu.memory_space<hbm>> -> memref<10240x64xbf16, #tpu.memory_space<hbm>>
      tpu.wait_indirect_dma semaphore(%arg18 : memref<!tpu.dma_semaphore, #tpu.memory_space<semaphore_mem>>) src(%dma_wait3A_222 : memref<10240x64xbf16, #tpu.memory_space<hbm>>) dst(%arg11 : memref<128x64xbf16, #tpu.memory_space<vmem>>)
      %dma_wait3A_223 = arith.constant 0 : i32
      %dma_wait3A_224 = arith.constant 0 : i32
      %dma_wait3A_225 = tpu.memref_slice %arg8[%dma_wait3A_223, %dma_wait3A_224] : memref<40x128xi32, #tpu.memory_space<vmem>> -> memref<1x128xi32, #tpu.memory_space<vmem>>
      %dma_wait3A_226 = tpu.memref_squeeze %dma_wait3A_225 : memref<1x128xi32, #tpu.memory_space<vmem>> -> memref<128xi32, #tpu.memory_space<vmem>>
      %dma_wait3A_227 = arith.constant 0 : i32
      %dma_wait3A_228 = arith.constant 0 : i32
      %dma_wait3A_229 = tpu.memref_slice %arg15[%dma_wait3A_227, %dma_wait3A_228] : memref<10240x64xf32, #tpu.memory_space<vmem_shared>> -> memref<10240x64xf32, #tpu.memory_space<vmem_shared>>
      tpu.wait_indirect_dma semaphore(%arg20 : memref<!tpu.dma_semaphore, #tpu.memory_space<semaphore_mem>>) src(%arg13 : memref<128x64xf32, #tpu.memory_space<vmem>>) dst(%dma_wait3A_229 : memref<10240x64xf32, #tpu.memory_space<vmem_shared>>)
      %broadcast_in_dim3A_230 = arith.constant -65536 : i32
      %broadcast_in_dim3A_231 = vector.broadcast %broadcast_in_dim3A_230 : i32 to vector<16xi32>
      %parallel_loop3A_232 = arith.constant 0 : i32
      %parallel_loop3A_233 = arith.constant 128 : i32
      %parallel_loop3A_234 = arith.constant 1 : i32
      scf.for %parallel_loop3A_298 = %parallel_loop3A_232 to %parallel_loop3A_233 step %parallel_loop3A_234  : i32 {
        %parallel_loop3A_299 = arith.index_cast %parallel_loop3A_298 : i32 to index
        %parallel_loop3A_300 = arith.constant 0 : index
        %parallel_loop3A_301 = tpu.vector_load %arg9[%parallel_loop3A_299, %parallel_loop3A_300] {strides = array<i32>} : memref<128x64xbf16, #tpu.memory_space<vmem>>, vector<32xbf16>,
        %parallel_loop3A_302 = vector.bitcast %parallel_loop3A_301 : vector<32xbf16> to vector<16xi32>
        %parallel_loop3A_303 = arith.index_cast %parallel_loop3A_298 : i32 to index
        %parallel_loop3A_304 = arith.constant 0 : index
        %parallel_loop3A_305 = tpu.vector_load %arg11[%parallel_loop3A_303, %parallel_loop3A_304] {strides = array<i32>} : memref<128x64xbf16, #tpu.memory_space<vmem>>, vector<32xbf16>,
        %parallel_loop3A_306 = vector.bitcast %parallel_loop3A_305 : vector<32xbf16> to vector<16xi32>
        %parallel_loop3A_307 = arith.constant 16 : i32
        %parallel_loop3A_308 = vector.broadcast %parallel_loop3A_307 : i32 to vector<16xi32>
        %parallel_loop3A_309 = arith.shli %parallel_loop3A_302, %parallel_loop3A_308 : vector<16xi32>
        %parallel_loop3A_310 = vector.bitcast %parallel_loop3A_309 : vector<16xi32> to vector<16xf32>
        %parallel_loop3A_311 = arith.constant 16 : i32
        %parallel_loop3A_312 = vector.broadcast %parallel_loop3A_311 : i32 to vector<16xi32>
        %parallel_loop3A_313 = arith.shli %parallel_loop3A_306, %parallel_loop3A_312 : vector<16xi32>
        %parallel_loop3A_314 = vector.bitcast %parallel_loop3A_313 : vector<16xi32> to vector<16xf32>
        %parallel_loop3A_315 = arith.andi %parallel_loop3A_302, %broadcast_in_dim3A_231 : vector<16xi32>
        %parallel_loop3A_316 = vector.bitcast %parallel_loop3A_315 : vector<16xi32> to vector<16xf32>
        %parallel_loop3A_317 = arith.andi %parallel_loop3A_306, %broadcast_in_dim3A_231 : vector<16xi32>
        %parallel_loop3A_318 = vector.bitcast %parallel_loop3A_317 : vector<16xi32> to vector<16xf32>
        %parallel_loop3A_319 = arith.addf %parallel_loop3A_310, %parallel_loop3A_314 : vector<16xf32>
        %parallel_loop3A_320 = arith.constant 0.000000e+00 : f32
        %parallel_loop3A_321 = vector.broadcast %parallel_loop3A_320 : f32 to vector<16xf32>
        %parallel_loop3A_322 = arith.maximumf %parallel_loop3A_319, %parallel_loop3A_321 : vector<16xf32>
        %parallel_loop3A_323 = arith.index_cast %parallel_loop3A_298 : i32 to index
        %parallel_loop3A_324 = arith.constant 0 : index
        %parallel_loop3A_325 = tpu.vector_load %arg13[%parallel_loop3A_323, %parallel_loop3A_324] {strides = array<i32>} : memref<128x64xf32, #tpu.memory_space<vmem>>, vector<16xf32>,
        tpu.vector_store %arg13[%parallel_loop3A_323, %parallel_loop3A_324], %parallel_loop3A_322 {strides = array<i32>} : memref<128x64xf32, #tpu.memory_space<vmem>>, vector<16xf32>,
        %parallel_loop3A_326 = arith.addf %parallel_loop3A_316, %parallel_loop3A_318 : vector<16xf32>
        %parallel_loop3A_327 = arith.constant 0.000000e+00 : f32
        %parallel_loop3A_328 = vector.broadcast %parallel_loop3A_327 : f32 to vector<16xf32>
        %parallel_loop3A_329 = arith.maximumf %parallel_loop3A_326, %parallel_loop3A_328 : vector<16xf32>
        %parallel_loop3A_330 = arith.index_cast %parallel_loop3A_298 : i32 to index
        %parallel_loop3A_331 = arith.constant 16 : index
        %parallel_loop3A_332 = tpu.vector_load %arg13[%parallel_loop3A_330, %parallel_loop3A_331] {strides = array<i32>} : memref<128x64xf32, #tpu.memory_space<vmem>>, vector<16xf32>,
        tpu.vector_store %arg13[%parallel_loop3A_330, %parallel_loop3A_331], %parallel_loop3A_329 {strides = array<i32>} : memref<128x64xf32, #tpu.memory_space<vmem>>, vector<16xf32>,
        %parallel_loop3A_333 = arith.index_cast %parallel_loop3A_298 : i32 to index
        %parallel_loop3A_334 = arith.constant 32 : index
        %parallel_loop3A_335 = tpu.vector_load %arg9[%parallel_loop3A_333, %parallel_loop3A_334] {strides = array<i32>} : memref<128x64xbf16, #tpu.memory_space<vmem>>, vector<32xbf16>,
        %parallel_loop3A_336 = vector.bitcast %parallel_loop3A_335 : vector<32xbf16> to vector<16xi32>
        %parallel_loop3A_337 = arith.index_cast %parallel_loop3A_298 : i32 to index
        %parallel_loop3A_338 = arith.constant 32 : index
        %parallel_loop3A_339 = tpu.vector_load %arg11[%parallel_loop3A_337, %parallel_loop3A_338] {strides = array<i32>} : memref<128x64xbf16, #tpu.memory_space<vmem>>, vector<32xbf16>,
        %parallel_loop3A_340 = vector.bitcast %parallel_loop3A_339 : vector<32xbf16> to vector<16xi32>
        %parallel_loop3A_341 = arith.constant 16 : i32
        %parallel_loop3A_342 = vector.broadcast %parallel_loop3A_341 : i32 to vector<16xi32>
        %parallel_loop3A_343 = arith.shli %parallel_loop3A_336, %parallel_loop3A_342 : vector<16xi32>
        %parallel_loop3A_344 = vector.bitcast %parallel_loop3A_343 : vector<16xi32> to vector<16xf32>
        %parallel_loop3A_345 = arith.constant 16 : i32
        %parallel_loop3A_346 = vector.broadcast %parallel_loop3A_345 : i32 to vector<16xi32>
        %parallel_loop3A_347 = arith.shli %parallel_loop3A_340, %parallel_loop3A_346 : vector<16xi32>
        %parallel_loop3A_348 = vector.bitcast %parallel_loop3A_347 : vector<16xi32> to vector<16xf32>
        %parallel_loop3A_349 = arith.andi %parallel_loop3A_336, %broadcast_in_dim3A_231 : vector<16xi32>
        %parallel_loop3A_350 = vector.bitcast %parallel_loop3A_349 : vector<16xi32> to vector<16xf32>
        %parallel_loop3A_351 = arith.andi %parallel_loop3A_340, %broadcast_in_dim3A_231 : vector<16xi32>
        %parallel_loop3A_352 = vector.bitcast %parallel_loop3A_351 : vector<16xi32> to vector<16xf32>
        %parallel_loop3A_353 = arith.addf %parallel_loop3A_344, %parallel_loop3A_348 : vector<16xf32>
        %parallel_loop3A_354 = arith.constant 0.000000e+00 : f32
        %parallel_loop3A_355 = vector.broadcast %parallel_loop3A_354 : f32 to vector<16xf32>
        %parallel_loop3A_356 = arith.maximumf %parallel_loop3A_353, %parallel_loop3A_355 : vector<16xf32>
        %parallel_loop3A_357 = arith.index_cast %parallel_loop3A_298 : i32 to index
        %parallel_loop3A_358 = arith.constant 32 : index
        %parallel_loop3A_359 = tpu.vector_load %arg13[%parallel_loop3A_357, %parallel_loop3A_358] {strides = array<i32>} : memref<128x64xf32, #tpu.memory_space<vmem>>, vector<16xf32>,
        tpu.vector_store %arg13[%parallel_loop3A_357, %parallel_loop3A_358], %parallel_loop3A_356 {strides = array<i32>} : memref<128x64xf32, #tpu.memory_space<vmem>>, vector<16xf32>,
        %parallel_loop3A_360 = arith.addf %parallel_loop3A_350, %parallel_loop3A_352 : vector<16xf32>
        %parallel_loop3A_361 = arith.constant 0.000000e+00 : f32
        %parallel_loop3A_362 = vector.broadcast %parallel_loop3A_361 : f32 to vector<16xf32>
        %parallel_loop3A_363 = arith.maximumf %parallel_loop3A_360, %parallel_loop3A_362 : vector<16xf32>
        %parallel_loop3A_364 = arith.index_cast %parallel_loop3A_298 : i32 to index
        %parallel_loop3A_365 = arith.constant 48 : index
        %parallel_loop3A_366 = tpu.vector_load %arg13[%parallel_loop3A_364, %parallel_loop3A_365] {strides = array<i32>} : memref<128x64xf32, #tpu.memory_space<vmem>>, vector<16xf32>,
        tpu.vector_store %arg13[%parallel_loop3A_364, %parallel_loop3A_365], %parallel_loop3A_363 {strides = array<i32>} : memref<128x64xf32, #tpu.memory_space<vmem>>, vector<16xf32>,
      } {sc.loop_unroll_factor = 4 : i64, sc.parallel_access}
      %dma_start3A_235 = arith.constant 38 : i32
      %dma_start3A_236 = arith.constant 0 : i32
      %dma_start3A_237 = tpu.memref_slice %arg8[%dma_start3A_235, %dma_start3A_236] : memref<40x128xi32, #tpu.memory_space<vmem>> -> memref<1x128xi32, #tpu.memory_space<vmem>>
      %dma_start3A_238 = tpu.memref_squeeze %dma_start3A_237 : memref<1x128xi32, #tpu.memory_space<vmem>> -> memref<128xi32, #tpu.memory_space<vmem>>
      %dma_start3A_239 = arith.constant 0 : i32
      %dma_start3A_240 = arith.constant 0 : i32
      %dma_start3A_241 = tpu.memref_slice %arg15[%dma_start3A_239, %dma_start3A_240] : memref<10240x64xf32, #tpu.memory_space<vmem_shared>> -> memref<10240x64xf32, #tpu.memory_space<vmem_shared>>
      tpu.enqueue_indirect_dma source(%arg13 : memref<128x64xf32, #tpu.memory_space<vmem>>) target(%dma_start3A_241 : memref<10240x64xf32, #tpu.memory_space<vmem_shared>>) offsets(%dma_start3A_238 : memref<128xi32, #tpu.memory_space<vmem>>) semaphore(%arg20 : memref<!tpu.dma_semaphore, #tpu.memory_space<semaphore_mem>>) {add = true}
      %dma_wait3A_242 = arith.constant 39 : i32
      %dma_wait3A_243 = arith.constant 0 : i32
      %dma_wait3A_244 = tpu.memref_slice %arg7[%dma_wait3A_242, %dma_wait3A_243] : memref<40x128xi32, #tpu.memory_space<vmem>> -> memref<1x128xi32, #tpu.memory_space<vmem>>
      %dma_wait3A_245 = tpu.memref_squeeze %dma_wait3A_244 : memref<1x128xi32, #tpu.memory_space<vmem>> -> memref<128xi32, #tpu.memory_space<vmem>>
      %dma_wait3A_246 = arith.constant 0 : i32
      %dma_wait3A_247 = arith.constant 0 : i32
      %dma_wait3A_248 = tpu.memref_slice %arg2[%arg0, %dma_wait3A_246, %dma_wait3A_247] : memref<2x10240x64xbf16, #tpu.memory_space<hbm>> -> memref<1x10240x64xbf16, #tpu.memory_space<hbm>>
      %dma_wait3A_249 = tpu.memref_squeeze %dma_wait3A_248 : memref<1x10240x64xbf16, #tpu.memory_space<hbm>> -> memref<10240x64xbf16, #tpu.memory_space<hbm>>
      %dma_wait3A_250 = arith.constant 0 : i32
      %dma_wait3A_251 = arith.constant 0 : i32
      %dma_wait3A_252 = tpu.memref_slice %dma_wait3A_249[%dma_wait3A_250, %dma_wait3A_251] : memref<10240x64xbf16, #tpu.memory_space<hbm>> -> memref<10240x64xbf16, #tpu.memory_space<hbm>>
      tpu.wait_indirect_dma semaphore(%arg17 : memref<!tpu.dma_semaphore, #tpu.memory_space<semaphore_mem>>) src(%dma_wait3A_252 : memref<10240x64xbf16, #tpu.memory_space<hbm>>) dst(%arg10 : memref<128x64xbf16, #tpu.memory_space<vmem>>)
      %dma_wait3A_253 = arith.constant 39 : i32
      %dma_wait3A_254 = arith.constant 0 : i32
      %dma_wait3A_255 = tpu.memref_slice %arg8[%dma_wait3A_253, %dma_wait3A_254] : memref<40x128xi32, #tpu.memory_space<vmem>> -> memref<1x128xi32, #tpu.memory_space<vmem>>
      %dma_wait3A_256 = tpu.memref_squeeze %dma_wait3A_255 : memref<1x128xi32, #tpu.memory_space<vmem>> -> memref<128xi32, #tpu.memory_space<vmem>>
      %dma_wait3A_257 = arith.constant 0 : i32
      %dma_wait3A_258 = arith.constant 0 : i32
      %dma_wait3A_259 = tpu.memref_slice %arg3[%arg0, %dma_wait3A_257, %dma_wait3A_258] : memref<2x10240x64xbf16, #tpu.memory_space<hbm>> -> memref<1x10240x64xbf16, #tpu.memory_space<hbm>>
      %dma_wait3A_260 = tpu.memref_squeeze %dma_wait3A_259 : memref<1x10240x64xbf16, #tpu.memory_space<hbm>> -> memref<10240x64xbf16, #tpu.memory_space<hbm>>
      %dma_wait3A_261 = arith.constant 0 : i32
      %dma_wait3A_262 = arith.constant 0 : i32
      %dma_wait3A_263 = tpu.memref_slice %dma_wait3A_260[%dma_wait3A_261, %dma_wait3A_262] : memref<10240x64xbf16, #tpu.memory_space<hbm>> -> memref<10240x64xbf16, #tpu.memory_space<hbm>>
      tpu.wait_indirect_dma semaphore(%arg19 : memref<!tpu.dma_semaphore, #tpu.memory_space<semaphore_mem>>) src(%dma_wait3A_263 : memref<10240x64xbf16, #tpu.memory_space<hbm>>) dst(%arg12 : memref<128x64xbf16, #tpu.memory_space<vmem>>)
      %dma_wait3A_264 = arith.constant 0 : i32
      %dma_wait3A_265 = arith.constant 0 : i32
      %dma_wait3A_266 = tpu.memref_slice %arg8[%dma_wait3A_264, %dma_wait3A_265] : memref<40x128xi32, #tpu.memory_space<vmem>> -> memref<1x128xi32, #tpu.memory_space<vmem>>
      %dma_wait3A_267 = tpu.memref_squeeze %dma_wait3A_266 : memref<1x128xi32, #tpu.memory_space<vmem>> -> memref<128xi32, #tpu.memory_space<vmem>>
      %dma_wait3A_268 = arith.constant 0 : i32
      %dma_wait3A_269 = arith.constant 0 : i32
      %dma_wait3A_270 = tpu.memref_slice %arg15[%dma_wait3A_268, %dma_wait3A_269] : memref<10240x64xf32, #tpu.memory_space<vmem_shared>> -> memref<10240x64xf32, #tpu.memory_space<vmem_shared>>
      tpu.wait_indirect_dma semaphore(%arg21 : memref<!tpu.dma_semaphore, #tpu.memory_space<semaphore_mem>>) src(%arg14 : memref<128x64xf32, #tpu.memory_space<vmem>>) dst(%dma_wait3A_270 : memref<10240x64xf32, #tpu.memory_space<vmem_shared>>)
      %broadcast_in_dim3A_271 = arith.constant -65536 : i32
      %broadcast_in_dim3A_272 = vector.broadcast %broadcast_in_dim3A_271 : i32 to vector<16xi32>
      %parallel_loop3A_273 = arith.constant 0 : i32
      %parallel_loop3A_274 = arith.constant 128 : i32
      %parallel_loop3A_275 = arith.constant 1 : i32
      scf.for %parallel_loop3A_298 = %parallel_loop3A_273 to %parallel_loop3A_274 step %parallel_loop3A_275  : i32 {
        %parallel_loop3A_299 = arith.index_cast %parallel_loop3A_298 : i32 to index
        %parallel_loop3A_300 = arith.constant 0 : index
        %parallel_loop3A_301 = tpu.vector_load %arg10[%parallel_loop3A_299, %parallel_loop3A_300] {strides = array<i32>} : memref<128x64xbf16, #tpu.memory_space<vmem>>, vector<32xbf16>,
        %parallel_loop3A_302 = vector.bitcast %parallel_loop3A_301 : vector<32xbf16> to vector<16xi32>
        %parallel_loop3A_303 = arith.index_cast %parallel_loop3A_298 : i32 to index
        %parallel_loop3A_304 = arith.constant 0 : index
        %parallel_loop3A_305 = tpu.vector_load %arg12[%parallel_loop3A_303, %parallel_loop3A_304] {strides = array<i32>} : memref<128x64xbf16, #tpu.memory_space<vmem>>, vector<32xbf16>,
        %parallel_loop3A_306 = vector.bitcast %parallel_loop3A_305 : vector<32xbf16> to vector<16xi32>
        %parallel_loop3A_307 = arith.constant 16 : i32
        %parallel_loop3A_308 = vector.broadcast %parallel_loop3A_307 : i32 to vector<16xi32>
        %parallel_loop3A_309 = arith.shli %parallel_loop3A_302, %parallel_loop3A_308 : vector<16xi32>
        %parallel_loop3A_310 = vector.bitcast %parallel_loop3A_309 : vector<16xi32> to vector<16xf32>
        %parallel_loop3A_311 = arith.constant 16 : i32
        %parallel_loop3A_312 = vector.broadcast %parallel_loop3A_311 : i32 to vector<16xi32>
        %parallel_loop3A_313 = arith.shli %parallel_loop3A_306, %parallel_loop3A_312 : vector<16xi32>
        %parallel_loop3A_314 = vector.bitcast %parallel_loop3A_313 : vector<16xi32> to vector<16xf32>
        %parallel_loop3A_315 = arith.andi %parallel_loop3A_302, %broadcast_in_dim3A_272 : vector<16xi32>
        %parallel_loop3A_316 = vector.bitcast %parallel_loop3A_315 : vector<16xi32> to vector<16xf32>
        %parallel_loop3A_317 = arith.andi %parallel_loop3A_306, %broadcast_in_dim3A_272 : vector<16xi32>
        %parallel_loop3A_318 = vector.bitcast %parallel_loop3A_317 : vector<16xi32> to vector<16xf32>
        %parallel_loop3A_319 = arith.addf %parallel_loop3A_310, %parallel_loop3A_314 : vector<16xf32>
        %parallel_loop3A_320 = arith.constant 0.000000e+00 : f32
        %parallel_loop3A_321 = vector.broadcast %parallel_loop3A_320 : f32 to vector<16xf32>
        %parallel_loop3A_322 = arith.maximumf %parallel_loop3A_319, %parallel_loop3A_321 : vector<16xf32>
        %parallel_loop3A_323 = arith.index_cast %parallel_loop3A_298 : i32 to index
        %parallel_loop3A_324 = arith.constant 0 : index
        %parallel_loop3A_325 = tpu.vector_load %arg14[%parallel_loop3A_323, %parallel_loop3A_324] {strides = array<i32>} : memref<128x64xf32, #tpu.memory_space<vmem>>, vector<16xf32>,
        tpu.vector_store %arg14[%parallel_loop3A_323, %parallel_loop3A_324], %parallel_loop3A_322 {strides = array<i32>} : memref<128x64xf32, #tpu.memory_space<vmem>>, vector<16xf32>,
        %parallel_loop3A_326 = arith.addf %parallel_loop3A_316, %parallel_loop3A_318 : vector<16xf32>
        %parallel_loop3A_327 = arith.constant 0.000000e+00 : f32
        %parallel_loop3A_328 = vector.broadcast %parallel_loop3A_327 : f32 to vector<16xf32>
        %parallel_loop3A_329 = arith.maximumf %parallel_loop3A_326, %parallel_loop3A_328 : vector<16xf32>
        %parallel_loop3A_330 = arith.index_cast %parallel_loop3A_298 : i32 to index
        %parallel_loop3A_331 = arith.constant 16 : index
        %parallel_loop3A_332 = tpu.vector_load %arg14[%parallel_loop3A_330, %parallel_loop3A_331] {strides = array<i32>} : memref<128x64xf32, #tpu.memory_space<vmem>>, vector<16xf32>,
        tpu.vector_store %arg14[%parallel_loop3A_330, %parallel_loop3A_331], %parallel_loop3A_329 {strides = array<i32>} : memref<128x64xf32, #tpu.memory_space<vmem>>, vector<16xf32>,
        %parallel_loop3A_333 = arith.index_cast %parallel_loop3A_298 : i32 to index
        %parallel_loop3A_334 = arith.constant 32 : index
        %parallel_loop3A_335 = tpu.vector_load %arg10[%parallel_loop3A_333, %parallel_loop3A_334] {strides = array<i32>} : memref<128x64xbf16, #tpu.memory_space<vmem>>, vector<32xbf16>,
        %parallel_loop3A_336 = vector.bitcast %parallel_loop3A_335 : vector<32xbf16> to vector<16xi32>
        %parallel_loop3A_337 = arith.index_cast %parallel_loop3A_298 : i32 to index
        %parallel_loop3A_338 = arith.constant 32 : index
        %parallel_loop3A_339 = tpu.vector_load %arg12[%parallel_loop3A_337, %parallel_loop3A_338] {strides = array<i32>} : memref<128x64xbf16, #tpu.memory_space<vmem>>, vector<32xbf16>,
        %parallel_loop3A_340 = vector.bitcast %parallel_loop3A_339 : vector<32xbf16> to vector<16xi32>
        %parallel_loop3A_341 = arith.constant 16 : i32
        %parallel_loop3A_342 = vector.broadcast %parallel_loop3A_341 : i32 to vector<16xi32>
        %parallel_loop3A_343 = arith.shli %parallel_loop3A_336, %parallel_loop3A_342 : vector<16xi32>
        %parallel_loop3A_344 = vector.bitcast %parallel_loop3A_343 : vector<16xi32> to vector<16xf32>
        %parallel_loop3A_345 = arith.constant 16 : i32
        %parallel_loop3A_346 = vector.broadcast %parallel_loop3A_345 : i32 to vector<16xi32>
        %parallel_loop3A_347 = arith.shli %parallel_loop3A_340, %parallel_loop3A_346 : vector<16xi32>
        %parallel_loop3A_348 = vector.bitcast %parallel_loop3A_347 : vector<16xi32> to vector<16xf32>
        %parallel_loop3A_349 = arith.andi %parallel_loop3A_336, %broadcast_in_dim3A_272 : vector<16xi32>
        %parallel_loop3A_350 = vector.bitcast %parallel_loop3A_349 : vector<16xi32> to vector<16xf32>
        %parallel_loop3A_351 = arith.andi %parallel_loop3A_340, %broadcast_in_dim3A_272 : vector<16xi32>
        %parallel_loop3A_352 = vector.bitcast %parallel_loop3A_351 : vector<16xi32> to vector<16xf32>
        %parallel_loop3A_353 = arith.addf %parallel_loop3A_344, %parallel_loop3A_348 : vector<16xf32>
        %parallel_loop3A_354 = arith.constant 0.000000e+00 : f32
        %parallel_loop3A_355 = vector.broadcast %parallel_loop3A_354 : f32 to vector<16xf32>
        %parallel_loop3A_356 = arith.maximumf %parallel_loop3A_353, %parallel_loop3A_355 : vector<16xf32>
        %parallel_loop3A_357 = arith.index_cast %parallel_loop3A_298 : i32 to index
        %parallel_loop3A_358 = arith.constant 32 : index
        %parallel_loop3A_359 = tpu.vector_load %arg14[%parallel_loop3A_357, %parallel_loop3A_358] {strides = array<i32>} : memref<128x64xf32, #tpu.memory_space<vmem>>, vector<16xf32>,
        tpu.vector_store %arg14[%parallel_loop3A_357, %parallel_loop3A_358], %parallel_loop3A_356 {strides = array<i32>} : memref<128x64xf32, #tpu.memory_space<vmem>>, vector<16xf32>,
        %parallel_loop3A_360 = arith.addf %parallel_loop3A_350, %parallel_loop3A_352 : vector<16xf32>
        %parallel_loop3A_361 = arith.constant 0.000000e+00 : f32
        %parallel_loop3A_362 = vector.broadcast %parallel_loop3A_361 : f32 to vector<16xf32>
        %parallel_loop3A_363 = arith.maximumf %parallel_loop3A_360, %parallel_loop3A_362 : vector<16xf32>
        %parallel_loop3A_364 = arith.index_cast %parallel_loop3A_298 : i32 to index
        %parallel_loop3A_365 = arith.constant 48 : index
        %parallel_loop3A_366 = tpu.vector_load %arg14[%parallel_loop3A_364, %parallel_loop3A_365] {strides = array<i32>} : memref<128x64xf32, #tpu.memory_space<vmem>>, vector<16xf32>,
        tpu.vector_store %arg14[%parallel_loop3A_364, %parallel_loop3A_365], %parallel_loop3A_363 {strides = array<i32>} : memref<128x64xf32, #tpu.memory_space<vmem>>, vector<16xf32>,
      } {sc.loop_unroll_factor = 4 : i64, sc.parallel_access}
      %dma_start3A_276 = arith.constant 39 : i32
      %dma_start3A_277 = arith.constant 0 : i32
      %dma_start3A_278 = tpu.memref_slice %arg8[%dma_start3A_276, %dma_start3A_277] : memref<40x128xi32, #tpu.memory_space<vmem>> -> memref<1x128xi32, #tpu.memory_space<vmem>>
      %dma_start3A_279 = tpu.memref_squeeze %dma_start3A_278 : memref<1x128xi32, #tpu.memory_space<vmem>> -> memref<128xi32, #tpu.memory_space<vmem>>
      %dma_start3A_280 = arith.constant 0 : i32
      %dma_start3A_281 = arith.constant 0 : i32
      %dma_start3A_282 = tpu.memref_slice %arg15[%dma_start3A_280, %dma_start3A_281] : memref<10240x64xf32, #tpu.memory_space<vmem_shared>> -> memref<10240x64xf32, #tpu.memory_space<vmem_shared>>
      tpu.enqueue_indirect_dma source(%arg14 : memref<128x64xf32, #tpu.memory_space<vmem>>) target(%dma_start3A_282 : memref<10240x64xf32, #tpu.memory_space<vmem_shared>>) offsets(%dma_start3A_279 : memref<128xi32, #tpu.memory_space<vmem>>) semaphore(%arg21 : memref<!tpu.dma_semaphore, #tpu.memory_space<semaphore_mem>>) {add = true}
      %dma_wait3A_283 = arith.constant 0 : i32
      %dma_wait3A_284 = arith.constant 0 : i32
      %dma_wait3A_285 = tpu.memref_slice %arg8[%dma_wait3A_283, %dma_wait3A_284] : memref<40x128xi32, #tpu.memory_space<vmem>> -> memref<1x128xi32, #tpu.memory_space<vmem>>
      %dma_wait3A_286 = tpu.memref_squeeze %dma_wait3A_285 : memref<1x128xi32, #tpu.memory_space<vmem>> -> memref<128xi32, #tpu.memory_space<vmem>>
      %dma_wait3A_287 = arith.constant 0 : i32
      %dma_wait3A_288 = arith.constant 0 : i32
      %dma_wait3A_289 = tpu.memref_slice %arg15[%dma_wait3A_287, %dma_wait3A_288] : memref<10240x64xf32, #tpu.memory_space<vmem_shared>> -> memref<10240x64xf32, #tpu.memory_space<vmem_shared>>
      tpu.wait_indirect_dma semaphore(%arg20 : memref<!tpu.dma_semaphore, #tpu.memory_space<semaphore_mem>>) src(%arg13 : memref<128x64xf32, #tpu.memory_space<vmem>>) dst(%dma_wait3A_289 : memref<10240x64xf32, #tpu.memory_space<vmem_shared>>)
      %dma_wait3A_290 = arith.constant 0 : i32
      %dma_wait3A_291 = arith.constant 0 : i32
      %dma_wait3A_292 = tpu.memref_slice %arg8[%dma_wait3A_290, %dma_wait3A_291] : memref<40x128xi32, #tpu.memory_space<vmem>> -> memref<1x128xi32, #tpu.memory_space<vmem>>
      %dma_wait3A_293 = tpu.memref_squeeze %dma_wait3A_292 : memref<1x128xi32, #tpu.memory_space<vmem>> -> memref<128xi32, #tpu.memory_space<vmem>>
      %dma_wait3A_294 = arith.constant 0 : i32
      %dma_wait3A_295 = arith.constant 0 : i32
      %dma_wait3A_296 = tpu.memref_slice %arg15[%dma_wait3A_294, %dma_wait3A_295] : memref<10240x64xf32, #tpu.memory_space<vmem_shared>> -> memref<10240x64xf32, #tpu.memory_space<vmem_shared>>
      tpu.wait_indirect_dma semaphore(%arg21 : memref<!tpu.dma_semaphore, #tpu.memory_space<semaphore_mem>>) src(%arg14 : memref<128x64xf32, #tpu.memory_space<vmem>>) dst(%dma_wait3A_296 : memref<10240x64xf32, #tpu.memory_space<vmem_shared>>)
      %scan3A_297 = arith.constant 0 : i32
      scf.yield %scan3A_297 : i32
    }
    %scan3A_31 = arith.constant 4 : i32
    %barrier3A_32 = arith.constant 0 : index
    tpu.barrier barrier_id(%barrier3A_32)
    %mul3A_33 = arith.constant 640 : i32
    %mul3A_34 = arith.muli %arg1, %mul3A_33 : i32
    "tpu.region"() ({
      %run_scoped3A = tpu.sem_alloc : memref<!tpu.dma_semaphore, #tpu.memory_space<semaphore_mem>>
      %dma_start3A = arith.constant 0 : i32
      %dma_start3A_35 = tpu.memref_slice %arg6[%arg0, %mul3A_34, %dma_start3A] : memref<2x10240x64xf32, #tpu.memory_space<hbm>> -> memref<1x640x64xf32, #tpu.memory_space<hbm>>
      %dma_start3A_36 = tpu.memref_squeeze %dma_start3A_35 : memref<1x640x64xf32, #tpu.memory_space<hbm>> -> memref<640x64xf32, #tpu.memory_space<hbm>>
      %dma_start3A_37 = arith.constant 0 : i32
      %dma_start3A_38 = tpu.memref_slice %arg15[%mul3A_34, %dma_start3A_37] : memref<10240x64xf32, #tpu.memory_space<vmem_shared>> -> memref<640x64xf32, #tpu.memory_space<vmem_shared>>
      tpu.enqueue_dma source(%dma_start3A_38 : memref<640x64xf32, #tpu.memory_space<vmem_shared>>) target(%dma_start3A_36 : memref<640x64xf32, #tpu.memory_space<hbm>>) target_semaphore(%run_scoped3A : memref<!tpu.dma_semaphore, #tpu.memory_space<semaphore_mem>>)
      %dma_wait3A = arith.constant 0 : i32
      %dma_wait3A_39 = tpu.memref_slice %arg6[%arg0, %mul3A_34, %dma_wait3A] : memref<2x10240x64xf32, #tpu.memory_space<hbm>> -> memref<1x640x64xf32, #tpu.memory_space<hbm>>
      %dma_wait3A_40 = tpu.memref_squeeze %dma_wait3A_39 : memref<1x640x64xf32, #tpu.memory_space<hbm>> -> memref<640x64xf32, #tpu.memory_space<hbm>>
      %dma_wait3A_41 = arith.constant 0 : i32
      %dma_wait3A_42 = tpu.memref_slice %arg15[%mul3A_34, %dma_wait3A_41] : memref<10240x64xf32, #tpu.memory_space<vmem_shared>> -> memref<640x64xf32, #tpu.memory_space<vmem_shared>>
      tpu.wait_dma2 semaphore(%run_scoped3A : memref<!tpu.dma_semaphore, #tpu.memory_space<semaphore_mem>>) src(%dma_wait3A_42 : memref<640x64xf32, #tpu.memory_space<vmem_shared>>) dst(%dma_wait3A_40 : memref<640x64xf32, #tpu.memory_space<hbm>>)
      tpu.yield
    }) : () -> ()
    return
  }
}

module attributes {stable_mosaic.version = 14 : i64} {
  func.func @_pre_body(%arg0: i32, %arg1: memref<2048x128xf32, #tpu.memory_space<vmem>>, %arg2: memref<128x128xf32, #tpu.memory_space<vmem>>, %arg3: memref<128x128xf32, #tpu.memory_space<vmem>>, %arg4: memref<1x128xf32, #tpu.memory_space<vmem>>, %arg5: memref<2x2048x64xbf16, #tpu.memory_space<vmem>>, %arg6: memref<2x2048x64xbf16, #tpu.memory_space<vmem>>) attributes {dimension_semantics = [#tpu.dimension_semantics<arbitrary>], iteration_bounds = array<i64: 5>, scalar_prefetch = 0 : i64, scratch_operands = 0 : i64, tpu.core_type = #tpu.core_type<tc>, window_params = [{transform_indices = @transform_0, window_bounds = array<i64: 2048, 128>}, {pipeline_mode = #tpu.pipeline_mode<synchronous>, transform_indices = @transform_1, window_bounds = array<i64: 128, 128>}, {pipeline_mode = #tpu.pipeline_mode<synchronous>, transform_indices = @transform_2, window_bounds = array<i64: 128, 128>}, {pipeline_mode = #tpu.pipeline_mode<synchronous>, transform_indices = @transform_3, window_bounds = array<i64: 1, 128>}, {transform_indices = @transform_4, window_bounds = array<i64: 2, 2048, 64>}, {transform_indices = @transform_5, window_bounds = array<i64: 2, 2048, 64>}]} {
    %get3A = arith.constant 0 : index
    %get3A_0 = arith.constant 0 : index
    %get3A_1 = vector.load %arg1[%get3A, %get3A_0] : memref<2048x128xf32, #tpu.memory_space<vmem>>, vector<2048x128xf32>
    %get3A_2 = arith.constant 0 : index
    %get3A_3 = arith.constant 0 : index
    %get3A_4 = vector.load %arg2[%get3A_2, %get3A_3] : memref<128x128xf32, #tpu.memory_space<vmem>>, vector<128x128xf32>
    %dot_general3A = arith.constant dense<0.000000e+00> : vector<2048x128xf32>
    %dot_general3A_5 = tpu.matmul %get3A_1, %get3A_4, %dot_general3A {dimension_numbers = #tpu.dot_dimension_numbers<[1], [0], [0], [1], [0, 0, 1, 1], [], []>, transpose_lhs_hint = false} : vector<2048x128xf32>, vector<128x128xf32>, vector<2048x128xf32> -> vector<2048x128xf32>
    %convert_element_type3A = arith.truncf %dot_general3A_5 : vector<2048x128xf32> to vector<2048x128xbf16>
    %get3A_6 = arith.constant 0 : index
    %get3A_7 = arith.constant 0 : index
    %get3A_8 = vector.load %arg3[%get3A_6, %get3A_7] : memref<128x128xf32, #tpu.memory_space<vmem>>, vector<128x128xf32>
    %dot_general3A_9 = arith.constant dense<0.000000e+00> : vector<2048x128xf32>
    %dot_general3A_10 = tpu.matmul %get3A_1, %get3A_8, %dot_general3A_9 {dimension_numbers = #tpu.dot_dimension_numbers<[1], [0], [0], [1], [0, 0, 1, 1], [], []>, transpose_lhs_hint = false} : vector<2048x128xf32>, vector<128x128xf32>, vector<2048x128xf32> -> vector<2048x128xf32>
    %get3A_11 = arith.constant 0 : index
    %get3A_12 = arith.constant 0 : index
    %get3A_13 = vector.load %arg4[%get3A_11, %get3A_12] : memref<1x128xf32, #tpu.memory_space<vmem>>, vector<1x128xf32>
    %add3A = vector.broadcast %get3A_13 : vector<1x128xf32> to vector<2048x128xf32>
    %add3A_14 = arith.addf %dot_general3A_10, %add3A : vector<2048x128xf32>
    %convert_element_type3A_15 = arith.truncf %add3A_14 : vector<2048x128xf32> to vector<2048x128xbf16>
    %slice3A = vector.extract_strided_slice %convert_element_type3A {offsets = [0, 0], sizes = [2048, 64], strides = [1, 1]} : vector<2048x128xbf16> to vector<2048x64xbf16>
    %swap3A = arith.constant 0 : index
    %swap3A_16 = arith.constant 0 : index
    %swap3A_17 = arith.constant 0 : index
    %swap3A_18 = vector.load %arg5[%swap3A, %swap3A_16, %swap3A_17] : memref<2x2048x64xbf16, #tpu.memory_space<vmem>>, vector<1x2048x64xbf16>
    %swap3A_19 = vector.shape_cast %swap3A_18 : vector<1x2048x64xbf16> to vector<2048x64xbf16>
    %swap3A_20 = vector.shape_cast %slice3A : vector<2048x64xbf16> to vector<1x2048x64xbf16>
    tpu.vector_store %arg5[%swap3A, %swap3A_16, %swap3A_17], %swap3A_20 {strides = array<i32>} : memref<2x2048x64xbf16, #tpu.memory_space<vmem>>, vector<1x2048x64xbf16>,
    %slice3A_21 = vector.extract_strided_slice %convert_element_type3A {offsets = [0, 64], sizes = [2048, 64], strides = [1, 1]} : vector<2048x128xbf16> to vector<2048x64xbf16>
    %swap3A_22 = arith.constant 1 : index
    %swap3A_23 = arith.constant 0 : index
    %swap3A_24 = arith.constant 0 : index
    %swap3A_25 = vector.load %arg5[%swap3A_22, %swap3A_23, %swap3A_24] : memref<2x2048x64xbf16, #tpu.memory_space<vmem>>, vector<1x2048x64xbf16>
    %swap3A_26 = vector.shape_cast %swap3A_25 : vector<1x2048x64xbf16> to vector<2048x64xbf16>
    %swap3A_27 = vector.shape_cast %slice3A_21 : vector<2048x64xbf16> to vector<1x2048x64xbf16>
    tpu.vector_store %arg5[%swap3A_22, %swap3A_23, %swap3A_24], %swap3A_27 {strides = array<i32>} : memref<2x2048x64xbf16, #tpu.memory_space<vmem>>, vector<1x2048x64xbf16>,
    %slice3A_28 = vector.extract_strided_slice %convert_element_type3A_15 {offsets = [0, 0], sizes = [2048, 64], strides = [1, 1]} : vector<2048x128xbf16> to vector<2048x64xbf16>
    %swap3A_29 = arith.constant 0 : index
    %swap3A_30 = arith.constant 0 : index
    %swap3A_31 = arith.constant 0 : index
    %swap3A_32 = vector.load %arg6[%swap3A_29, %swap3A_30, %swap3A_31] : memref<2x2048x64xbf16, #tpu.memory_space<vmem>>, vector<1x2048x64xbf16>
    %swap3A_33 = vector.shape_cast %swap3A_32 : vector<1x2048x64xbf16> to vector<2048x64xbf16>
    %swap3A_34 = vector.shape_cast %slice3A_28 : vector<2048x64xbf16> to vector<1x2048x64xbf16>
    tpu.vector_store %arg6[%swap3A_29, %swap3A_30, %swap3A_31], %swap3A_34 {strides = array<i32>} : memref<2x2048x64xbf16, #tpu.memory_space<vmem>>, vector<1x2048x64xbf16>,
    %slice3A_35 = vector.extract_strided_slice %convert_element_type3A_15 {offsets = [0, 64], sizes = [2048, 64], strides = [1, 1]} : vector<2048x128xbf16> to vector<2048x64xbf16>
    %swap3A_36 = arith.constant 1 : index
    %swap3A_37 = arith.constant 0 : index
    %swap3A_38 = arith.constant 0 : index
    %swap3A_39 = vector.load %arg6[%swap3A_36, %swap3A_37, %swap3A_38] : memref<2x2048x64xbf16, #tpu.memory_space<vmem>>, vector<1x2048x64xbf16>
    %swap3A_40 = vector.shape_cast %swap3A_39 : vector<1x2048x64xbf16> to vector<2048x64xbf16>
    %swap3A_41 = vector.shape_cast %slice3A_35 : vector<2048x64xbf16> to vector<1x2048x64xbf16>
    tpu.vector_store %arg6[%swap3A_36, %swap3A_37, %swap3A_38], %swap3A_41 {strides = array<i32>} : memref<2x2048x64xbf16, #tpu.memory_space<vmem>>, vector<1x2048x64xbf16>,
    return
  }
  func.func @transform_0(%arg0: i32) -> (i32, i32) {
    %c0_i32 = arith.constant 0 : i32
    %c0_i32_0 = arith.constant 0 : i32
    return %arg0, %c0_i32 : i32, i32
  }
  func.func @transform_1(%arg0: i32) -> (i32, i32) {
    %c0_i32 = arith.constant 0 : i32
    %c0_i32_0 = arith.constant 0 : i32
    %c0_i32_1 = arith.constant 0 : i32
    return %c0_i32, %c0_i32_0 : i32, i32
  }
  func.func @transform_2(%arg0: i32) -> (i32, i32) {
    %c0_i32 = arith.constant 0 : i32
    %c0_i32_0 = arith.constant 0 : i32
    %c0_i32_1 = arith.constant 0 : i32
    return %c0_i32, %c0_i32_0 : i32, i32
  }
  func.func @transform_3(%arg0: i32) -> (i32, i32) {
    %c0_i32 = arith.constant 0 : i32
    %c0_i32_0 = arith.constant 0 : i32
    %c0_i32_1 = arith.constant 0 : i32
    return %c0_i32, %c0_i32_0 : i32, i32
  }
  func.func @transform_4(%arg0: i32) -> (i32, i32, i32) {
    %c0_i32 = arith.constant 0 : i32
    %c0_i32_0 = arith.constant 0 : i32
    %c0_i32_1 = arith.constant 0 : i32
    return %c0_i32, %arg0, %c0_i32_0 : i32, i32, i32
  }
  func.func @transform_5(%arg0: i32) -> (i32, i32, i32) {
    %c0_i32 = arith.constant 0 : i32
    %c0_i32_0 = arith.constant 0 : i32
    %c0_i32_1 = arith.constant 0 : i32
    return %c0_i32, %arg0, %c0_i32_0 : i32, i32, i32
  }
}

module attributes {stable_mosaic.version = 14 : i64} {
  func.func @_post_body(%arg0: i32, %arg1: memref<2000x128xf32, #tpu.memory_space<vmem>>, %arg2: memref<2000x64xf32, #tpu.memory_space<vmem>>, %arg3: memref<2000x64xf32, #tpu.memory_space<vmem>>, %arg4: memref<128x128xf32, #tpu.memory_space<vmem>>, %arg5: memref<64x128xf32, #tpu.memory_space<vmem>>, %arg6: memref<64x128xf32, #tpu.memory_space<vmem>>, %arg7: memref<1x128xf32, #tpu.memory_space<vmem>>, %arg8: memref<128x128xf32, #tpu.memory_space<vmem>>, %arg9: memref<1x128xf32, #tpu.memory_space<vmem>>, %arg10: memref<128x128xf32, #tpu.memory_space<vmem>>, %arg11: memref<1x128xf32, #tpu.memory_space<vmem>>, %arg12: memref<2000x128xf32, #tpu.memory_space<vmem>>) attributes {dimension_semantics = [#tpu.dimension_semantics<arbitrary>], iteration_bounds = array<i64: 5>, scalar_prefetch = 0 : i64, scratch_operands = 0 : i64, tpu.core_type = #tpu.core_type<tc>, window_params = [{transform_indices = @transform_0, window_bounds = array<i64: 2000, 128>}, {transform_indices = @transform_1, window_bounds = array<i64: 2000, 64>}, {transform_indices = @transform_2, window_bounds = array<i64: 2000, 64>}, {pipeline_mode = #tpu.pipeline_mode<synchronous>, transform_indices = @transform_3, window_bounds = array<i64: 128, 128>}, {pipeline_mode = #tpu.pipeline_mode<synchronous>, transform_indices = @transform_4, window_bounds = array<i64: 64, 128>}, {pipeline_mode = #tpu.pipeline_mode<synchronous>, transform_indices = @transform_5, window_bounds = array<i64: 64, 128>}, {pipeline_mode = #tpu.pipeline_mode<synchronous>, transform_indices = @transform_6, window_bounds = array<i64: 1, 128>}, {pipeline_mode = #tpu.pipeline_mode<synchronous>, transform_indices = @transform_7, window_bounds = array<i64: 128, 128>}, {pipeline_mode = #tpu.pipeline_mode<synchronous>, transform_indices = @transform_8, window_bounds = array<i64: 1, 128>}, {pipeline_mode = #tpu.pipeline_mode<synchronous>, transform_indices = @transform_9, window_bounds = array<i64: 128, 128>}, {pipeline_mode = #tpu.pipeline_mode<synchronous>, transform_indices = @transform_10, window_bounds = array<i64: 1, 128>}, {transform_indices = @transform_11, window_bounds = array<i64: 2000, 128>}]} {
    %get3A = arith.constant 0 : index
    %get3A_0 = arith.constant 0 : index
    %get3A_1 = vector.load %arg1[%get3A, %get3A_0] : memref<2000x128xf32, #tpu.memory_space<vmem>>, vector<2000x128xf32>
    %get3A_2 = arith.constant 0 : index
    %get3A_3 = arith.constant 0 : index
    %get3A_4 = vector.load %arg4[%get3A_2, %get3A_3] : memref<128x128xf32, #tpu.memory_space<vmem>>, vector<128x128xf32>
    %dot_general3A = arith.constant dense<0.000000e+00> : vector<2000x128xf32>
    %dot_general3A_5 = tpu.matmul %get3A_1, %get3A_4, %dot_general3A {dimension_numbers = #tpu.dot_dimension_numbers<[1], [0], [0], [1], [0, 0, 1, 1], [], []>, transpose_lhs_hint = false} : vector<2000x128xf32>, vector<128x128xf32>, vector<2000x128xf32> -> vector<2000x128xf32>
    %get3A_6 = arith.constant 0 : index
    %get3A_7 = arith.constant 0 : index
    %get3A_8 = vector.load %arg2[%get3A_6, %get3A_7] : memref<2000x64xf32, #tpu.memory_space<vmem>>, vector<2000x64xf32>
    %get3A_9 = arith.constant 0 : index
    %get3A_10 = arith.constant 0 : index
    %get3A_11 = vector.load %arg5[%get3A_9, %get3A_10] : memref<64x128xf32, #tpu.memory_space<vmem>>, vector<64x128xf32>
    %dot_general3A_12 = arith.constant dense<0.000000e+00> : vector<2000x128xf32>
    %dot_general3A_13 = tpu.matmul %get3A_8, %get3A_11, %dot_general3A_12 {dimension_numbers = #tpu.dot_dimension_numbers<[1], [0], [0], [1], [0, 0, 1, 1], [], []>, transpose_lhs_hint = false} : vector<2000x64xf32>, vector<64x128xf32>, vector<2000x128xf32> -> vector<2000x128xf32>
    %add3A = arith.addf %dot_general3A_5, %dot_general3A_13 : vector<2000x128xf32>
    %get3A_14 = arith.constant 0 : index
    %get3A_15 = arith.constant 0 : index
    %get3A_16 = vector.load %arg3[%get3A_14, %get3A_15] : memref<2000x64xf32, #tpu.memory_space<vmem>>, vector<2000x64xf32>
    %get3A_17 = arith.constant 0 : index
    %get3A_18 = arith.constant 0 : index
    %get3A_19 = vector.load %arg6[%get3A_17, %get3A_18] : memref<64x128xf32, #tpu.memory_space<vmem>>, vector<64x128xf32>
    %dot_general3A_20 = arith.constant dense<0.000000e+00> : vector<2000x128xf32>
    %dot_general3A_21 = tpu.matmul %get3A_16, %get3A_19, %dot_general3A_20 {dimension_numbers = #tpu.dot_dimension_numbers<[1], [0], [0], [1], [0, 0, 1, 1], [], []>, transpose_lhs_hint = false} : vector<2000x64xf32>, vector<64x128xf32>, vector<2000x128xf32> -> vector<2000x128xf32>
    %add3A_22 = arith.addf %add3A, %dot_general3A_21 : vector<2000x128xf32>
    %get3A_23 = arith.constant 0 : index
    %get3A_24 = arith.constant 0 : index
    %get3A_25 = vector.load %arg7[%get3A_23, %get3A_24] : memref<1x128xf32, #tpu.memory_space<vmem>>, vector<1x128xf32>
    %add3A_26 = vector.broadcast %get3A_25 : vector<1x128xf32> to vector<2000x128xf32>
    %add3A_27 = arith.addf %add3A_22, %add3A_26 : vector<2000x128xf32>
    %tanh3A = math.tanh %add3A_27 : vector<2000x128xf32>
    %get3A_28 = arith.constant 0 : index
    %get3A_29 = arith.constant 0 : index
    %get3A_30 = vector.load %arg8[%get3A_28, %get3A_29] : memref<128x128xf32, #tpu.memory_space<vmem>>, vector<128x128xf32>
    %dot_general3A_31 = arith.constant dense<0.000000e+00> : vector<2000x128xf32>
    %dot_general3A_32 = tpu.matmul %tanh3A, %get3A_30, %dot_general3A_31 {dimension_numbers = #tpu.dot_dimension_numbers<[1], [0], [0], [1], [0, 0, 1, 1], [], []>, transpose_lhs_hint = false} : vector<2000x128xf32>, vector<128x128xf32>, vector<2000x128xf32> -> vector<2000x128xf32>
    %get3A_33 = arith.constant 0 : index
    %get3A_34 = arith.constant 0 : index
    %get3A_35 = vector.load %arg9[%get3A_33, %get3A_34] : memref<1x128xf32, #tpu.memory_space<vmem>>, vector<1x128xf32>
    %add3A_36 = vector.broadcast %get3A_35 : vector<1x128xf32> to vector<2000x128xf32>
    %add3A_37 = arith.addf %dot_general3A_32, %add3A_36 : vector<2000x128xf32>
    %tanh3A_38 = math.tanh %add3A_37 : vector<2000x128xf32>
    %get3A_39 = arith.constant 0 : index
    %get3A_40 = arith.constant 0 : index
    %get3A_41 = vector.load %arg10[%get3A_39, %get3A_40] : memref<128x128xf32, #tpu.memory_space<vmem>>, vector<128x128xf32>
    %dot_general3A_42 = arith.constant dense<0.000000e+00> : vector<2000x128xf32>
    %dot_general3A_43 = tpu.matmul %tanh3A_38, %get3A_41, %dot_general3A_42 {dimension_numbers = #tpu.dot_dimension_numbers<[1], [0], [0], [1], [0, 0, 1, 1], [], []>, transpose_lhs_hint = false} : vector<2000x128xf32>, vector<128x128xf32>, vector<2000x128xf32> -> vector<2000x128xf32>
    %get3A_44 = arith.constant 0 : index
    %get3A_45 = arith.constant 0 : index
    %get3A_46 = vector.load %arg11[%get3A_44, %get3A_45] : memref<1x128xf32, #tpu.memory_space<vmem>>, vector<1x128xf32>
    %add3A_47 = vector.broadcast %get3A_46 : vector<1x128xf32> to vector<2000x128xf32>
    %add3A_48 = arith.addf %dot_general3A_43, %add3A_47 : vector<2000x128xf32>
    %swap3A = arith.constant 0 : index
    %swap3A_49 = arith.constant 0 : index
    %swap3A_50 = vector.load %arg12[%swap3A, %swap3A_49] : memref<2000x128xf32, #tpu.memory_space<vmem>>, vector<2000x128xf32>
    tpu.vector_store %arg12[%swap3A, %swap3A_49], %add3A_48 {strides = array<i32>} : memref<2000x128xf32, #tpu.memory_space<vmem>>, vector<2000x128xf32>,
    return
  }
  func.func @transform_0(%arg0: i32) -> (i32, i32) {
    %c0_i32 = arith.constant 0 : i32
    %c0_i32_0 = arith.constant 0 : i32
    return %arg0, %c0_i32 : i32, i32
  }
  func.func @transform_1(%arg0: i32) -> (i32, i32) {
    %c0_i32 = arith.constant 0 : i32
    %c0_i32_0 = arith.constant 0 : i32
    return %arg0, %c0_i32 : i32, i32
  }
  func.func @transform_2(%arg0: i32) -> (i32, i32) {
    %c0_i32 = arith.constant 0 : i32
    %c0_i32_0 = arith.constant 0 : i32
    return %arg0, %c0_i32 : i32, i32
  }
  func.func @transform_3(%arg0: i32) -> (i32, i32) {
    %c0_i32 = arith.constant 0 : i32
    %c0_i32_0 = arith.constant 0 : i32
    %c0_i32_1 = arith.constant 0 : i32
    return %c0_i32, %c0_i32_0 : i32, i32
  }
  func.func @transform_4(%arg0: i32) -> (i32, i32) {
    %c0_i32 = arith.constant 0 : i32
    %c0_i32_0 = arith.constant 0 : i32
    %c0_i32_1 = arith.constant 0 : i32
    return %c0_i32, %c0_i32_0 : i32, i32
  }
  func.func @transform_5(%arg0: i32) -> (i32, i32) {
    %c0_i32 = arith.constant 0 : i32
    %c0_i32_0 = arith.constant 0 : i32
    %c0_i32_1 = arith.constant 0 : i32
    return %c0_i32, %c0_i32_0 : i32, i32
  }
  func.func @transform_6(%arg0: i32) -> (i32, i32) {
    %c0_i32 = arith.constant 0 : i32
    %c0_i32_0 = arith.constant 0 : i32
    %c0_i32_1 = arith.constant 0 : i32
    return %c0_i32, %c0_i32_0 : i32, i32
  }
  func.func @transform_7(%arg0: i32) -> (i32, i32) {
    %c0_i32 = arith.constant 0 : i32
    %c0_i32_0 = arith.constant 0 : i32
    %c0_i32_1 = arith.constant 0 : i32
    return %c0_i32, %c0_i32_0 : i32, i32
  }
  func.func @transform_8(%arg0: i32) -> (i32, i32) {
    %c0_i32 = arith.constant 0 : i32
    %c0_i32_0 = arith.constant 0 : i32
    %c0_i32_1 = arith.constant 0 : i32
    return %c0_i32, %c0_i32_0 : i32, i32
  }
  func.func @transform_9(%arg0: i32) -> (i32, i32) {
    %c0_i32 = arith.constant 0 : i32
    %c0_i32_0 = arith.constant 0 : i32
    %c0_i32_1 = arith.constant 0 : i32
    return %c0_i32, %c0_i32_0 : i32, i32
  }
  func.func @transform_10(%arg0: i32) -> (i32, i32) {
    %c0_i32 = arith.constant 0 : i32
    %c0_i32_0 = arith.constant 0 : i32
    %c0_i32_1 = arith.constant 0 : i32
    return %c0_i32, %c0_i32_0 : i32, i32
  }
  func.func @transform_11(%arg0: i32) -> (i32, i32) {
    %c0_i32 = arith.constant 0 : i32
    %c0_i32_0 = arith.constant 0 : i32
    return %arg0, %c0_i32 : i32, i32
  }
}

</mosaic_0001>

<sc_bundles>
// kernel: kernel.5.cloned.1.call-start
scs
__scs_entry_jumppad:
0x0: {  	(pc) =	sbr.rel $0x88, $3  }
0x1: {  	(tag) =	ssettag $0x0;
	lr =	simm.s32 $0x1  }
0x2: {  	[smem:$0x3F97] =	sst lr;
	_ =	strace $0xD0000000  }
0x3: {  	_ = 	snop  }
0x4: {  	_ = 	snop  }
0x5: {  	_ = 	snop  }
0x6: {  	_ = 	snop  }
0x7: {  	_ = 	snop  }
__scs_overlays_trampoline_lowered:
0x8: {  	[smem:$0x3FA6] =	sst s0  }
0x9: {  	[smem:$0x3FA7] =	sst s1  }
0xa: {  	[smem:$0x3FA8] =	sst s2  }
0xb: {  	[smem:$0x3FA9] =	sst s3  }
0xc: {  	[smem:$0x3FAA] =	sst s4  }
0xd: {  	[smem:$0x3FAB] =	sst s5  }
0xe: {  	[smem:$0x3FAC] =	sst s6  }
0xf: {  	[smem:$0x3FAD] =	sst s7  }
0x10: {  	[smem:$0x3FAE] =	sst s8  }
0x11: {  	[smem:$0x3FAF] =	sst s9;
	s0 =	simm.s32 @!p0 $0x0  }
0x12: {  	s1 =	sld [smem:$0x3F95];
	s0 =	simm.s32 @p0 $0x1  }
0x13: {  	[smem:$0x3FB0] =	sst s0;
	s0 =	simm.s32 @!p1 $0x0  }
0x14: {  	s2 =	sld [smem:$0x3F94];
	s0 =	simm.s32 @p1 $0x1  }
0x15: {  	[smem:$0x3FB1] =	sst s0;
	s0 =	simm.s32 @!p2 $0x0  }
0x16: {  	s3 =	sld [smem:$0x3FDB];
	s0 =	simm.s32 @p2 $0x1  }
0x17: {  	s4 =	simm.s32 $0x1BF5;
	[smem:$0x3FB3] =	sst s0  }
0x18: {  	s0 =	sld [smem:$0x3F96];
	_ =	swait.ge [sflag:s4], $0x0  }
0x19: {  	s7 =	sld [smem:$0x3F97]  }
0x1a: {  	s8 =	sadd.s32 $0xFFFFE003, lr  }
0x1b: {  	s9 =	sadd.s32 $0xFFFFFEF7, lr;
	s5 =	simm.s32 $0xFFFFFFFF;
	p2 =	slt.u32 s8, $0xFFFFF086  }
0x1c: {  	p1 =	slt.u32 s9, $0xF7A;
	s5 =	simm.s32 @!p2 $0x0  }
0x1d: {  	s5 =	simm.s32 @p1 $0x1;
	p0 =	seq.s32 s7, s2  }
0x1e: {  	s7 =	smul.u32 @!p0 $0xF7A, s2;
	p2 =	seq.s32 @!p0 s5, $0x0  }
0x1f: {  	s9 =	smul.u32 $0xF7A, s1;
	s8 =	simm.s32 @!p0 $0x1BF5;
	p2 =	por !p2, p0  }
0x20: {  	[sflag:s8] =	ssyncset.s32 @!p0 $0xFFFFF086;
	s6 =	sadd.s32 @!p0 s3, s7;
	s7 =	simm.s32 @!p0 $0x108  }
0x21: {  	s3 =	sadd.s32 s3, s9;
	s6 =	sadd.s32 @!p0 $0x88, s6;
	s7 =	simm.s32 @p2 $0x1082  }
0x22: {  	[simem:s7], [sflag:s8] =	dma.local @!p0 [hbm:s6], $0xF7A  }
0x23: {  	s9 =	sor.u32 $0xD0000000, s2;
	s6 =	simm.s32 $0x108;
	_ =	swait.ge @!p0 [sflag:s8], $0x0  }
0x24: {  	s3 =	sadd.s32 $0x88, s3;
	s6 =	simm.s32 @!p1 $0x1082;
	[sflag:s4] =	ssyncset.s32 $0xFFFFF086  }
0x25: {  	[simem:s6], [sflag:s4] =	dma.local [hbm:s3], $0xF7A  }
0x26: {  	[smem:$0x3F97] =	sst s1;
	(tag) =	ssettag s2;
	_ =	strace s9  }
0x27: {  	s1 =	sld [smem:$0x3FA7]  }
0x28: {  	s2 =	sld [smem:$0x3FA8]  }
0x29: {  	s4 =	sld [smem:$0x3FAA]  }
0x2a: {  	p0 =	seq.s32 s5, $0x0;
	s5 =	sld [smem:$0x3FAB]  }
0x2b: {  	s6 =	sld [smem:$0x3FAC]  }
0x2c: {  	s7 =	sld [smem:$0x3FAD]  }
0x2d: {  	s3 =	simm.s32 $0x108;
	s8 =	sld [smem:$0x3FAE]  }
0x2e: {  	s3 =	simm.s32 @!p0 $0x1082;
	s9 =	sld [smem:$0x3FAF]  }
0x2f: {  	lr =	sadd.s32 s0, s3;
	s0 =	sld [smem:$0x3FA6]  }
0x30: {  	s3 =	sld [smem:$0x3FA9]  }
0x31: {  	[smem:$0x3FB2] =	sst s10  }
0x32: {  	s10 =	sld [smem:$0x3FB0];
	_ =	sdelay $0x3  }
0x33: {  	p0 =	seq.s32 s10, $0x1;
	s10 =	sld [smem:$0x3FB2];
	_ =	sdelay $0x3  }
0x34: {  	[smem:$0x3FB2] =	sst s10  }
0x35: {  	s10 =	sld [smem:$0x3FB1];
	_ =	sdelay $0x3  }
0x36: {  	p1 =	seq.s32 s10, $0x1;
	s10 =	sld [smem:$0x3FB2];
	_ =	sdelay $0x3  }
0x37: {  	[smem:$0x3FB2] =	sst s10  }
0x38: {  	s10 =	sld [smem:$0x3FB3]  }
0x39: {  	_ = 	snop;
	(pc) =	sbr.ind lr, $3  }
0x3a: {  	_ = 	snop  }
0x3b: {  	_ = 	snop  }
0x3c: {  	p2 =	seq.s32 s10, $0x1;
	s10 =	sld [smem:$0x3FB2]  }
0x3d: {  	_ =	shalt  }
0x3e: {  	_ =	shalt  }
0x3f: {  	_ =	shalt  }
0x40: {  	_ =	shalt  }
0x41: {  	_ =	shalt  }
0x42: {  	_ =	shalt  }
0x43: {  	_ =	shalt  }
0x44: {  	_ =	shalt  }
0x45: {  	_ =	shalt  }
0x46: {  	_ =	shalt  }
0x47: {  	_ =	shalt  }
0x48: {  	_ =	shalt  }
0x49: {  	_ =	shalt  }
0x4a: {  	_ =	shalt  }
0x4b: {  	_ =	shalt  }
0x4c: {  	_ =	shalt  }
0x4d: {  	_ =	shalt  }
0x4e: {  	_ =	shalt  }
0x4f: {  	_ =	shalt  }
0x50: {  	_ =	shalt  }
0x51: {  	_ =	shalt  }
0x52: {  	_ =	shalt  }
0x53: {  	_ =	shalt  }
0x54: {  	_ =	shalt  }
0x55: {  	_ =	shalt  }
0x56: {  	_ =	shalt  }
0x57: {  	_ =	shalt  }
0x58: {  	_ =	shalt  }
0x59: {  	_ =	shalt  }
0x5a: {  	_ =	shalt  }
0x5b: {  	_ =	shalt  }
0x5c: {  	_ =	shalt  }
0x5d: {  	_ =	shalt  }
0x5e: {  	_ =	shalt  }
0x5f: {  	_ =	shalt  }
0x60: {  	_ =	shalt  }
0x61: {  	_ =	shalt  }
0x62: {  	_ =	shalt  }
0x63: {  	_ =	shalt  }
0x64: {  	_ =	shalt  }
0x65: {  	_ =	shalt  }
0x66: {  	_ =	shalt  }
0x67: {  	_ =	shalt  }
0x68: {  	_ =	shalt  }
0x69: {  	_ =	shalt  }
0x6a: {  	_ =	shalt  }
0x6b: {  	_ =	shalt  }
0x6c: {  	_ =	shalt  }
0x6d: {  	_ =	shalt  }
0x6e: {  	_ =	shalt  }
0x6f: {  	_ =	shalt  }
0x70: {  	_ =	shalt  }
0x71: {  	_ =	shalt  }
0x72: {  	_ =	shalt  }
0x73: {  	_ =	shalt  }
0x74: {  	_ =	shalt  }
0x75: {  	_ =	shalt  }
0x76: {  	_ =	shalt  }
0x77: {  	_ =	shalt  }
0x78: {  	_ =	shalt  }
0x79: {  	_ =	shalt  }
0x7a: {  	_ =	shalt  }
0x7b: {  	_ =	shalt  }
0x7c: {  	_ =	shalt  }
0x7d: {  	_ =	shalt  }
0x7e: {  	_ =	shalt  }
0x7f: {  	_ =	shalt  }
0x80: {  	_ =	shalt  }
0x81: {  	_ =	shalt  }
0x82: {  	_ =	shalt  }
0x83: {  	_ =	shalt  }
0x84: {  	_ =	shalt  }
0x85: {  	_ =	shalt  }
0x86: {  	_ =	shalt  }
0x87: {  	_ =	shalt  }
.Lfunc_end0:
.L_simem_size_0:
called_computation_lowered:
.L_overlay_start_0:
0x88: {  	s2 =	sld [smem:$0x3FD9]  }
0x89: {  	s3 =	sld [smem:$0x3FFE];
	_ =	sdelay $0x1  }
0x8a: {  	s1 =	srdreg.scid  }
0x8b: {  	s0 =	sand.u32 $0x1, s1  }
0x8c: {  	s17 =	sshll.u32 s0, $0xA;
	s2 =	sadd.s32 s3, s2  }
0x8d: {  	s2 =	sadd.s32 s2, s17  }
0x8e: {  	[smem:$0x3FBE] =	sst s2  }
0x8f: {  	_ = 	snop  }
0x90: {  	s2 =	sld [smem:$0x3FD0];
	(tm) =	ssettm $0x1  }
0x91: {  	s18 =	sld [smem:$0x3FFB];
	_ =	sdelay $0x3  }
0x92: {  	_ =	strace s18  }
0x93: {  	s3 =	sld [smem:$0x3FFC];
	_ =	sdelay $0x3  }
0x94: {  	_ =	strace s3  }
0x95: {  	s3 =	sld [smem:$0x3FFD];
	_ =	sdelay $0x3  }
0x96: {  	_ =	strace s3  }
0x97: {  	_ =	strace $0x8FFFFFFF  }
0x98: {  	s19 =	sld [smem:$0x3FDB];
	_ =	sdelay $0x1  }
0x99: {  	s4 =	simm.s32 $_scs_section_size  }
0x9a: {  	s5 =	simm.s32 $_size__tile_overlayer_lowered;
	s6 =	simm.s32 $_tile_overlayer_lowered  }
0x9b: {  	s22 =	simm.s32 $0x1BFF;
	s21 =	sshll.u32 s6, $0x1;
	s3 =	sadd.s32 s4, s19  }
0x9c: {  	s7 =	simm.s32 $0x0;
	s20 =	sshll.u32 s5, $0x1;
	s5 =	sadd.s32 s21, s3  }
0x9d: {  	[timem:s7], [sflag:s22] =	dma.local [hbm:s5], s20  }
0x9e: {  	_ =	swait.ge [sflag:s22], s20  }
0x9f: {  	s4 =	ssub.s32 $0x0, s20;
	[sflag:s22] =	ssyncset.done $0x0  }
0xa0: {  	[sflag:s22] =	ssyncadd.s32 s4;
	_ =	sdelay $0x1  }
0xa1: {  	s23 =	simm.s32 $0x1B8B  }
0xa2: {  	_ =	swait.ge [sflag:s23], $0x1  }
0xa3: {  	[sflag:s23] =	ssyncset.done $0x0  }
0xa4: {  	s25 =	simm.s32 $0x1B8E;
	s24 =	sld [smem:$0x3FFE];
	[sflag:s23] =	ssyncadd.s32 $0xFFFFFFFF  }
0xa5: {  	s26 =	simm.s32 $execute0_lowered;
	[smem:$0x3FD2] =	sst s25  }
0xa6: {  	s5 =	sshll.u32 s26, $0x1;
	_ =	strace $0x80000046;
	[dreg:$0x1] =	wrdreg $0xFFFFFFFF  }
0xa7: {  	s28 =	simm.s32 $_size_execute0_lowered;
	s3 =	sadd.s32 s3, s5;
	[dreg:$0x0] =	wrdreg $0x0  }
0xa8: {  	s5 =	sshll.u32 s28, $0x1;
	[dreg:$0x2] =	wrdreg s3  }
0xa9: {  	[dreg:$0x3] =	wrdreg s5  }
0xaa: {  	[dreg:$0x4] =	wrdreg $0xC0  }
0xab: {  	_ =	task [dreg:s7], $0x5FFFF  }
0xac: {  	[dreg:$0x1] =	wrdreg $0xFFFFFFFF  }
0xad: {  	[dreg:$0x0] =	wrdreg $0x60  }
0xae: {  	[dreg:$0x2] =	wrdreg s2  }
0xaf: {  	[dreg:$0x3] =	wrdreg s24  }
0xb0: {  	[dreg:$0x4] =	wrdreg $0xA8000  }
0xb1: {  	[dreg:$0x5] =	wrdreg $0x9  }
0xb2: {  	_ =	task.clear_ibuf [dreg:s7], $0x6FFFF;
	_ =	strace $0x90000046  }
0xb3: {  	s29 =	simm.s32 $0x9;
	_ =	strace $0x80000048  }
0xb4: {  	_ =	swait.ge [sflag:s29], $0x1  }
0xb5: {  	[sflag:s29] =	ssyncadd.s32 $0xFFFFFFFF  }
0xb6: {  	_ =	strace $0x90000048  }
0xb7: {  	_ =	sfence  }
0xb8: {  	s30 =	sld [smem:$0x0];
	_ =	sdelay $0x2  }
0xb9: {  	s31 =	sshll.u32 s1, $0xD;
	s1 =	sshrl.u32 s1, $0x2  }
0xba: {  	s3 =	sand.u32 $0x4000, s31;
	s1 =	sadd.s32 s1, s30  }
0xbb: {  	s0 =	sor.u32 s3, s0;
	s1 =	sshll.u32 s1, $0x11  }
0xbc: {  	s0 =	sor.u32 s1, s0  }
0xbd: {  	s0 =	sadd.s32 $0x8F2B, s0  }
0xbe: {  	[sflag:s0] =	ssyncadd.remote.s32 $0x1  }
0xbf: {  	_ =	sfence.sel $0xFFFF  }
0xc0: {  	[dreg:$0x0] =	wrdreg $0xFFFFFFFF;
	(pc) =	sbr.abs _section_cstart, $3  }
0xc1: {  	[dreg:$0x1] =	wrdreg $0xFFFFFFFF  }
0xc2: {  	_ =	task.clear_ibuf [dreg:s7], $0x2FFFF;
	_ =	strace $0x9FFFFFFF  }
0xc3: {  	(tm) =	ssettm $0x7FFFFFFF  }
tec
execute0_lowered:
.L_overlay_start_1:
0x0: {  	(tag) =	ssettag $0x1  }
0x1: {  	s0 =	rddreg [dreg:$0x0]  }
0x2: {  	s1 =	rddreg [dreg:$0x1];
	s3 =	srdreg.scid  }
0x3: {  	s2 =	rddreg [dreg:$0x2];
	s10 =	stileid.u32  }
0x4: {  	s16 =	simm.s32 $0x6800;
	s17 =	simm.s32 $0x7;
	s18 =	simm.s32 $0x1400  }
0x5: {  	s19 =	simm.s32 $0x80;
	s30 =	simm.s32 $0x2;
	s6 =	smul.u32 $0xA000, s10  }
0x6: {  	s31 =	simm.s32 $0x4;
	s4 =	sand.u32 $0x1, s3;
	s9 =	smul.u32 $0x28000, s10  }
0x7: {  	s3 =	simm.s32 $0x0;
	s11 =	sadd.s32 $0x1FE00, s1;
	s26 =	smul.u32 $0x5000, s10  }
0x8: {  	s20 =	sadd.s32 $0x15E00, s1;
	s5 =	smul.u32 $0xA000, s4;
	[smem:$0x7FF] =	sst s3  }
0x9: {  	s7 =	smul.u32 $0xA0000, s4;
	_ =	strace $0x80000047;
	[dreg:$0x4] =	wrdreg s11  }
0xa: {  	s4 =	ssub.s32 $0x2, s4;
	[dreg:$0x5] =	wrdreg s20;
	s9 =	sshrl.u32 s9, $0x2  }
0xb: {  	s21 =	sshrl.u32 s4, $0x1;
	s11 =	sadd.s32 s6, s2;
	[dreg:$0xb] =	wrdreg s26  }
0xc: {  	s20 =	simm.s32 $0x2800;
	s26 =	simm.s32 $0x3;
	s8 =	sadd.s32 s5, s1  }
0xd: {  	s7 =	sadd.s32 s6, s7;
	s9 =	sadd.s32 s9, s2;
	s4 =	ssub.s32 s4, s21  }
0xe: {  	s12 =	sadd.s32 s0, s5;
	s21 =	simm.s32 $0x4800;
	s0 =	simm.s32 $0x8800  }
0xf: {  	s5 =	simm.s32 $0x0;
	[dreg:$0x6] =	wrdreg s11;
	s22 =	sadd.s32 $0x2000, s9  }
0x10: {  	s7 =	sshrl.u32 s7, $0x3;
	s23 =	sadd.s32 $0x4000, s9;
	[dreg:$0x7] =	wrdreg s22  }
0x11: {  	s24 =	sadd.s32 $0x6000, s9;
	s25 =	sadd.s32 $0x8000, s9;
	[dreg:$0x8] =	wrdreg s23  }
0x12: {  	s13 =	sadd.s32 $0x1E00, s8;
	s29 =	smax.u32 s4, $0x1;
	[dreg:$0x9] =	wrdreg s24  }
0x13: {  	s9 =	simm.s32 $0x2780;
	s1 =	sadd.s32 s7, s1;
	[dreg:$0xa] =	wrdreg s25  }
0x14: {  	[dreg:$0xd] =	wrdreg s29;
	s22 =	simm.s32 $0x3800;
	s23 =	simm.s32 $0x1480  }
0x15: {  	s24 =	simm.s32 $0x5800;
	s25 =	simm.s32 $0x1;
	s28 =	sadd.s32 $0x29E00, s1  }
0x16: {  	v0 =	vimm.f32 $0.0e+00;
	s7 =	simm.s32 $0x6;
	s1 =	simm.s32 $0x5;
	[dreg:$0xc] =	wrdreg s28  }
.LBB2_1:
0x17: {  	[dreg:$0xe] =	wrdreg s5;
	s5 =	simm.s32 $0x100;
	s4 =	simm.s32 $0x0  }
.LBB2_2:
0x18: {  	p0 =	sne.s32 s5, $0x7F00;
	[tilespmem:s4+$0x6830] =	vst v0;
	s6 =	smov.u32 s5;
	s5 =	sadd.s32 $0x100, s5  }
.Ltmp0:
0x19: {  	[tilespmem:s4+$0x6820] =	vst v0;
	(pc) =	sbr.rel @p0 .LBB2_2-.Ltmp0, $3  }
0x1a: {  	[tilespmem:s4+$0x6800] =	vst v0  }
0x1b: {  	[tilespmem:s4+$0x6810] =	vst v0;
	_ =	sdelay $0x1  }
0x1c: {  	s4 =	sshra.s32 s6, $0x2  }
0x1d: {  	[tilespmem:s4+$0x6830] =	vst v0  }
0x1e: {  	[tilespmem:s4+$0x6820] =	vst v0  }
0x1f: {  	[tilespmem:s4+$0x6800] =	vst v0  }
0x20: {  	[tilespmem:s4+$0x6810] =	vst v0  }
0x21: {  	[spmem:s11] =	stream.linear.scatter [tilespmem:s16], [sflag:$0x7], $0x2000, $0x38;
	[tilespmem:$0x14800] =	vst v63  }
0x22: {  	_ =	swait.ge [sflag:s17], $0x2000  }
0x23: {  	[sflag:s17] =	ssyncset.done $0x0  }
0x24: {  	s14 =	rddreg [dreg:$0x7];
	[sflag:s17] =	ssyncadd.s32 $0xFFFFE000  }
0x25: {  	[spmem:s14] =	stream.linear.scatter [tilespmem:s16], [sflag:$0x7], $0x2000, $0x38;
	[tilespmem:$0x14800] =	vst v63  }
0x26: {  	_ =	swait.ge [sflag:s17], $0x2000  }
0x27: {  	[sflag:s17] =	ssyncset.done $0x0  }
0x28: {  	s15 =	rddreg [dreg:$0x8];
	[sflag:s17] =	ssyncadd.s32 $0xFFFFE000  }
0x29: {  	[spmem:s15] =	stream.linear.scatter [tilespmem:s16], [sflag:$0x7], $0x2000, $0x38;
	[tilespmem:$0x14800] =	vst v63  }
0x2a: {  	_ =	swait.ge [sflag:s17], $0x2000  }
0x2b: {  	[sflag:s17] =	ssyncset.done $0x0  }
0x2c: {  	s28 =	rddreg [dreg:$0x9];
	[sflag:s17] =	ssyncadd.s32 $0xFFFFE000  }
0x2d: {  	[spmem:s28] =	stream.linear.scatter [tilespmem:s16], [sflag:$0x7], $0x2000, $0x38;
	[tilespmem:$0x14800] =	vst v63  }
0x2e: {  	_ =	swait.ge [sflag:s17], $0x2000  }
0x2f: {  	[sflag:s17] =	ssyncset.done $0x0  }
0x30: {  	s29 =	rddreg [dreg:$0xa];
	[sflag:s17] =	ssyncadd.s32 $0xFFFFE000  }
0x31: {  	[spmem:s29] =	stream.linear.scatter [tilespmem:s16], [sflag:$0x7], $0x2000, $0x38;
	[tilespmem:$0x14800] =	vst v63  }
0x32: {  	_ =	swait.ge [sflag:s17], $0x2000  }
0x33: {  	[sflag:s17] =	ssyncset.done $0x0  }
0x34: {  	[sflag:s17] =	ssyncadd.s32 $0xFFFFE000  }
0x35: {  	s15 =	simm.s32 $0x0;
	[bflag:$0x0] =	sbarrier.arrive $0xFFFF  }
.LBB2_4:
0x36: {  	s4 =	smul.u32 $0x1400, s15  }
0x37: {  	s5 =	rddreg [dreg:$0xb]  }
0x38: {  	s4 =	sadd.s32 s5, s4  }
0x39: {  	s11 =	rddreg [dreg:$0x4];
	s4 =	sshrl.u32 s4, $0x3  }
0x3a: {  	s5 =	sadd.s32 s11, s4  }
0x3b: {  	[tilespmem:s3], [sflag:$0x7] =	stream.linear.gather [hbm4b:s5+s3], $0x1400, $0x38;
	[tilespmem:$0x14800] =	vst v63  }
0x3c: {  	_ =	swait.ge [sflag:s17], $0x1400  }
0x3d: {  	[sflag:s17] =	ssyncset.done $0x0;
	s14 =	rddreg [dreg:$0x5]  }
0x3e: {  	[sflag:s17] =	ssyncadd.s32 $0xFFFFEC00;
	s4 =	sadd.s32 s14, s4  }
0x3f: {  	[tilespmem:s18], [sflag:$0x7] =	stream.linear.gather [hbm4b:s4+s3], $0x1400, $0x38;
	[tilespmem:$0x14800] =	vst v63  }
0x40: {  	_ =	swait.ge [sflag:s17], $0x1400  }
0x41: {  	[sflag:s17] =	ssyncset.done $0x0  }
0x42: {  	[sflag:s17] =	ssyncadd.s32 $0xFFFFEC00  }
0x43: {  	[tilespmem:s20], [sflag:$0x1] =	stream.indirect.gather [hbm4b:s12+s19], $0x20, s3, s19, $0xb8;
	[tilespmem:$0x14800] =	vst v63  }
0x44: {  	_ = 	snop  }
0x45: {  	[tilespmem:s21], [sflag:$0x3] =	stream.indirect.gather [hbm4b:s13+s19], $0x20, s18, s19, $0xb8;
	[tilespmem:$0x14800] =	vst v63  }
0x46: {  	_ = 	snop  }
0x47: {  	[tilespmem:s22], [sflag:$0x2] =	stream.indirect.gather [hbm4b:s12+s19], $0x20, s19, s19, $0xb8;
	[tilespmem:$0x14800] =	vst v63  }
0x48: {  	_ = 	snop  }
0x49: {  	[tilespmem:s24], [sflag:$0x4] =	stream.indirect.gather [hbm4b:s13+s19], $0x20, s23, s19, $0xb8;
	[tilespmem:$0x14800] =	vst v63  }
0x4a: {  	_ =	swait.ge [sflag:s25], $0x1000  }
0x4b: {  	[sflag:s25] =	ssyncset.done $0x0  }
0x4c: {  	[sflag:s25] =	ssyncadd.s32 $0xFFFFF000  }
0x4d: {  	_ =	swait.ge [sflag:s26], $0x1000  }
0x4e: {  	[sflag:s26] =	ssyncset.done $0x0  }
0x4f: {  	s28 =	simm.s32 $0x2840;
	[sflag:s26] =	ssyncadd.s32 $0xFFFFF000  }
0x50: {  	s29 =	simm.s32 $0x4840;
	v1 =	vld [tilespmem:s28+$0x20]  }
0x51: {  	v2 =	vld [tilespmem:s29+$0x20];
	_ =	sdelay $0x1  }
0x52: {  	v3 =	vld [tilespmem:s29+$0xFFFFFFC0]  }
0x53: {  	v5 =	vld [tilespmem:s28+$0xFFFFFFE0]  }
0x54: {  	v4 =	vld [tilespmem:s28+$0xFFFFFFC0]  }
0x55: {  	v6 =	vshll.u32 v1, $0x10;
	v7 =	vshll.u32 v2, $0x10  }
0x56: {  	v8 =	vld [tilespmem:s29+$0xFFFFFFE0];
	v1 =	vand.u32 $0xFFFF0000, v1;
	v2 =	vand.u32 $0xFFFF0000, v2;
	v6 =	vadd.f32 v7, v6  }
0x57: {  	s14 =	simm.s32 $0x28C0;
	v9 =	vld [tilespmem:s29+$0x0];
	v1 =	vadd.f32 v2, v1  }
0x58: {  	s6 =	simm.s32 $0x6880;
	s10 =	simm.s32 $0x48C0;
	v14 =	vld [tilespmem:s14+$0xFFFFFFE0];
	v10 =	vshll.u32 v5, $0x10;
	v6 =	vmax.f32 v6, $0.0e+00  }
0x59: {  	v15 =	vld [tilespmem:s10+$0xFFFFFFE0];
	v2 =	vshll.u32 v3, $0x10;
	v1 =	vmax.f32 v1, $0.0e+00;
	[tilespmem:s6+$0x40] =	vst v6;
	v6 =	vshll.u32 v4, $0x10  }
0x5a: {  	v7 =	vld [tilespmem:s28+$0x0];
	v3 =	vand.u32 $0xFFFF0000, v3;
	[tilespmem:s6+$0x50] =	vst v1;
	v1 =	vand.u32 $0xFFFF0000, v4;
	v2 =	vadd.f32 v2, v6  }
0x5b: {  	v5 =	vand.u32 $0xFFFF0000, v5;
	v4 =	vshll.u32 v8, $0x10;
	v6 =	vld [tilespmem:s28+$0x30];
	v1 =	vadd.f32 v3, v1  }
0x5c: {  	v3 =	vand.u32 $0xFFFF0000, v8;
	v8 =	vld [tilespmem:s29+$0x30];
	v4 =	vadd.f32 v4, v10;
	v2 =	vmax.f32 v2, $0.0e+00  }
0x5d: {  	v17 =	vshll.u32 v14, $0x10;
	v3 =	vadd.f32 v3, v5;
	v1 =	vmax.f32 v1, $0.0e+00;
	[tilespmem:s6+$0xFFFFFF80] =	vst v2  }
0x5e: {  	v18 =	vshll.u32 v15, $0x10;
	v14 =	vand.u32 $0xFFFF0000, v14;
	v10 =	vld [tilespmem:s10+$0x20];
	v2 =	vmax.f32 v4, $0.0e+00;
	[tilespmem:s6+$0xFFFFFF90] =	vst v1  }
0x5f: {  	v1 =	vshll.u32 v7, $0x10;
	v4 =	vshll.u32 v9, $0x10;
	v3 =	vmax.f32 v3, $0.0e+00;
	v5 =	vld [tilespmem:s28+$0xFFFFFFD0];
	[tilespmem:s6+$0xFFFFFFC0] =	vst v2  }
0x60: {  	v2 =	vand.u32 $0xFFFF0000, v7;
	v7 =	vand.u32 $0xFFFF0000, v9;
	v1 =	vadd.f32 v4, v1;
	v4 =	vld [tilespmem:s29+$0xFFFFFFD0];
	[tilespmem:s6+$0xFFFFFFD0] =	vst v3  }
0x61: {  	v2 =	vadd.f32 v7, v2;
	v3 =	vand.u32 $0xFFFF0000, v6;
	v7 =	vand.u32 $0xFFFF0000, v8;
	v9 =	vld [tilespmem:s28+$0xFFFFFFF0]  }
0x62: {  	v6 =	vshll.u32 v6, $0x10;
	v8 =	vshll.u32 v8, $0x10;
	v3 =	vadd.f32 v7, v3;
	v7 =	vld [tilespmem:s29+$0xFFFFFFF0]  }
0x63: {  	v15 =	vand.u32 $0xFFFF0000, v15;
	v58 =	vadd.f32 v18, v17;
	v6 =	vadd.f32 v8, v6;
	v8 =	vld [tilespmem:s14+$0x20]  }
0x64: {  	v14 =	vadd.f32 v15, v14;
	v1 =	vmax.f32 v1, $0.0e+00;
	v2 =	vmax.f32 v2, $0.0e+00  }
0x65: {  	v11 =	vshll.u32 v5, $0x10;
	v5 =	vand.u32 $0xFFFF0000, v5;
	v13 =	vshll.u32 v4, $0x10  }
0x66: {  	v16 =	vld [tilespmem:s14+$0x0];
	v4 =	vand.u32 $0xFFFF0000, v4;
	v56 =	vshll.u32 v9, $0x10;
	v9 =	vand.u32 $0xFFFF0000, v9  }
0x67: {  	v12 =	vld [tilespmem:s10+$0xFFFFFFC0];
	v4 =	vadd.f32 v4, v5;
	v5 =	vshll.u32 v7, $0x10;
	v7 =	vand.u32 $0xFFFF0000, v7  }
0x68: {  	[tilespmem:s6+$0x0] =	vst v1;
	v1 =	vshll.u32 v8, $0x10;
	v57 =	vadd.f32 v7, v9;
	v7 =	vshll.u32 v10, $0x10;
	v9 =	vld [tilespmem:s14+$0xFFFFFFC0]  }
0x69: {  	v8 =	vand.u32 $0xFFFF0000, v8;
	v10 =	vand.u32 $0xFFFF0000, v10;
	v1 =	vadd.f32 v7, v1  }
0x6a: {  	v3 =	vmax.f32 v3, $0.0e+00;
	v6 =	vmax.f32 v6, $0.0e+00;
	[tilespmem:s6+$0x10] =	vst v2;
	v2 =	vld [tilespmem:s10+$0x0];
	v8 =	vadd.f32 v10, v8  }
0x6b: {  	s8 =	simm.s32 $0x6980;
	v19 =	vld [tilespmem:s29+$0x10];
	[tilespmem:s6+$0x60] =	vst v6;
	v6 =	vand.u32 $0xFFFF0000, v16;
	v11 =	vadd.f32 v13, v11;
	v1 =	vmax.f32 v1, $0.0e+00  }
0x6c: {  	v5 =	vadd.f32 v5, v56;
	v7 =	vshll.u32 v12, $0x10;
	[tilespmem:s8+$0x40] =	vst v1;
	v1 =	vmax.f32 v8, $0.0e+00  }
0x6d: {  	v12 =	vand.u32 $0xFFFF0000, v12;
	v10 =	vld [tilespmem:s28+$0x10];
	[tilespmem:s8+$0x50] =	vst v1;
	v1 =	vshll.u32 v9, $0x10;
	v9 =	vand.u32 $0xFFFF0000, v9  }
0x6e: {  	v11 =	vmax.f32 v11, $0.0e+00;
	v1 =	vadd.f32 v7, v1;
	v7 =	vadd.f32 v12, v9;
	v9 =	vld [tilespmem:s14+$0x30]  }
0x6f: {  	[tilespmem:s6+$0x70] =	vst v3;
	v4 =	vmax.f32 v4, $0.0e+00;
	v3 =	vshll.u32 v2, $0x10;
	v2 =	vand.u32 $0xFFFF0000, v2;
	v59 =	vld [tilespmem:s10+$0x30]  }
0x70: {  	[tilespmem:s6+$0xFFFFFFB0] =	vst v4;
	v4 =	vmax.f32 v58, $0.0e+00;
	v60 =	vshll.u32 v19, $0x10;
	v2 =	vadd.f32 v2, v6  }
0x71: {  	[tilespmem:s6+$0xFFFFFFA0] =	vst v11;
	v6 =	vmax.f32 v14, $0.0e+00;
	v8 =	vshll.u32 v16, $0x10;
	v1 =	vmax.f32 v1, $0.0e+00  }
0x72: {  	v62 =	vand.u32 $0xFFFF0000, v19;
	v3 =	vadd.f32 v3, v8;
	[tilespmem:s8+$0xFFFFFF80] =	vst v1;
	v1 =	vmax.f32 v7, $0.0e+00  }
0x73: {  	v5 =	vmax.f32 v5, $0.0e+00;
	v61 =	vmax.f32 v2, $0.0e+00;
	v11 =	vshll.u32 v10, $0x10;
	[tilespmem:s8+$0xFFFFFF90] =	vst v1  }
0x74: {  	[tilespmem:s8+$0xFFFFFFC0] =	vst v4;
	v7 =	vmax.f32 v3, $0.0e+00;
	v1 =	vld [tilespmem:s14+$0xFFFFFFD0];
	v3 =	vand.u32 $0xFFFF0000, v9;
	v4 =	vand.u32 $0xFFFF0000, v59  }
0x75: {  	[tilespmem:s8+$0xFFFFFFD0] =	vst v6;
	v10 =	vand.u32 $0xFFFF0000, v10;
	v8 =	vadd.f32 v60, v11;
	v2 =	vld [tilespmem:s10+$0xFFFFFFD0];
	v63 =	vadd.f32 v4, v3  }
0x76: {  	[tilespmem:s8+$0x10] =	vst v61;
	v6 =	vshll.u32 v9, $0x10;
	v16 =	vshll.u32 v59, $0x10;
	v9 =	vadd.f32 v62, v10;
	v3 =	vld [tilespmem:s14+$0xFFFFFFF0]  }
0x77: {  	s11 =	simm.s32 $0x2940;
	s5 =	simm.s32 $0x4;
	s4 =	simm.s32 $0x48C0;
	[tilespmem:s8+$0x0] =	vst v7;
	v4 =	vld [tilespmem:s10+$0xFFFFFFF0];
	v7 =	vadd.f32 v16, v6;
	v6 =	vmax.f32 v57, $0.0e+00;
	v10 =	vmax.f32 v63, $0.0e+00  }
.LBB2_5:
0x78: {  	v11 =	vld [tilespmem:s11+$0x20];
	[tilespmem:s8+$0x70] =	vst v10;
	s10 =	sadd.s32 $0x80, s10;
	v8 =	vmax.f32 v8, $0.0e+00;
	v9 =	vmax.f32 v9, $0.0e+00  }
0x79: {  	v10 =	vld [tilespmem:s10+$0x20];
	v12 =	vshll.u32 v1, $0x10;
	v1 =	vand.u32 $0xFFFF0000, v1;
	v7 =	vmax.f32 v7, $0.0e+00;
	[tilespmem:s6+$0xFFFFFFE0] =	vst v5  }
0x7a: {  	v5 =	vld [tilespmem:s10+$0xFFFFFFC0];
	v13 =	vshll.u32 v2, $0x10;
	v2 =	vand.u32 $0xFFFF0000, v2;
	[tilespmem:s6+$0xFFFFFFF0] =	vst v6  }
0x7b: {  	s5 =	sadd.s32 $0x4, s5;
	v6 =	vld [tilespmem:s11+$0xFFFFFFE0];
	v12 =	vadd.f32 v13, v12;
	v13 =	vshll.u32 v3, $0x10;
	v3 =	vand.u32 $0xFFFF0000, v3;
	[tilespmem:s6+$0x20] =	vst v8  }
0x7c: {  	p0 =	slt.u32 s5, $0x7C;
	v1 =	vadd.f32 v2, v1;
	v8 =	vld [tilespmem:s10+$0xFFFFFFE0];
	v2 =	vshll.u32 v4, $0x10;
	v4 =	vand.u32 $0xFFFF0000, v4;
	[tilespmem:s6+$0x30] =	vst v9;
	s6 =	smov.u32 s8  }
0x7d: {  	v9 =	vld [tilespmem:s11+$0x0];
	v12 =	vmax.f32 v12, $0.0e+00;
	v13 =	vadd.f32 v2, v13;
	v14 =	vadd.f32 v4, v3;
	[tilespmem:s8+$0x60] =	vst v7  }
0x7e: {  	v3 =	vshll.u32 v11, $0x10;
	v1 =	vmax.f32 v1, $0.0e+00;
	v2 =	vld [tilespmem:s10+$0x0];
	v4 =	vshll.u32 v10, $0x10;
	[tilespmem:s8+$0xFFFFFFA0] =	vst v12  }
0x7f: {  	v11 =	vand.u32 $0xFFFF0000, v11;
	v10 =	vand.u32 $0xFFFF0000, v10;
	v7 =	vld [tilespmem:s11+$0xFFFFFFC0];
	v3 =	vadd.f32 v4, v3;
	[tilespmem:s8+$0xFFFFFFB0] =	vst v1  }
0x80: {  	v1 =	vshll.u32 v5, $0x10;
	v4 =	vand.u32 $0xFFFF0000, v5;
	v5 =	vadd.f32 v10, v11;
	v10 =	vld [tilespmem:s14+$0x10];
	s14 =	smov.u32 s11  }
0x81: {  	s8 =	sadd.s32 $0x100, s8;
	v11 =	vshll.u32 v6, $0x10;
	v12 =	vshll.u32 v8, $0x10;
	v3 =	vmax.f32 v3, $0.0e+00;
	v15 =	vld [tilespmem:s4+$0x10];
	s4 =	smov.u32 s10  }
0x82: {  	v6 =	vand.u32 $0xFFFF0000, v6;
	v8 =	vand.u32 $0xFFFF0000, v8;
	[tilespmem:s8+$0x40] =	vst v3;
	v3 =	vmax.f32 v5, $0.0e+00  }
0x83: {  	v5 =	vshll.u32 v9, $0x10;
	v9 =	vand.u32 $0xFFFF0000, v9;
	v16 =	vshll.u32 v2, $0x10;
	[tilespmem:s8+$0x50] =	vst v3  }
0x84: {  	v2 =	vand.u32 $0xFFFF0000, v2;
	v3 =	vshll.u32 v7, $0x10;
	v7 =	vand.u32 $0xFFFF0000, v7;
	v17 =	vld [tilespmem:s11+$0x30]  }
0x85: {  	v1 =	vadd.f32 v1, v3;
	v3 =	vadd.f32 v4, v7;
	v4 =	vld [tilespmem:s10+$0x30];
	v7 =	vshll.u32 v10, $0x10  }
0x86: {  	v11 =	vadd.f32 v12, v11;
	v6 =	vadd.f32 v8, v6;
	v8 =	vshll.u32 v15, $0x10  }
0x87: {  	v5 =	vadd.f32 v16, v5;
	v2 =	vadd.f32 v2, v9;
	v1 =	vmax.f32 v1, $0.0e+00  }
0x88: {  	v6 =	vmax.f32 v6, $0.0e+00;
	[tilespmem:s8+$0xFFFFFF80] =	vst v1;
	v1 =	vmax.f32 v3, $0.0e+00;
	v3 =	vmax.f32 v11, $0.0e+00  }
.Ltmp1:
0x89: {  	v9 =	vand.u32 $0xFFFF0000, v10;
	v5 =	vmax.f32 v5, $0.0e+00;
	v11 =	vmax.f32 v2, $0.0e+00;
	[tilespmem:s8+$0xFFFFFF90] =	vst v1;
	(pc) =	sbr.rel @p0 .LBB2_5-.Ltmp1, $4  }
0x8a: {  	v12 =	vand.u32 $0xFFFF0000, v15;
	v1 =	vld [tilespmem:s11+$0xFFFFFFD0];
	[tilespmem:s8+$0xFFFFFFC0] =	vst v3;
	v3 =	vand.u32 $0xFFFF0000, v17;
	v10 =	vand.u32 $0xFFFF0000, v4  }
0x8b: {  	v15 =	vshll.u32 v4, $0x10;
	v2 =	vld [tilespmem:s10+$0xFFFFFFD0];
	[tilespmem:s8+$0xFFFFFFD0] =	vst v6;
	v6 =	vshll.u32 v17, $0x10;
	v10 =	vadd.f32 v10, v3  }
0x8c: {  	v8 =	vadd.f32 v8, v7;
	v9 =	vadd.f32 v12, v9;
	v3 =	vld [tilespmem:s11+$0xFFFFFFF0];
	[tilespmem:s8+$0x0] =	vst v5;
	v5 =	vmax.f32 v13, $0.0e+00  }
0x8d: {  	v7 =	vadd.f32 v15, v6;
	s11 =	sadd.s32 $0x80, s11;
	v6 =	vmax.f32 v14, $0.0e+00;
	v4 =	vld [tilespmem:s10+$0xFFFFFFF0];
	[tilespmem:s8+$0x10] =	vst v11;
	v10 =	vmax.f32 v10, $0.0e+00  }
0x8e: {  	_ = 	snop  }
0x8f: {  	[tilespmem:s8+$0x70] =	vst v10;
	v8 =	vmax.f32 v8, $0.0e+00;
	v9 =	vmax.f32 v9, $0.0e+00;
	v10 =	vld [tilespmem:s14+$0x10]  }
0x90: {  	[tilespmem:s6+$0xFFFFFFE0] =	vst v5;
	v12 =	vld [tilespmem:s4+$0x10];
	v11 =	vshll.u32 v1, $0x10;
	v1 =	vand.u32 $0xFFFF0000, v1;
	v5 =	vshll.u32 v2, $0x10  }
0x91: {  	[tilespmem:s6+$0xFFFFFFF0] =	vst v6;
	v7 =	vmax.f32 v7, $0.0e+00;
	v2 =	vand.u32 $0xFFFF0000, v2;
	v5 =	vadd.f32 v5, v11  }
0x92: {  	[tilespmem:s6+$0x20] =	vst v8;
	v6 =	vshll.u32 v3, $0x10;
	v3 =	vand.u32 $0xFFFF0000, v3;
	v1 =	vadd.f32 v2, v1  }
0x93: {  	[tilespmem:s6+$0x30] =	vst v9;
	v2 =	vshll.u32 v4, $0x10;
	v4 =	vand.u32 $0xFFFF0000, v4;
	v5 =	vmax.f32 v5, $0.0e+00  }
0x94: {  	[tilespmem:s8+$0x60] =	vst v7;
	v2 =	vadd.f32 v2, v6;
	v3 =	vadd.f32 v4, v3;
	v1 =	vmax.f32 v1, $0.0e+00  }
0x95: {  	v4 =	vshll.u32 v10, $0x10;
	v6 =	vand.u32 $0xFFFF0000, v10;
	[tilespmem:s8+$0xFFFFFFA0] =	vst v5;
	v5 =	vshll.u32 v12, $0x10  }
0x96: {  	[tilespmem:s8+$0xFFFFFFB0] =	vst v1;
	v1 =	vand.u32 $0xFFFF0000, v12;
	v2 =	vmax.f32 v2, $0.0e+00;
	v4 =	vadd.f32 v5, v4  }
0x97: {  	v1 =	vadd.f32 v1, v6;
	v3 =	vmax.f32 v3, $0.0e+00;
	[tilespmem:s8+$0xFFFFFFE0] =	vst v2  }
0x98: {  	[tilespmem:s8+$0xFFFFFFF0] =	vst v3;
	v2 =	vmax.f32 v4, $0.0e+00  }
0x99: {  	v1 =	vmax.f32 v1, $0.0e+00;
	[tilespmem:s8+$0x20] =	vst v2  }
0x9a: {  	[tilespmem:s8+$0x30] =	vst v1  }
0x9b: {  	[spmem:s2] =	stream.indirect.scatter.add.f32 [tilespmem:s16], [sflag:$0x5], $0x40, s18, s19, $0xb8;
	[tilespmem:$0x14800] =	vst v63  }
0x9c: {  	s14 =	simm.s32 $0x100  }
0x9d: {  	[tilespmem:s20], [sflag:$0x1] =	stream.indirect.gather [hbm4b:s12+s19], $0x20, s14, s19, $0xb8;
	[tilespmem:$0x14800] =	vst v63  }
0x9e: {  	s28 =	simm.s32 $0x1500  }
0x9f: {  	[tilespmem:s21], [sflag:$0x3] =	stream.indirect.gather [hbm4b:s13+s19], $0x20, s28, s19, $0xb8;
	[tilespmem:$0x14800] =	vst v63  }
0xa0: {  	_ =	swait.ge [sflag:s30], $0x1000  }
0xa1: {  	[sflag:s30] =	ssyncset.done $0x0  }
0xa2: {  	[sflag:s30] =	ssyncadd.s32 $0xFFFFF000  }
0xa3: {  	_ =	swait.ge [sflag:s31], $0x1000  }
0xa4: {  	[sflag:s31] =	ssyncset.done $0x0  }
0xa5: {  	s5 =	simm.s32 $0x3840;
	[sflag:s31] =	ssyncadd.s32 $0xFFFFF000  }
0xa6: {  	s29 =	simm.s32 $0x5840;
	v1 =	vld [tilespmem:s5+$0x20]  }
0xa7: {  	v2 =	vld [tilespmem:s29+$0x20];
	_ =	sdelay $0x1  }
0xa8: {  	v3 =	vld [tilespmem:s29+$0xFFFFFFC0]  }
0xa9: {  	v5 =	vld [tilespmem:s5+$0xFFFFFFE0]  }
0xaa: {  	v4 =	vld [tilespmem:s5+$0xFFFFFFC0]  }
0xab: {  	v8 =	vld [tilespmem:s29+$0xFFFFFFE0];
	v6 =	vshll.u32 v1, $0x10;
	v7 =	vshll.u32 v2, $0x10  }
0xac: {  	s10 =	simm.s32 $0x58C0;
	v9 =	vld [tilespmem:s29+$0x0];
	v1 =	vand.u32 $0xFFFF0000, v1;
	v2 =	vand.u32 $0xFFFF0000, v2;
	v6 =	vadd.f32 v7, v6  }
0xad: {  	s14 =	simm.s32 $0x38C0;
	v54 =	vld [tilespmem:s10+$0xFFFFFFC0];
	v1 =	vadd.f32 v2, v1  }
0xae: {  	s6 =	simm.s32 $0x8880;
	v14 =	vld [tilespmem:s14+$0xFFFFFFE0];
	v10 =	vshll.u32 v5, $0x10;
	v6 =	vmax.f32 v6, $0.0e+00  }
0xaf: {  	v15 =	vld [tilespmem:s10+$0xFFFFFFE0];
	v2 =	vshll.u32 v3, $0x10;
	v1 =	vmax.f32 v1, $0.0e+00;
	[tilespmem:s6+$0x40] =	vst v6;
	v6 =	vshll.u32 v4, $0x10  }
0xb0: {  	v7 =	vld [tilespmem:s5+$0x0];
	v3 =	vand.u32 $0xFFFF0000, v3;
	[tilespmem:s6+$0x50] =	vst v1;
	v1 =	vand.u32 $0xFFFF0000, v4;
	v2 =	vadd.f32 v2, v6  }
0xb1: {  	v5 =	vand.u32 $0xFFFF0000, v5;
	v4 =	vshll.u32 v8, $0x10;
	v6 =	vld [tilespmem:s5+$0x30];
	v1 =	vadd.f32 v3, v1  }
0xb2: {  	v3 =	vand.u32 $0xFFFF0000, v8;
	v8 =	vld [tilespmem:s29+$0x30];
	v4 =	vadd.f32 v4, v10;
	v2 =	vmax.f32 v2, $0.0e+00  }
0xb3: {  	v12 =	vand.u32 $0xFFFF0000, v54;
	v3 =	vadd.f32 v3, v5;
	v1 =	vmax.f32 v1, $0.0e+00;
	[tilespmem:s6+$0xFFFFFF80] =	vst v2  }
0xb4: {  	v17 =	vshll.u32 v14, $0x10;
	v18 =	vshll.u32 v15, $0x10;
	v10 =	vld [tilespmem:s10+$0x20];
	v2 =	vmax.f32 v4, $0.0e+00;
	[tilespmem:s6+$0xFFFFFF90] =	vst v1  }
0xb5: {  	v1 =	vshll.u32 v7, $0x10;
	v4 =	vshll.u32 v9, $0x10;
	v3 =	vmax.f32 v3, $0.0e+00;
	v5 =	vld [tilespmem:s5+$0xFFFFFFD0];
	[tilespmem:s6+$0xFFFFFFC0] =	vst v2  }
0xb6: {  	v2 =	vand.u32 $0xFFFF0000, v7;
	v7 =	vand.u32 $0xFFFF0000, v9;
	v1 =	vadd.f32 v4, v1;
	v4 =	vld [tilespmem:s29+$0xFFFFFFD0];
	[tilespmem:s6+$0xFFFFFFD0] =	vst v3  }
0xb7: {  	v2 =	vadd.f32 v7, v2;
	v3 =	vand.u32 $0xFFFF0000, v6;
	v7 =	vand.u32 $0xFFFF0000, v8;
	v9 =	vld [tilespmem:s5+$0xFFFFFFF0]  }
0xb8: {  	v6 =	vshll.u32 v6, $0x10;
	v8 =	vshll.u32 v8, $0x10;
	v3 =	vadd.f32 v7, v3;
	v7 =	vld [tilespmem:s29+$0xFFFFFFF0]  }
0xb9: {  	v14 =	vand.u32 $0xFFFF0000, v14;
	v15 =	vand.u32 $0xFFFF0000, v15;
	v6 =	vadd.f32 v8, v6;
	v8 =	vld [tilespmem:s14+$0x20]  }
0xba: {  	v58 =	vadd.f32 v18, v17;
	v1 =	vmax.f32 v1, $0.0e+00;
	v2 =	vmax.f32 v2, $0.0e+00  }
0xbb: {  	v11 =	vshll.u32 v5, $0x10;
	v5 =	vand.u32 $0xFFFF0000, v5;
	v13 =	vshll.u32 v4, $0x10  }
0xbc: {  	v16 =	vld [tilespmem:s14+$0x0];
	v4 =	vand.u32 $0xFFFF0000, v4;
	v55 =	vshll.u32 v9, $0x10;
	v9 =	vand.u32 $0xFFFF0000, v9  }
0xbd: {  	v56 =	vld [tilespmem:s14+$0xFFFFFFC0];
	v4 =	vadd.f32 v4, v5;
	v5 =	vshll.u32 v7, $0x10;
	v7 =	vand.u32 $0xFFFF0000, v7  }
0xbe: {  	[tilespmem:s6+$0x0] =	vst v1;
	v1 =	vshll.u32 v8, $0x10;
	v9 =	vadd.f32 v7, v9;
	v7 =	vshll.u32 v10, $0x10  }
0xbf: {  	[tilespmem:s6+$0x10] =	vst v2;
	v2 =	vld [tilespmem:s10+$0x0];
	v8 =	vand.u32 $0xFFFF0000, v8;
	v10 =	vand.u32 $0xFFFF0000, v10;
	v1 =	vadd.f32 v7, v1  }
0xc0: {  	v14 =	vadd.f32 v15, v14;
	v6 =	vmax.f32 v6, $0.0e+00;
	v8 =	vadd.f32 v10, v8  }
0xc1: {  	s8 =	simm.s32 $0x8980;
	v3 =	vmax.f32 v3, $0.0e+00;
	v19 =	vld [tilespmem:s29+$0x10];
	[tilespmem:s6+$0x60] =	vst v6;
	v11 =	vadd.f32 v13, v11;
	v1 =	vmax.f32 v1, $0.0e+00  }
0xc2: {  	v6 =	vand.u32 $0xFFFF0000, v16;
	v13 =	vand.u32 $0xFFFF0000, v56;
	[tilespmem:s8+$0x40] =	vst v1;
	v1 =	vmax.f32 v8, $0.0e+00  }
0xc3: {  	v11 =	vmax.f32 v11, $0.0e+00;
	v5 =	vadd.f32 v5, v55;
	v4 =	vmax.f32 v4, $0.0e+00;
	v10 =	vld [tilespmem:s5+$0x10];
	[tilespmem:s8+$0x50] =	vst v1  }
0xc4: {  	[tilespmem:s6+$0x70] =	vst v3;
	v7 =	vshll.u32 v54, $0x10;
	v3 =	vshll.u32 v2, $0x10;
	v1 =	vshll.u32 v56, $0x10;
	v57 =	vld [tilespmem:s14+$0x30]  }
0xc5: {  	v2 =	vand.u32 $0xFFFF0000, v2;
	[tilespmem:s6+$0xFFFFFFB0] =	vst v4;
	v4 =	vmax.f32 v58, $0.0e+00;
	v1 =	vadd.f32 v7, v1;
	v59 =	vld [tilespmem:s10+$0x30]  }
0xc6: {  	v60 =	vshll.u32 v19, $0x10;
	v2 =	vadd.f32 v2, v6;
	v7 =	vadd.f32 v12, v13  }
0xc7: {  	[tilespmem:s6+$0xFFFFFFA0] =	vst v11;
	v6 =	vmax.f32 v14, $0.0e+00;
	v8 =	vshll.u32 v16, $0x10;
	v1 =	vmax.f32 v1, $0.0e+00  }
0xc8: {  	v5 =	vmax.f32 v5, $0.0e+00;
	v3 =	vadd.f32 v3, v8;
	[tilespmem:s8+$0xFFFFFF80] =	vst v1;
	v1 =	vmax.f32 v7, $0.0e+00  }
0xc9: {  	v11 =	vshll.u32 v10, $0x10;
	v8 =	vand.u32 $0xFFFF0000, v10;
	v10 =	vand.u32 $0xFFFF0000, v19;
	[tilespmem:s8+$0xFFFFFF90] =	vst v1  }
0xca: {  	[tilespmem:s8+$0xFFFFFFC0] =	vst v4;
	v7 =	vmax.f32 v3, $0.0e+00;
	v1 =	vld [tilespmem:s14+$0xFFFFFFD0];
	v3 =	vand.u32 $0xFFFF0000, v57;
	v4 =	vand.u32 $0xFFFF0000, v59  }
0xcb: {  	[tilespmem:s8+$0xFFFFFFD0] =	vst v6;
	v61 =	vmax.f32 v2, $0.0e+00;
	v8 =	vadd.f32 v10, v8;
	v2 =	vld [tilespmem:s10+$0xFFFFFFD0];
	v63 =	vadd.f32 v4, v3  }
0xcc: {  	[tilespmem:s8+$0x0] =	vst v7;
	v7 =	vadd.f32 v60, v11;
	v6 =	vshll.u32 v57, $0x10;
	v62 =	vshll.u32 v59, $0x10;
	v3 =	vld [tilespmem:s14+$0xFFFFFFF0]  }
0xcd: {  	s11 =	simm.s32 $0x3940;
	s4 =	simm.s32 $0x58C0;
	s5 =	simm.s32 $0x4;
	v9 =	vmax.f32 v9, $0.0e+00;
	[tilespmem:s8+$0x10] =	vst v61;
	v4 =	vld [tilespmem:s10+$0xFFFFFFF0];
	v6 =	vadd.f32 v62, v6;
	v10 =	vmax.f32 v63, $0.0e+00  }
.LBB2_7:
0xce: {  	v11 =	vld [tilespmem:s11+$0x20];
	[tilespmem:s8+$0x70] =	vst v10;
	s10 =	sadd.s32 $0x80, s10;
	v7 =	vmax.f32 v7, $0.0e+00;
	v8 =	vmax.f32 v8, $0.0e+00  }
0xcf: {  	v10 =	vld [tilespmem:s10+$0x20];
	v12 =	vshll.u32 v1, $0x10;
	v1 =	vand.u32 $0xFFFF0000, v1;
	v6 =	vmax.f32 v6, $0.0e+00;
	[tilespmem:s6+$0xFFFFFFE0] =	vst v5  }
0xd0: {  	v5 =	vld [tilespmem:s10+$0xFFFFFFC0];
	v13 =	vshll.u32 v2, $0x10;
	v2 =	vand.u32 $0xFFFF0000, v2;
	[tilespmem:s6+$0xFFFFFFF0] =	vst v9  }
0xd1: {  	s5 =	sadd.s32 $0x4, s5;
	v9 =	vld [tilespmem:s11+$0xFFFFFFE0];
	v12 =	vadd.f32 v13, v12;
	v13 =	vshll.u32 v3, $0x10;
	v3 =	vand.u32 $0xFFFF0000, v3;
	[tilespmem:s6+$0x20] =	vst v7  }
0xd2: {  	p0 =	slt.u32 s5, $0x7C;
	v1 =	vadd.f32 v2, v1;
	v7 =	vld [tilespmem:s10+$0xFFFFFFE0];
	v2 =	vshll.u32 v4, $0x10;
	v4 =	vand.u32 $0xFFFF0000, v4;
	[tilespmem:s6+$0x30] =	vst v8;
	s6 =	smov.u32 s8  }
0xd3: {  	v8 =	vld [tilespmem:s11+$0x0];
	v12 =	vmax.f32 v12, $0.0e+00;
	v13 =	vadd.f32 v2, v13;
	v14 =	vadd.f32 v4, v3;
	[tilespmem:s8+$0x60] =	vst v6  }
0xd4: {  	v3 =	vshll.u32 v11, $0x10;
	v1 =	vmax.f32 v1, $0.0e+00;
	v2 =	vld [tilespmem:s10+$0x0];
	v4 =	vshll.u32 v10, $0x10;
	[tilespmem:s8+$0xFFFFFFA0] =	vst v12  }
0xd5: {  	v11 =	vand.u32 $0xFFFF0000, v11;
	v10 =	vand.u32 $0xFFFF0000, v10;
	v6 =	vld [tilespmem:s11+$0xFFFFFFC0];
	v3 =	vadd.f32 v4, v3;
	[tilespmem:s8+$0xFFFFFFB0] =	vst v1  }
0xd6: {  	v1 =	vshll.u32 v5, $0x10;
	v4 =	vand.u32 $0xFFFF0000, v5;
	v5 =	vadd.f32 v10, v11;
	v10 =	vld [tilespmem:s14+$0x10];
	s14 =	smov.u32 s11  }
0xd7: {  	s8 =	sadd.s32 $0x100, s8;
	v11 =	vshll.u32 v9, $0x10;
	v12 =	vshll.u32 v7, $0x10;
	v3 =	vmax.f32 v3, $0.0e+00;
	v15 =	vld [tilespmem:s4+$0x10];
	s4 =	smov.u32 s10  }
0xd8: {  	v9 =	vand.u32 $0xFFFF0000, v9;
	v7 =	vand.u32 $0xFFFF0000, v7;
	[tilespmem:s8+$0x40] =	vst v3;
	v3 =	vmax.f32 v5, $0.0e+00  }
0xd9: {  	v5 =	vshll.u32 v8, $0x10;
	v8 =	vand.u32 $0xFFFF0000, v8;
	v16 =	vshll.u32 v2, $0x10;
	[tilespmem:s8+$0x50] =	vst v3  }
0xda: {  	v2 =	vand.u32 $0xFFFF0000, v2;
	v3 =	vshll.u32 v6, $0x10;
	v6 =	vand.u32 $0xFFFF0000, v6;
	v17 =	vld [tilespmem:s11+$0x30]  }
0xdb: {  	v1 =	vadd.f32 v1, v3;
	v3 =	vadd.f32 v4, v6;
	v4 =	vld [tilespmem:s10+$0x30];
	v6 =	vshll.u32 v10, $0x10  }
0xdc: {  	v11 =	vadd.f32 v12, v11;
	v7 =	vadd.f32 v7, v9;
	v9 =	vshll.u32 v15, $0x10  }
0xdd: {  	v5 =	vadd.f32 v16, v5;
	v2 =	vadd.f32 v2, v8;
	v1 =	vmax.f32 v1, $0.0e+00  }
0xde: {  	v7 =	vmax.f32 v7, $0.0e+00;
	[tilespmem:s8+$0xFFFFFF80] =	vst v1;
	v1 =	vmax.f32 v3, $0.0e+00;
	v3 =	vmax.f32 v11, $0.0e+00  }
.Ltmp2:
0xdf: {  	v8 =	vand.u32 $0xFFFF0000, v10;
	v5 =	vmax.f32 v5, $0.0e+00;
	v11 =	vmax.f32 v2, $0.0e+00;
	[tilespmem:s8+$0xFFFFFF90] =	vst v1;
	(pc) =	sbr.rel @p0 .LBB2_7-.Ltmp2, $4  }
0xe0: {  	v12 =	vand.u32 $0xFFFF0000, v15;
	v1 =	vld [tilespmem:s11+$0xFFFFFFD0];
	[tilespmem:s8+$0xFFFFFFC0] =	vst v3;
	v3 =	vand.u32 $0xFFFF0000, v17;
	v10 =	vand.u32 $0xFFFF0000, v4  }
0xe1: {  	v15 =	vshll.u32 v17, $0x10;
	v16 =	vshll.u32 v4, $0x10;
	v2 =	vld [tilespmem:s10+$0xFFFFFFD0];
	[tilespmem:s8+$0xFFFFFFD0] =	vst v7;
	v10 =	vadd.f32 v10, v3  }
0xe2: {  	v8 =	vadd.f32 v12, v8;
	v7 =	vadd.f32 v9, v6;
	v3 =	vld [tilespmem:s11+$0xFFFFFFF0];
	[tilespmem:s8+$0x0] =	vst v5;
	v5 =	vmax.f32 v13, $0.0e+00  }
0xe3: {  	v6 =	vadd.f32 v16, v15;
	v9 =	vmax.f32 v14, $0.0e+00;
	s11 =	sadd.s32 $0x80, s11;
	v4 =	vld [tilespmem:s10+$0xFFFFFFF0];
	[tilespmem:s8+$0x10] =	vst v11;
	v10 =	vmax.f32 v10, $0.0e+00  }
0xe4: {  	_ = 	snop  }
0xe5: {  	[tilespmem:s8+$0x70] =	vst v10;
	v12 =	vld [tilespmem:s14+$0x10];
	v54 =	vmax.f32 v7, $0.0e+00;
	v55 =	vmax.f32 v8, $0.0e+00  }
0xe6: {  	[tilespmem:s6+$0xFFFFFFE0] =	vst v5;
	v57 =	vld [tilespmem:s4+$0x10];
	v53 =	vshll.u32 v1, $0x10;
	v1 =	vand.u32 $0xFFFF0000, v1;
	v11 =	vshll.u32 v2, $0x10  }
0xe7: {  	[tilespmem:s6+$0xFFFFFFF0] =	vst v9;
	v6 =	vmax.f32 v6, $0.0e+00;
	v2 =	vand.u32 $0xFFFF0000, v2;
	v56 =	vadd.f32 v11, v53  }
0xe8: {  	[tilespmem:s6+$0x20] =	vst v54;
	v58 =	vshll.u32 v3, $0x10;
	v3 =	vand.u32 $0xFFFF0000, v3;
	v1 =	vadd.f32 v2, v1  }
0xe9: {  	[tilespmem:s6+$0x30] =	vst v55;
	v2 =	vshll.u32 v4, $0x10;
	v59 =	vand.u32 $0xFFFF0000, v4;
	v60 =	vmax.f32 v56, $0.0e+00  }
0xea: {  	[tilespmem:s8+$0x60] =	vst v6;
	v2 =	vadd.f32 v2, v58;
	v3 =	vadd.f32 v59, v3;
	v1 =	vmax.f32 v1, $0.0e+00  }
0xeb: {  	v61 =	vshll.u32 v12, $0x10;
	v62 =	vshll.u32 v57, $0x10;
	v63 =	vand.u32 $0xFFFF0000, v12;
	[tilespmem:s8+$0xFFFFFFA0] =	vst v60  }
0xec: {  	[tilespmem:s8+$0xFFFFFFB0] =	vst v1;
	v1 =	vand.u32 $0xFFFF0000, v57;
	v4 =	vadd.f32 v62, v61;
	v2 =	vmax.f32 v2, $0.0e+00  }
0xed: {  	v1 =	vadd.f32 v1, v63;
	v3 =	vmax.f32 v3, $0.0e+00;
	[tilespmem:s8+$0xFFFFFFE0] =	vst v2  }
0xee: {  	v2 =	vmax.f32 v4, $0.0e+00;
	[tilespmem:s8+$0xFFFFFFF0] =	vst v3  }
0xef: {  	v1 =	vmax.f32 v1, $0.0e+00;
	[tilespmem:s8+$0x20] =	vst v2  }
0xf0: {  	s6 =	simm.s32 $0x0;
	[tilespmem:s8+$0x30] =	vst v1  }
0xf1: {  	[spmem:s2] =	stream.indirect.scatter.add.f32 [tilespmem:s0], [sflag:$0x6], $0x40, s23, s19, $0xb8;
	[tilespmem:$0x14800] =	vst v63  }
.LBB2_9:
0xf2: {  	s28 =	sshll.u32 s6, $0x8  }
0xf3: {  	s4 =	sadd.s32 $0x180, s28  }
0xf4: {  	[tilespmem:s22], [sflag:$0x2] =	stream.indirect.gather [hbm4b:s12+s19], $0x20, s4, s19, $0xb8;
	[tilespmem:$0x14800] =	vst v63  }
0xf5: {  	s14 =	sadd.s32 $0x1580, s28  }
0xf6: {  	[tilespmem:s24], [sflag:$0x4] =	stream.indirect.gather [hbm4b:s13+s19], $0x20, s14, s19, $0xb8;
	[tilespmem:$0x14800] =	vst v63  }
0xf7: {  	_ =	swait.ge [sflag:s25], $0x1000  }
0xf8: {  	[sflag:s25] =	ssyncset.done $0x0  }
0xf9: {  	[sflag:s25] =	ssyncadd.s32 $0xFFFFF000  }
0xfa: {  	_ =	swait.ge [sflag:s26], $0x1000  }
0xfb: {  	[sflag:s26] =	ssyncset.done $0x0  }
0xfc: {  	[sflag:s26] =	ssyncadd.s32 $0xFFFFF000  }
0xfd: {  	_ =	swait.ge [sflag:s1], $0x2000  }
0xfe: {  	[sflag:s1] =	ssyncset.done $0x0  }
0xff: {  	s10 =	simm.s32 $0x2840;
	[sflag:s1] =	ssyncadd.s32 $0xFFFFE000  }
0x100: {  	s5 =	simm.s32 $0x4840;
	v1 =	vld [tilespmem:s10+$0x20]  }
0x101: {  	v2 =	vld [tilespmem:s5+$0x20];
	_ =	sdelay $0x1  }
0x102: {  	v3 =	vld [tilespmem:s5+$0xFFFFFFC0]  }
0x103: {  	v5 =	vld [tilespmem:s10+$0xFFFFFFE0]  }
0x104: {  	v4 =	vld [tilespmem:s10+$0xFFFFFFC0]  }
0x105: {  	v6 =	vshll.u32 v1, $0x10;
	v7 =	vshll.u32 v2, $0x10  }
0x106: {  	v8 =	vld [tilespmem:s5+$0xFFFFFFE0];
	v1 =	vand.u32 $0xFFFF0000, v1;
	v2 =	vand.u32 $0xFFFF0000, v2;
	v6 =	vadd.f32 v7, v6  }
0x107: {  	s8 =	simm.s32 $0x28C0;
	v9 =	vld [tilespmem:s5+$0x0];
	v1 =	vadd.f32 v2, v1  }
0x108: {  	s29 =	simm.s32 $0x6880;
	s4 =	simm.s32 $0x48C0;
	v14 =	vld [tilespmem:s8+$0xFFFFFFE0];
	v10 =	vshll.u32 v5, $0x10;
	v6 =	vmax.f32 v6, $0.0e+00  }
0x109: {  	v15 =	vld [tilespmem:s4+$0xFFFFFFE0];
	v2 =	vshll.u32 v3, $0x10;
	v1 =	vmax.f32 v1, $0.0e+00;
	[tilespmem:s29+$0x40] =	vst v6;
	v6 =	vshll.u32 v4, $0x10  }
0x10a: {  	v7 =	vld [tilespmem:s10+$0x0];
	v3 =	vand.u32 $0xFFFF0000, v3;
	[tilespmem:s29+$0x50] =	vst v1;
	v1 =	vand.u32 $0xFFFF0000, v4;
	v2 =	vadd.f32 v2, v6  }
0x10b: {  	v5 =	vand.u32 $0xFFFF0000, v5;
	v4 =	vshll.u32 v8, $0x10;
	v6 =	vld [tilespmem:s10+$0x30];
	v1 =	vadd.f32 v3, v1  }
0x10c: {  	v3 =	vand.u32 $0xFFFF0000, v8;
	v8 =	vld [tilespmem:s5+$0x30];
	v4 =	vadd.f32 v4, v10;
	v2 =	vmax.f32 v2, $0.0e+00  }
0x10d: {  	v17 =	vshll.u32 v14, $0x10;
	v3 =	vadd.f32 v3, v5;
	v1 =	vmax.f32 v1, $0.0e+00;
	[tilespmem:s29+$0xFFFFFF80] =	vst v2  }
0x10e: {  	v18 =	vshll.u32 v15, $0x10;
	v14 =	vand.u32 $0xFFFF0000, v14;
	v10 =	vld [tilespmem:s4+$0x20];
	v2 =	vmax.f32 v4, $0.0e+00;
	[tilespmem:s29+$0xFFFFFF90] =	vst v1  }
0x10f: {  	v1 =	vshll.u32 v7, $0x10;
	v4 =	vshll.u32 v9, $0x10;
	v3 =	vmax.f32 v3, $0.0e+00;
	v5 =	vld [tilespmem:s10+$0xFFFFFFD0];
	[tilespmem:s29+$0xFFFFFFC0] =	vst v2  }
0x110: {  	v2 =	vand.u32 $0xFFFF0000, v7;
	v7 =	vand.u32 $0xFFFF0000, v9;
	v1 =	vadd.f32 v4, v1;
	v4 =	vld [tilespmem:s5+$0xFFFFFFD0];
	[tilespmem:s29+$0xFFFFFFD0] =	vst v3  }
0x111: {  	v2 =	vadd.f32 v7, v2;
	v3 =	vand.u32 $0xFFFF0000, v6;
	v7 =	vand.u32 $0xFFFF0000, v8;
	v9 =	vld [tilespmem:s10+$0xFFFFFFF0]  }
0x112: {  	v6 =	vshll.u32 v6, $0x10;
	v8 =	vshll.u32 v8, $0x10;
	v3 =	vadd.f32 v7, v3;
	v7 =	vld [tilespmem:s5+$0xFFFFFFF0]  }
0x113: {  	v15 =	vand.u32 $0xFFFF0000, v15;
	v58 =	vadd.f32 v18, v17;
	v6 =	vadd.f32 v8, v6;
	v8 =	vld [tilespmem:s8+$0x20]  }
0x114: {  	v14 =	vadd.f32 v15, v14;
	v1 =	vmax.f32 v1, $0.0e+00;
	v2 =	vmax.f32 v2, $0.0e+00  }
0x115: {  	v11 =	vshll.u32 v5, $0x10;
	v5 =	vand.u32 $0xFFFF0000, v5;
	v13 =	vshll.u32 v4, $0x10  }
0x116: {  	v16 =	vld [tilespmem:s8+$0x0];
	v4 =	vand.u32 $0xFFFF0000, v4;
	v56 =	vshll.u32 v9, $0x10;
	v9 =	vand.u32 $0xFFFF0000, v9  }
0x117: {  	v12 =	vld [tilespmem:s4+$0xFFFFFFC0];
	v4 =	vadd.f32 v4, v5;
	v5 =	vshll.u32 v7, $0x10;
	v7 =	vand.u32 $0xFFFF0000, v7  }
0x118: {  	[tilespmem:s29+$0x0] =	vst v1;
	v1 =	vshll.u32 v8, $0x10;
	v57 =	vadd.f32 v7, v9;
	v7 =	vshll.u32 v10, $0x10;
	v9 =	vld [tilespmem:s8+$0xFFFFFFC0]  }
0x119: {  	[tilespmem:s29+$0x10] =	vst v2;
	v2 =	vld [tilespmem:s4+$0x0];
	v8 =	vand.u32 $0xFFFF0000, v8;
	v10 =	vand.u32 $0xFFFF0000, v10;
	v1 =	vadd.f32 v7, v1  }
0x11a: {  	v3 =	vmax.f32 v3, $0.0e+00;
	v6 =	vmax.f32 v6, $0.0e+00;
	v19 =	vld [tilespmem:s5+$0x10];
	v8 =	vadd.f32 v10, v8  }
0x11b: {  	[tilespmem:s29+$0x60] =	vst v6;
	v6 =	vand.u32 $0xFFFF0000, v16;
	v11 =	vadd.f32 v13, v11;
	v10 =	vld [tilespmem:s10+$0x10];
	s10 =	simm.s32 $0x6980;
	v1 =	vmax.f32 v1, $0.0e+00  }
0x11c: {  	v5 =	vadd.f32 v5, v56;
	v7 =	vshll.u32 v12, $0x10;
	[tilespmem:s10+$0x40] =	vst v1;
	v1 =	vmax.f32 v8, $0.0e+00  }
0x11d: {  	v12 =	vand.u32 $0xFFFF0000, v12;
	[tilespmem:s10+$0x50] =	vst v1;
	v1 =	vshll.u32 v9, $0x10;
	v9 =	vand.u32 $0xFFFF0000, v9  }
0x11e: {  	v11 =	vmax.f32 v11, $0.0e+00;
	v1 =	vadd.f32 v7, v1;
	v7 =	vadd.f32 v12, v9;
	v9 =	vld [tilespmem:s8+$0x30]  }
0x11f: {  	[tilespmem:s29+$0x70] =	vst v3;
	v4 =	vmax.f32 v4, $0.0e+00;
	v3 =	vshll.u32 v2, $0x10;
	v2 =	vand.u32 $0xFFFF0000, v2;
	v59 =	vld [tilespmem:s4+$0x30]  }
0x120: {  	[tilespmem:s29+$0xFFFFFFB0] =	vst v4;
	v4 =	vmax.f32 v58, $0.0e+00;
	v60 =	vshll.u32 v19, $0x10;
	v2 =	vadd.f32 v2, v6  }
0x121: {  	[tilespmem:s29+$0xFFFFFFA0] =	vst v11;
	v6 =	vmax.f32 v14, $0.0e+00;
	v8 =	vshll.u32 v16, $0x10;
	v1 =	vmax.f32 v1, $0.0e+00  }
0x122: {  	v62 =	vand.u32 $0xFFFF0000, v19;
	v3 =	vadd.f32 v3, v8;
	[tilespmem:s10+$0xFFFFFF80] =	vst v1;
	v1 =	vmax.f32 v7, $0.0e+00  }
0x123: {  	v5 =	vmax.f32 v5, $0.0e+00;
	v61 =	vmax.f32 v2, $0.0e+00;
	v11 =	vshll.u32 v10, $0x10;
	[tilespmem:s10+$0xFFFFFF90] =	vst v1  }
0x124: {  	[tilespmem:s10+$0xFFFFFFC0] =	vst v4;
	v7 =	vmax.f32 v3, $0.0e+00;
	v1 =	vld [tilespmem:s8+$0xFFFFFFD0];
	v3 =	vand.u32 $0xFFFF0000, v9;
	v4 =	vand.u32 $0xFFFF0000, v59  }
0x125: {  	[tilespmem:s10+$0xFFFFFFD0] =	vst v6;
	v10 =	vand.u32 $0xFFFF0000, v10;
	v8 =	vadd.f32 v60, v11;
	v2 =	vld [tilespmem:s4+$0xFFFFFFD0];
	v63 =	vadd.f32 v4, v3  }
0x126: {  	[tilespmem:s10+$0x10] =	vst v61;
	v6 =	vshll.u32 v9, $0x10;
	v16 =	vshll.u32 v59, $0x10;
	v9 =	vadd.f32 v62, v10;
	v3 =	vld [tilespmem:s8+$0xFFFFFFF0]  }
0x127: {  	s11 =	simm.s32 $0x4;
	s23 =	simm.s32 $0x2940;
	s5 =	simm.s32 $0x48C0;
	[tilespmem:s10+$0x0] =	vst v7;
	v4 =	vld [tilespmem:s4+$0xFFFFFFF0];
	v7 =	vadd.f32 v16, v6;
	v6 =	vmax.f32 v57, $0.0e+00;
	v10 =	vmax.f32 v63, $0.0e+00  }
.LBB2_10:
0x128: {  	v11 =	vld [tilespmem:s23+$0x20];
	[tilespmem:s10+$0x70] =	vst v10;
	s4 =	sadd.s32 $0x80, s4;
	v8 =	vmax.f32 v8, $0.0e+00;
	v9 =	vmax.f32 v9, $0.0e+00  }
0x129: {  	v10 =	vld [tilespmem:s4+$0x20];
	v12 =	vshll.u32 v1, $0x10;
	v1 =	vand.u32 $0xFFFF0000, v1;
	v7 =	vmax.f32 v7, $0.0e+00;
	[tilespmem:s29+$0xFFFFFFE0] =	vst v5  }
0x12a: {  	v5 =	vld [tilespmem:s4+$0xFFFFFFC0];
	v13 =	vshll.u32 v2, $0x10;
	v2 =	vand.u32 $0xFFFF0000, v2;
	[tilespmem:s29+$0xFFFFFFF0] =	vst v6  }
0x12b: {  	s11 =	sadd.s32 $0x4, s11;
	v6 =	vld [tilespmem:s23+$0xFFFFFFE0];
	v12 =	vadd.f32 v13, v12;
	v13 =	vshll.u32 v3, $0x10;
	v3 =	vand.u32 $0xFFFF0000, v3;
	[tilespmem:s29+$0x20] =	vst v8  }
0x12c: {  	p0 =	slt.u32 s11, $0x7C;
	v1 =	vadd.f32 v2, v1;
	v8 =	vld [tilespmem:s4+$0xFFFFFFE0];
	v2 =	vshll.u32 v4, $0x10;
	v4 =	vand.u32 $0xFFFF0000, v4;
	[tilespmem:s29+$0x30] =	vst v9;
	s29 =	smov.u32 s10  }
0x12d: {  	v9 =	vld [tilespmem:s23+$0x0];
	v12 =	vmax.f32 v12, $0.0e+00;
	v13 =	vadd.f32 v2, v13;
	v14 =	vadd.f32 v4, v3;
	[tilespmem:s10+$0x60] =	vst v7  }
0x12e: {  	v3 =	vshll.u32 v11, $0x10;
	v1 =	vmax.f32 v1, $0.0e+00;
	v2 =	vld [tilespmem:s4+$0x0];
	v4 =	vshll.u32 v10, $0x10;
	[tilespmem:s10+$0xFFFFFFA0] =	vst v12  }
0x12f: {  	v11 =	vand.u32 $0xFFFF0000, v11;
	v10 =	vand.u32 $0xFFFF0000, v10;
	v7 =	vld [tilespmem:s23+$0xFFFFFFC0];
	v3 =	vadd.f32 v4, v3;
	[tilespmem:s10+$0xFFFFFFB0] =	vst v1  }
0x130: {  	v1 =	vshll.u32 v5, $0x10;
	v4 =	vand.u32 $0xFFFF0000, v5;
	v5 =	vadd.f32 v10, v11;
	v10 =	vld [tilespmem:s8+$0x10];
	s8 =	smov.u32 s23  }
0x131: {  	s10 =	sadd.s32 $0x100, s10;
	v11 =	vshll.u32 v6, $0x10;
	v12 =	vshll.u32 v8, $0x10;
	v3 =	vmax.f32 v3, $0.0e+00;
	v15 =	vld [tilespmem:s5+$0x10];
	s5 =	smov.u32 s4  }
0x132: {  	v6 =	vand.u32 $0xFFFF0000, v6;
	v8 =	vand.u32 $0xFFFF0000, v8;
	[tilespmem:s10+$0x40] =	vst v3;
	v3 =	vmax.f32 v5, $0.0e+00  }
0x133: {  	v5 =	vshll.u32 v9, $0x10;
	v9 =	vand.u32 $0xFFFF0000, v9;
	v16 =	vshll.u32 v2, $0x10;
	[tilespmem:s10+$0x50] =	vst v3  }
0x134: {  	v2 =	vand.u32 $0xFFFF0000, v2;
	v3 =	vshll.u32 v7, $0x10;
	v7 =	vand.u32 $0xFFFF0000, v7;
	v17 =	vld [tilespmem:s23+$0x30]  }
0x135: {  	v1 =	vadd.f32 v1, v3;
	v3 =	vadd.f32 v4, v7;
	v4 =	vld [tilespmem:s4+$0x30];
	v7 =	vshll.u32 v10, $0x10  }
0x136: {  	v11 =	vadd.f32 v12, v11;
	v6 =	vadd.f32 v8, v6;
	v8 =	vshll.u32 v15, $0x10  }
0x137: {  	v5 =	vadd.f32 v16, v5;
	v2 =	vadd.f32 v2, v9;
	v1 =	vmax.f32 v1, $0.0e+00  }
0x138: {  	v6 =	vmax.f32 v6, $0.0e+00;
	[tilespmem:s10+$0xFFFFFF80] =	vst v1;
	v1 =	vmax.f32 v3, $0.0e+00;
	v3 =	vmax.f32 v11, $0.0e+00  }
.Ltmp3:
0x139: {  	v9 =	vand.u32 $0xFFFF0000, v10;
	v5 =	vmax.f32 v5, $0.0e+00;
	v11 =	vmax.f32 v2, $0.0e+00;
	[tilespmem:s10+$0xFFFFFF90] =	vst v1;
	(pc) =	sbr.rel @p0 .LBB2_10-.Ltmp3, $4  }
0x13a: {  	v12 =	vand.u32 $0xFFFF0000, v15;
	v1 =	vld [tilespmem:s23+$0xFFFFFFD0];
	[tilespmem:s10+$0xFFFFFFC0] =	vst v3;
	v3 =	vand.u32 $0xFFFF0000, v17;
	v10 =	vand.u32 $0xFFFF0000, v4  }
0x13b: {  	v15 =	vshll.u32 v4, $0x10;
	v2 =	vld [tilespmem:s4+$0xFFFFFFD0];
	[tilespmem:s10+$0xFFFFFFD0] =	vst v6;
	v6 =	vshll.u32 v17, $0x10;
	v10 =	vadd.f32 v10, v3  }
0x13c: {  	v8 =	vadd.f32 v8, v7;
	v9 =	vadd.f32 v12, v9;
	v3 =	vld [tilespmem:s23+$0xFFFFFFF0];
	[tilespmem:s10+$0x0] =	vst v5;
	v5 =	vmax.f32 v13, $0.0e+00  }
0x13d: {  	v7 =	vadd.f32 v15, v6;
	s23 =	sadd.s32 $0x80, s23;
	v6 =	vmax.f32 v14, $0.0e+00;
	v4 =	vld [tilespmem:s4+$0xFFFFFFF0];
	[tilespmem:s10+$0x10] =	vst v11;
	v10 =	vmax.f32 v10, $0.0e+00  }
0x13e: {  	_ = 	snop  }
0x13f: {  	[tilespmem:s10+$0x70] =	vst v10;
	v8 =	vmax.f32 v8, $0.0e+00;
	v9 =	vmax.f32 v9, $0.0e+00;
	v10 =	vld [tilespmem:s8+$0x10]  }
0x140: {  	[tilespmem:s29+$0xFFFFFFE0] =	vst v5;
	v12 =	vld [tilespmem:s5+$0x10];
	v11 =	vshll.u32 v1, $0x10;
	v1 =	vand.u32 $0xFFFF0000, v1;
	v5 =	vshll.u32 v2, $0x10  }
0x141: {  	[tilespmem:s29+$0xFFFFFFF0] =	vst v6;
	v7 =	vmax.f32 v7, $0.0e+00;
	v2 =	vand.u32 $0xFFFF0000, v2;
	v5 =	vadd.f32 v5, v11  }
0x142: {  	[tilespmem:s29+$0x20] =	vst v8;
	v6 =	vshll.u32 v3, $0x10;
	v3 =	vand.u32 $0xFFFF0000, v3;
	v1 =	vadd.f32 v2, v1  }
0x143: {  	[tilespmem:s29+$0x30] =	vst v9;
	v2 =	vshll.u32 v4, $0x10;
	v4 =	vand.u32 $0xFFFF0000, v4;
	v5 =	vmax.f32 v5, $0.0e+00  }
0x144: {  	[tilespmem:s10+$0x60] =	vst v7;
	v2 =	vadd.f32 v2, v6;
	v3 =	vadd.f32 v4, v3;
	v1 =	vmax.f32 v1, $0.0e+00  }
0x145: {  	v4 =	vshll.u32 v10, $0x10;
	v6 =	vand.u32 $0xFFFF0000, v10;
	[tilespmem:s10+$0xFFFFFFA0] =	vst v5;
	v5 =	vshll.u32 v12, $0x10  }
0x146: {  	[tilespmem:s10+$0xFFFFFFB0] =	vst v1;
	v1 =	vand.u32 $0xFFFF0000, v12;
	v2 =	vmax.f32 v2, $0.0e+00;
	v4 =	vadd.f32 v5, v4  }
0x147: {  	v1 =	vadd.f32 v1, v6;
	v3 =	vmax.f32 v3, $0.0e+00;
	[tilespmem:s10+$0xFFFFFFE0] =	vst v2  }
0x148: {  	[tilespmem:s10+$0xFFFFFFF0] =	vst v3;
	v2 =	vmax.f32 v4, $0.0e+00  }
0x149: {  	s4 =	sand.u32 $0x3FFFFF00, s28;
	v1 =	vmax.f32 v1, $0.0e+00;
	[tilespmem:s10+$0x20] =	vst v2  }
0x14a: {  	s4 =	sadd.s32 $0x1500, s4;
	[tilespmem:s10+$0x30] =	vst v1  }
0x14b: {  	[spmem:s2] =	stream.indirect.scatter.add.f32 [tilespmem:s16], [sflag:$0x5], $0x40, s4, s19, $0xb8;
	[tilespmem:$0x14800] =	vst v63  }
0x14c: {  	s10 =	sadd.s32 $0x200, s28  }
0x14d: {  	[tilespmem:s20], [sflag:$0x1] =	stream.indirect.gather [hbm4b:s12+s19], $0x20, s10, s19, $0xb8;
	[tilespmem:$0x14800] =	vst v63  }
0x14e: {  	s11 =	sadd.s32 $0x1600, s28  }
0x14f: {  	[tilespmem:s21], [sflag:$0x3] =	stream.indirect.gather [hbm4b:s13+s19], $0x20, s11, s19, $0xb8;
	[tilespmem:$0x14800] =	vst v63  }
0x150: {  	_ =	swait.ge [sflag:s30], $0x1000  }
0x151: {  	[sflag:s30] =	ssyncset.done $0x0  }
0x152: {  	[sflag:s30] =	ssyncadd.s32 $0xFFFFF000  }
0x153: {  	_ =	swait.ge [sflag:s31], $0x1000  }
0x154: {  	[sflag:s31] =	ssyncset.done $0x0  }
0x155: {  	[sflag:s31] =	ssyncadd.s32 $0xFFFFF000  }
0x156: {  	_ =	swait.ge [sflag:s7], $0x2000  }
0x157: {  	[sflag:s7] =	ssyncset.done $0x0  }
0x158: {  	s23 =	simm.s32 $0x3840;
	[sflag:s7] =	ssyncadd.s32 $0xFFFFE000  }
0x159: {  	s29 =	simm.s32 $0x5840;
	v1 =	vld [tilespmem:s23+$0x20]  }
0x15a: {  	v2 =	vld [tilespmem:s29+$0x20];
	_ =	sdelay $0x1  }
0x15b: {  	v3 =	vld [tilespmem:s29+$0xFFFFFFC0]  }
0x15c: {  	v5 =	vld [tilespmem:s23+$0xFFFFFFE0]  }
0x15d: {  	v4 =	vld [tilespmem:s23+$0xFFFFFFC0]  }
0x15e: {  	v8 =	vld [tilespmem:s29+$0xFFFFFFE0];
	v6 =	vshll.u32 v1, $0x10;
	v7 =	vshll.u32 v2, $0x10  }
0x15f: {  	s4 =	simm.s32 $0x58C0;
	v9 =	vld [tilespmem:s29+$0x0];
	v1 =	vand.u32 $0xFFFF0000, v1;
	v2 =	vand.u32 $0xFFFF0000, v2;
	v6 =	vadd.f32 v7, v6  }
0x160: {  	s8 =	simm.s32 $0x38C0;
	v54 =	vld [tilespmem:s4+$0xFFFFFFC0];
	v1 =	vadd.f32 v2, v1  }
0x161: {  	s28 =	simm.s32 $0x8880;
	v14 =	vld [tilespmem:s8+$0xFFFFFFE0];
	v10 =	vshll.u32 v5, $0x10;
	v6 =	vmax.f32 v6, $0.0e+00  }
0x162: {  	v15 =	vld [tilespmem:s4+$0xFFFFFFE0];
	v2 =	vshll.u32 v3, $0x10;
	v1 =	vmax.f32 v1, $0.0e+00;
	[tilespmem:s28+$0x40] =	vst v6;
	v6 =	vshll.u32 v4, $0x10  }
0x163: {  	v7 =	vld [tilespmem:s23+$0x0];
	v3 =	vand.u32 $0xFFFF0000, v3;
	[tilespmem:s28+$0x50] =	vst v1;
	v1 =	vand.u32 $0xFFFF0000, v4;
	v2 =	vadd.f32 v2, v6  }
0x164: {  	v5 =	vand.u32 $0xFFFF0000, v5;
	v4 =	vshll.u32 v8, $0x10;
	v6 =	vld [tilespmem:s23+$0x30];
	v1 =	vadd.f32 v3, v1  }
0x165: {  	v3 =	vand.u32 $0xFFFF0000, v8;
	v8 =	vld [tilespmem:s29+$0x30];
	v4 =	vadd.f32 v4, v10;
	v2 =	vmax.f32 v2, $0.0e+00  }
0x166: {  	v12 =	vand.u32 $0xFFFF0000, v54;
	v3 =	vadd.f32 v3, v5;
	v1 =	vmax.f32 v1, $0.0e+00;
	[tilespmem:s28+$0xFFFFFF80] =	vst v2  }
0x167: {  	v17 =	vshll.u32 v14, $0x10;
	v18 =	vshll.u32 v15, $0x10;
	v10 =	vld [tilespmem:s4+$0x20];
	v2 =	vmax.f32 v4, $0.0e+00;
	[tilespmem:s28+$0xFFFFFF90] =	vst v1  }
0x168: {  	v1 =	vshll.u32 v7, $0x10;
	v4 =	vshll.u32 v9, $0x10;
	v3 =	vmax.f32 v3, $0.0e+00;
	v5 =	vld [tilespmem:s23+$0xFFFFFFD0];
	[tilespmem:s28+$0xFFFFFFC0] =	vst v2  }
0x169: {  	v2 =	vand.u32 $0xFFFF0000, v7;
	v7 =	vand.u32 $0xFFFF0000, v9;
	v1 =	vadd.f32 v4, v1;
	v4 =	vld [tilespmem:s29+$0xFFFFFFD0];
	[tilespmem:s28+$0xFFFFFFD0] =	vst v3  }
0x16a: {  	v2 =	vadd.f32 v7, v2;
	v3 =	vand.u32 $0xFFFF0000, v6;
	v7 =	vand.u32 $0xFFFF0000, v8;
	v9 =	vld [tilespmem:s23+$0xFFFFFFF0]  }
0x16b: {  	v6 =	vshll.u32 v6, $0x10;
	v8 =	vshll.u32 v8, $0x10;
	v3 =	vadd.f32 v7, v3;
	v7 =	vld [tilespmem:s29+$0xFFFFFFF0]  }
0x16c: {  	v14 =	vand.u32 $0xFFFF0000, v14;
	v15 =	vand.u32 $0xFFFF0000, v15;
	v6 =	vadd.f32 v8, v6;
	v8 =	vld [tilespmem:s8+$0x20]  }
0x16d: {  	v58 =	vadd.f32 v18, v17;
	v1 =	vmax.f32 v1, $0.0e+00;
	v2 =	vmax.f32 v2, $0.0e+00  }
0x16e: {  	v11 =	vshll.u32 v5, $0x10;
	v5 =	vand.u32 $0xFFFF0000, v5;
	v13 =	vshll.u32 v4, $0x10  }
0x16f: {  	v16 =	vld [tilespmem:s8+$0x0];
	v4 =	vand.u32 $0xFFFF0000, v4;
	v55 =	vshll.u32 v9, $0x10;
	v9 =	vand.u32 $0xFFFF0000, v9  }
0x170: {  	v56 =	vld [tilespmem:s8+$0xFFFFFFC0];
	v4 =	vadd.f32 v4, v5;
	v5 =	vshll.u32 v7, $0x10;
	v7 =	vand.u32 $0xFFFF0000, v7  }
0x171: {  	[tilespmem:s28+$0x0] =	vst v1;
	v1 =	vshll.u32 v8, $0x10;
	v9 =	vadd.f32 v7, v9;
	v7 =	vshll.u32 v10, $0x10  }
0x172: {  	[tilespmem:s28+$0x10] =	vst v2;
	v2 =	vld [tilespmem:s4+$0x0];
	v8 =	vand.u32 $0xFFFF0000, v8;
	v10 =	vand.u32 $0xFFFF0000, v10;
	v1 =	vadd.f32 v7, v1  }
0x173: {  	v14 =	vadd.f32 v15, v14;
	v6 =	vmax.f32 v6, $0.0e+00;
	v8 =	vadd.f32 v10, v8  }
0x174: {  	s10 =	simm.s32 $0x8980;
	v3 =	vmax.f32 v3, $0.0e+00;
	v19 =	vld [tilespmem:s29+$0x10];
	[tilespmem:s28+$0x60] =	vst v6;
	v11 =	vadd.f32 v13, v11;
	v1 =	vmax.f32 v1, $0.0e+00  }
0x175: {  	v6 =	vand.u32 $0xFFFF0000, v16;
	v13 =	vand.u32 $0xFFFF0000, v56;
	[tilespmem:s10+$0x40] =	vst v1;
	v1 =	vmax.f32 v8, $0.0e+00  }
0x176: {  	v11 =	vmax.f32 v11, $0.0e+00;
	v5 =	vadd.f32 v5, v55;
	v4 =	vmax.f32 v4, $0.0e+00;
	v10 =	vld [tilespmem:s23+$0x10];
	[tilespmem:s10+$0x50] =	vst v1  }
0x177: {  	[tilespmem:s28+$0x70] =	vst v3;
	v7 =	vshll.u32 v54, $0x10;
	v3 =	vshll.u32 v2, $0x10;
	v1 =	vshll.u32 v56, $0x10;
	v57 =	vld [tilespmem:s8+$0x30]  }
0x178: {  	v2 =	vand.u32 $0xFFFF0000, v2;
	[tilespmem:s28+$0xFFFFFFB0] =	vst v4;
	v4 =	vmax.f32 v58, $0.0e+00;
	v1 =	vadd.f32 v7, v1;
	v59 =	vld [tilespmem:s4+$0x30]  }
0x179: {  	v60 =	vshll.u32 v19, $0x10;
	v2 =	vadd.f32 v2, v6;
	v7 =	vadd.f32 v12, v13  }
0x17a: {  	[tilespmem:s28+$0xFFFFFFA0] =	vst v11;
	v6 =	vmax.f32 v14, $0.0e+00;
	v8 =	vshll.u32 v16, $0x10;
	v1 =	vmax.f32 v1, $0.0e+00  }
0x17b: {  	v5 =	vmax.f32 v5, $0.0e+00;
	v3 =	vadd.f32 v3, v8;
	[tilespmem:s10+$0xFFFFFF80] =	vst v1;
	v1 =	vmax.f32 v7, $0.0e+00  }
0x17c: {  	v11 =	vshll.u32 v10, $0x10;
	v8 =	vand.u32 $0xFFFF0000, v10;
	v10 =	vand.u32 $0xFFFF0000, v19;
	[tilespmem:s10+$0xFFFFFF90] =	vst v1  }
0x17d: {  	[tilespmem:s10+$0xFFFFFFC0] =	vst v4;
	v7 =	vmax.f32 v3, $0.0e+00;
	v1 =	vld [tilespmem:s8+$0xFFFFFFD0];
	v3 =	vand.u32 $0xFFFF0000, v57;
	v4 =	vand.u32 $0xFFFF0000, v59  }
0x17e: {  	[tilespmem:s10+$0xFFFFFFD0] =	vst v6;
	v61 =	vmax.f32 v2, $0.0e+00;
	v8 =	vadd.f32 v10, v8;
	v2 =	vld [tilespmem:s4+$0xFFFFFFD0];
	v63 =	vadd.f32 v4, v3  }
0x17f: {  	[tilespmem:s10+$0x0] =	vst v7;
	v7 =	vadd.f32 v60, v11;
	v6 =	vshll.u32 v57, $0x10;
	v62 =	vshll.u32 v59, $0x10;
	v3 =	vld [tilespmem:s8+$0xFFFFFFF0]  }
0x180: {  	s5 =	simm.s32 $0x58C0;
	s11 =	simm.s32 $0x4;
	s23 =	simm.s32 $0x3940;
	v9 =	vmax.f32 v9, $0.0e+00;
	[tilespmem:s10+$0x10] =	vst v61;
	v4 =	vld [tilespmem:s4+$0xFFFFFFF0];
	v6 =	vadd.f32 v62, v6;
	v10 =	vmax.f32 v63, $0.0e+00  }
.LBB2_12:
0x181: {  	v11 =	vld [tilespmem:s23+$0x20];
	[tilespmem:s10+$0x70] =	vst v10;
	s4 =	sadd.s32 $0x80, s4;
	v7 =	vmax.f32 v7, $0.0e+00;
	v8 =	vmax.f32 v8, $0.0e+00  }
0x182: {  	v10 =	vld [tilespmem:s4+$0x20];
	v12 =	vshll.u32 v1, $0x10;
	v1 =	vand.u32 $0xFFFF0000, v1;
	v6 =	vmax.f32 v6, $0.0e+00;
	[tilespmem:s28+$0xFFFFFFE0] =	vst v5  }
0x183: {  	v5 =	vld [tilespmem:s4+$0xFFFFFFC0];
	v13 =	vshll.u32 v2, $0x10;
	v2 =	vand.u32 $0xFFFF0000, v2;
	[tilespmem:s28+$0xFFFFFFF0] =	vst v9  }
0x184: {  	s11 =	sadd.s32 $0x4, s11;
	v9 =	vld [tilespmem:s23+$0xFFFFFFE0];
	v12 =	vadd.f32 v13, v12;
	v13 =	vshll.u32 v3, $0x10;
	v3 =	vand.u32 $0xFFFF0000, v3;
	[tilespmem:s28+$0x20] =	vst v7  }
0x185: {  	p0 =	slt.u32 s11, $0x7C;
	v1 =	vadd.f32 v2, v1;
	v7 =	vld [tilespmem:s4+$0xFFFFFFE0];
	v2 =	vshll.u32 v4, $0x10;
	v4 =	vand.u32 $0xFFFF0000, v4;
	[tilespmem:s28+$0x30] =	vst v8;
	s28 =	smov.u32 s10  }
0x186: {  	v8 =	vld [tilespmem:s23+$0x0];
	v12 =	vmax.f32 v12, $0.0e+00;
	v13 =	vadd.f32 v2, v13;
	v14 =	vadd.f32 v4, v3;
	[tilespmem:s10+$0x60] =	vst v6  }
0x187: {  	v3 =	vshll.u32 v11, $0x10;
	v1 =	vmax.f32 v1, $0.0e+00;
	v2 =	vld [tilespmem:s4+$0x0];
	v4 =	vshll.u32 v10, $0x10;
	[tilespmem:s10+$0xFFFFFFA0] =	vst v12  }
0x188: {  	v11 =	vand.u32 $0xFFFF0000, v11;
	v10 =	vand.u32 $0xFFFF0000, v10;
	v6 =	vld [tilespmem:s23+$0xFFFFFFC0];
	v3 =	vadd.f32 v4, v3;
	[tilespmem:s10+$0xFFFFFFB0] =	vst v1  }
0x189: {  	v1 =	vshll.u32 v5, $0x10;
	v4 =	vand.u32 $0xFFFF0000, v5;
	v5 =	vadd.f32 v10, v11;
	v10 =	vld [tilespmem:s8+$0x10];
	s8 =	smov.u32 s23  }
0x18a: {  	s10 =	sadd.s32 $0x100, s10;
	v11 =	vshll.u32 v9, $0x10;
	v12 =	vshll.u32 v7, $0x10;
	v3 =	vmax.f32 v3, $0.0e+00;
	v15 =	vld [tilespmem:s5+$0x10];
	s5 =	smov.u32 s4  }
0x18b: {  	v9 =	vand.u32 $0xFFFF0000, v9;
	v7 =	vand.u32 $0xFFFF0000, v7;
	[tilespmem:s10+$0x40] =	vst v3;
	v3 =	vmax.f32 v5, $0.0e+00  }
0x18c: {  	v5 =	vshll.u32 v8, $0x10;
	v8 =	vand.u32 $0xFFFF0000, v8;
	v16 =	vshll.u32 v2, $0x10;
	[tilespmem:s10+$0x50] =	vst v3  }
0x18d: {  	v2 =	vand.u32 $0xFFFF0000, v2;
	v3 =	vshll.u32 v6, $0x10;
	v6 =	vand.u32 $0xFFFF0000, v6;
	v17 =	vld [tilespmem:s23+$0x30]  }
0x18e: {  	v1 =	vadd.f32 v1, v3;
	v3 =	vadd.f32 v4, v6;
	v4 =	vld [tilespmem:s4+$0x30];
	v6 =	vshll.u32 v10, $0x10  }
0x18f: {  	v11 =	vadd.f32 v12, v11;
	v7 =	vadd.f32 v7, v9;
	v9 =	vshll.u32 v15, $0x10  }
0x190: {  	v5 =	vadd.f32 v16, v5;
	v2 =	vadd.f32 v2, v8;
	v1 =	vmax.f32 v1, $0.0e+00  }
0x191: {  	v7 =	vmax.f32 v7, $0.0e+00;
	[tilespmem:s10+$0xFFFFFF80] =	vst v1;
	v1 =	vmax.f32 v3, $0.0e+00;
	v3 =	vmax.f32 v11, $0.0e+00  }
.Ltmp4:
0x192: {  	v8 =	vand.u32 $0xFFFF0000, v10;
	v5 =	vmax.f32 v5, $0.0e+00;
	v11 =	vmax.f32 v2, $0.0e+00;
	[tilespmem:s10+$0xFFFFFF90] =	vst v1;
	(pc) =	sbr.rel @p0 .LBB2_12-.Ltmp4, $4  }
0x193: {  	v12 =	vand.u32 $0xFFFF0000, v15;
	v1 =	vld [tilespmem:s23+$0xFFFFFFD0];
	[tilespmem:s10+$0xFFFFFFC0] =	vst v3;
	v3 =	vand.u32 $0xFFFF0000, v17;
	v10 =	vand.u32 $0xFFFF0000, v4  }
0x194: {  	v15 =	vshll.u32 v17, $0x10;
	v16 =	vshll.u32 v4, $0x10;
	v2 =	vld [tilespmem:s4+$0xFFFFFFD0];
	[tilespmem:s10+$0xFFFFFFD0] =	vst v7;
	v10 =	vadd.f32 v10, v3  }
0x195: {  	v8 =	vadd.f32 v12, v8;
	v7 =	vadd.f32 v9, v6;
	v3 =	vld [tilespmem:s23+$0xFFFFFFF0];
	[tilespmem:s10+$0x0] =	vst v5;
	v5 =	vmax.f32 v13, $0.0e+00  }
0x196: {  	v6 =	vadd.f32 v16, v15;
	v9 =	vmax.f32 v14, $0.0e+00;
	s23 =	sadd.s32 $0x80, s23;
	v4 =	vld [tilespmem:s4+$0xFFFFFFF0];
	[tilespmem:s10+$0x10] =	vst v11;
	v10 =	vmax.f32 v10, $0.0e+00  }
0x197: {  	_ = 	snop  }
0x198: {  	[tilespmem:s10+$0x70] =	vst v10;
	v12 =	vld [tilespmem:s8+$0x10];
	v54 =	vmax.f32 v7, $0.0e+00;
	v55 =	vmax.f32 v8, $0.0e+00  }
0x199: {  	[tilespmem:s28+$0xFFFFFFE0] =	vst v5;
	v57 =	vld [tilespmem:s5+$0x10];
	v53 =	vshll.u32 v1, $0x10;
	v1 =	vand.u32 $0xFFFF0000, v1;
	v11 =	vshll.u32 v2, $0x10  }
0x19a: {  	[tilespmem:s28+$0xFFFFFFF0] =	vst v9;
	v6 =	vmax.f32 v6, $0.0e+00;
	v2 =	vand.u32 $0xFFFF0000, v2;
	v56 =	vadd.f32 v11, v53  }
0x19b: {  	[tilespmem:s28+$0x20] =	vst v54;
	v58 =	vshll.u32 v3, $0x10;
	v3 =	vand.u32 $0xFFFF0000, v3;
	v1 =	vadd.f32 v2, v1  }
0x19c: {  	[tilespmem:s28+$0x30] =	vst v55;
	v2 =	vshll.u32 v4, $0x10;
	v59 =	vand.u32 $0xFFFF0000, v4;
	v60 =	vmax.f32 v56, $0.0e+00  }
0x19d: {  	[tilespmem:s10+$0x60] =	vst v6;
	v2 =	vadd.f32 v2, v58;
	v3 =	vadd.f32 v59, v3;
	v1 =	vmax.f32 v1, $0.0e+00  }
0x19e: {  	s6 =	sadd.s32 $0x1, s6;
	v61 =	vshll.u32 v12, $0x10;
	v62 =	vshll.u32 v57, $0x10;
	v63 =	vand.u32 $0xFFFF0000, v12;
	[tilespmem:s10+$0xFFFFFFA0] =	vst v60  }
0x19f: {  	p0 =	sne.s32 s6, $0x12;
	[tilespmem:s10+$0xFFFFFFB0] =	vst v1;
	v1 =	vand.u32 $0xFFFF0000, v57;
	v4 =	vadd.f32 v62, v61;
	v2 =	vmax.f32 v2, $0.0e+00  }
.Ltmp5:
0x1a0: {  	v1 =	vadd.f32 v1, v63;
	v3 =	vmax.f32 v3, $0.0e+00;
	[tilespmem:s10+$0xFFFFFFE0] =	vst v2;
	(pc) =	sbr.rel @p0 .LBB2_9-.Ltmp5, $4  }
0x1a1: {  	v2 =	vmax.f32 v4, $0.0e+00;
	[tilespmem:s10+$0xFFFFFFF0] =	vst v3  }
0x1a2: {  	v1 =	vmax.f32 v1, $0.0e+00;
	[tilespmem:s10+$0x20] =	vst v2  }
0x1a3: {  	[tilespmem:s10+$0x30] =	vst v1  }
0x1a4: {  	[spmem:s2] =	stream.indirect.scatter.add.f32 [tilespmem:s0], [sflag:$0x6], $0x40, s14, s19, $0xb8;
	[tilespmem:$0x14800] =	vst v63  }
0x1a5: {  	s4 =	simm.s32 $0x1380  }
0x1a6: {  	[tilespmem:s22], [sflag:$0x2] =	stream.indirect.gather [hbm4b:s12+s19], $0x20, s4, s19, $0xb8;
	[tilespmem:$0x14800] =	vst v63  }
0x1a7: {  	_ = 	snop  }
0x1a8: {  	[tilespmem:s24], [sflag:$0x4] =	stream.indirect.gather [hbm4b:s13+s19], $0x20, s9, s19, $0xb8;
	[tilespmem:$0x14800] =	vst v63  }
0x1a9: {  	_ =	swait.ge [sflag:s25], $0x1000  }
0x1aa: {  	[sflag:s25] =	ssyncset.done $0x0  }
0x1ab: {  	[sflag:s25] =	ssyncadd.s32 $0xFFFFF000  }
0x1ac: {  	_ =	swait.ge [sflag:s26], $0x1000  }
0x1ad: {  	[sflag:s26] =	ssyncset.done $0x0  }
0x1ae: {  	[sflag:s26] =	ssyncadd.s32 $0xFFFFF000  }
0x1af: {  	_ =	swait.ge [sflag:s1], $0x2000  }
0x1b0: {  	[sflag:s1] =	ssyncset.done $0x0  }
0x1b1: {  	s10 =	simm.s32 $0x2840;
	[sflag:s1] =	ssyncadd.s32 $0xFFFFE000  }
0x1b2: {  	s5 =	simm.s32 $0x4840;
	v1 =	vld [tilespmem:s10+$0x20]  }
0x1b3: {  	v2 =	vld [tilespmem:s5+$0x20];
	_ =	sdelay $0x1  }
0x1b4: {  	v3 =	vld [tilespmem:s5+$0xFFFFFFC0]  }
0x1b5: {  	v5 =	vld [tilespmem:s10+$0xFFFFFFE0]  }
0x1b6: {  	v4 =	vld [tilespmem:s10+$0xFFFFFFC0]  }
0x1b7: {  	v6 =	vshll.u32 v1, $0x10;
	v7 =	vshll.u32 v2, $0x10  }
0x1b8: {  	v8 =	vld [tilespmem:s5+$0xFFFFFFE0];
	v1 =	vand.u32 $0xFFFF0000, v1;
	v2 =	vand.u32 $0xFFFF0000, v2;
	v6 =	vadd.f32 v7, v6  }
0x1b9: {  	s8 =	simm.s32 $0x28C0;
	v9 =	vld [tilespmem:s5+$0x0];
	v1 =	vadd.f32 v2, v1  }
0x1ba: {  	s6 =	simm.s32 $0x6880;
	s4 =	simm.s32 $0x48C0;
	v14 =	vld [tilespmem:s8+$0xFFFFFFE0];
	v10 =	vshll.u32 v5, $0x10;
	v6 =	vmax.f32 v6, $0.0e+00  }
0x1bb: {  	v15 =	vld [tilespmem:s4+$0xFFFFFFE0];
	v2 =	vshll.u32 v3, $0x10;
	v1 =	vmax.f32 v1, $0.0e+00;
	[tilespmem:s6+$0x40] =	vst v6;
	v6 =	vshll.u32 v4, $0x10  }
0x1bc: {  	v7 =	vld [tilespmem:s10+$0x0];
	v3 =	vand.u32 $0xFFFF0000, v3;
	[tilespmem:s6+$0x50] =	vst v1;
	v1 =	vand.u32 $0xFFFF0000, v4;
	v2 =	vadd.f32 v2, v6  }
0x1bd: {  	v5 =	vand.u32 $0xFFFF0000, v5;
	v4 =	vshll.u32 v8, $0x10;
	v6 =	vld [tilespmem:s10+$0x30];
	v1 =	vadd.f32 v3, v1  }
0x1be: {  	v3 =	vand.u32 $0xFFFF0000, v8;
	v8 =	vld [tilespmem:s5+$0x30];
	v4 =	vadd.f32 v4, v10;
	v2 =	vmax.f32 v2, $0.0e+00  }
0x1bf: {  	v17 =	vshll.u32 v14, $0x10;
	v3 =	vadd.f32 v3, v5;
	v1 =	vmax.f32 v1, $0.0e+00;
	[tilespmem:s6+$0xFFFFFF80] =	vst v2  }
0x1c0: {  	v18 =	vshll.u32 v15, $0x10;
	v14 =	vand.u32 $0xFFFF0000, v14;
	v10 =	vld [tilespmem:s4+$0x20];
	v2 =	vmax.f32 v4, $0.0e+00;
	[tilespmem:s6+$0xFFFFFF90] =	vst v1  }
0x1c1: {  	v1 =	vshll.u32 v7, $0x10;
	v4 =	vshll.u32 v9, $0x10;
	v3 =	vmax.f32 v3, $0.0e+00;
	v5 =	vld [tilespmem:s10+$0xFFFFFFD0];
	[tilespmem:s6+$0xFFFFFFC0] =	vst v2  }
0x1c2: {  	v2 =	vand.u32 $0xFFFF0000, v7;
	v7 =	vand.u32 $0xFFFF0000, v9;
	v1 =	vadd.f32 v4, v1;
	v4 =	vld [tilespmem:s5+$0xFFFFFFD0];
	[tilespmem:s6+$0xFFFFFFD0] =	vst v3  }
0x1c3: {  	v2 =	vadd.f32 v7, v2;
	v3 =	vand.u32 $0xFFFF0000, v6;
	v7 =	vand.u32 $0xFFFF0000, v8;
	v9 =	vld [tilespmem:s10+$0xFFFFFFF0]  }
0x1c4: {  	v6 =	vshll.u32 v6, $0x10;
	v8 =	vshll.u32 v8, $0x10;
	v3 =	vadd.f32 v7, v3;
	v7 =	vld [tilespmem:s5+$0xFFFFFFF0]  }
0x1c5: {  	v15 =	vand.u32 $0xFFFF0000, v15;
	v58 =	vadd.f32 v18, v17;
	v6 =	vadd.f32 v8, v6;
	v8 =	vld [tilespmem:s8+$0x20]  }
0x1c6: {  	v14 =	vadd.f32 v15, v14;
	v1 =	vmax.f32 v1, $0.0e+00;
	v2 =	vmax.f32 v2, $0.0e+00  }
0x1c7: {  	v11 =	vshll.u32 v5, $0x10;
	v5 =	vand.u32 $0xFFFF0000, v5;
	v13 =	vshll.u32 v4, $0x10  }
0x1c8: {  	v16 =	vld [tilespmem:s8+$0x0];
	v4 =	vand.u32 $0xFFFF0000, v4;
	v56 =	vshll.u32 v9, $0x10;
	v9 =	vand.u32 $0xFFFF0000, v9  }
0x1c9: {  	v12 =	vld [tilespmem:s4+$0xFFFFFFC0];
	v4 =	vadd.f32 v4, v5;
	v5 =	vshll.u32 v7, $0x10;
	v7 =	vand.u32 $0xFFFF0000, v7  }
0x1ca: {  	[tilespmem:s6+$0x0] =	vst v1;
	v1 =	vshll.u32 v8, $0x10;
	v57 =	vadd.f32 v7, v9;
	v7 =	vshll.u32 v10, $0x10;
	v9 =	vld [tilespmem:s8+$0xFFFFFFC0]  }
0x1cb: {  	[tilespmem:s6+$0x10] =	vst v2;
	v2 =	vld [tilespmem:s4+$0x0];
	v8 =	vand.u32 $0xFFFF0000, v8;
	v10 =	vand.u32 $0xFFFF0000, v10;
	v1 =	vadd.f32 v7, v1  }
0x1cc: {  	v3 =	vmax.f32 v3, $0.0e+00;
	v6 =	vmax.f32 v6, $0.0e+00;
	v19 =	vld [tilespmem:s5+$0x10];
	v8 =	vadd.f32 v10, v8  }
0x1cd: {  	[tilespmem:s6+$0x60] =	vst v6;
	v6 =	vand.u32 $0xFFFF0000, v16;
	v11 =	vadd.f32 v13, v11;
	v10 =	vld [tilespmem:s10+$0x10];
	s10 =	simm.s32 $0x6980;
	v1 =	vmax.f32 v1, $0.0e+00  }
0x1ce: {  	v5 =	vadd.f32 v5, v56;
	v7 =	vshll.u32 v12, $0x10;
	[tilespmem:s10+$0x40] =	vst v1;
	v1 =	vmax.f32 v8, $0.0e+00  }
0x1cf: {  	v12 =	vand.u32 $0xFFFF0000, v12;
	[tilespmem:s10+$0x50] =	vst v1;
	v1 =	vshll.u32 v9, $0x10;
	v9 =	vand.u32 $0xFFFF0000, v9  }
0x1d0: {  	v11 =	vmax.f32 v11, $0.0e+00;
	v1 =	vadd.f32 v7, v1;
	v7 =	vadd.f32 v12, v9;
	v9 =	vld [tilespmem:s8+$0x30]  }
0x1d1: {  	[tilespmem:s6+$0x70] =	vst v3;
	v4 =	vmax.f32 v4, $0.0e+00;
	v3 =	vshll.u32 v2, $0x10;
	v2 =	vand.u32 $0xFFFF0000, v2;
	v59 =	vld [tilespmem:s4+$0x30]  }
0x1d2: {  	[tilespmem:s6+$0xFFFFFFB0] =	vst v4;
	v4 =	vmax.f32 v58, $0.0e+00;
	v60 =	vshll.u32 v19, $0x10;
	v2 =	vadd.f32 v2, v6  }
0x1d3: {  	[tilespmem:s6+$0xFFFFFFA0] =	vst v11;
	v6 =	vmax.f32 v14, $0.0e+00;
	v8 =	vshll.u32 v16, $0x10;
	v1 =	vmax.f32 v1, $0.0e+00  }
0x1d4: {  	v62 =	vand.u32 $0xFFFF0000, v19;
	v3 =	vadd.f32 v3, v8;
	[tilespmem:s10+$0xFFFFFF80] =	vst v1;
	v1 =	vmax.f32 v7, $0.0e+00  }
0x1d5: {  	v5 =	vmax.f32 v5, $0.0e+00;
	v61 =	vmax.f32 v2, $0.0e+00;
	v11 =	vshll.u32 v10, $0x10;
	[tilespmem:s10+$0xFFFFFF90] =	vst v1  }
0x1d6: {  	[tilespmem:s10+$0xFFFFFFC0] =	vst v4;
	v7 =	vmax.f32 v3, $0.0e+00;
	v1 =	vld [tilespmem:s8+$0xFFFFFFD0];
	v3 =	vand.u32 $0xFFFF0000, v9;
	v4 =	vand.u32 $0xFFFF0000, v59  }
0x1d7: {  	[tilespmem:s10+$0xFFFFFFD0] =	vst v6;
	v10 =	vand.u32 $0xFFFF0000, v10;
	v8 =	vadd.f32 v60, v11;
	v2 =	vld [tilespmem:s4+$0xFFFFFFD0];
	v63 =	vadd.f32 v4, v3  }
0x1d8: {  	[tilespmem:s10+$0x10] =	vst v61;
	v6 =	vshll.u32 v9, $0x10;
	v16 =	vshll.u32 v59, $0x10;
	v9 =	vadd.f32 v62, v10;
	v3 =	vld [tilespmem:s8+$0xFFFFFFF0]  }
0x1d9: {  	s11 =	simm.s32 $0x4;
	s14 =	simm.s32 $0x2940;
	s5 =	simm.s32 $0x48C0;
	[tilespmem:s10+$0x0] =	vst v7;
	v4 =	vld [tilespmem:s4+$0xFFFFFFF0];
	v7 =	vadd.f32 v16, v6;
	v6 =	vmax.f32 v57, $0.0e+00;
	v10 =	vmax.f32 v63, $0.0e+00  }
.LBB2_15:
0x1da: {  	v11 =	vld [tilespmem:s14+$0x20];
	[tilespmem:s10+$0x70] =	vst v10;
	s4 =	sadd.s32 $0x80, s4;
	v8 =	vmax.f32 v8, $0.0e+00;
	v9 =	vmax.f32 v9, $0.0e+00  }
0x1db: {  	v10 =	vld [tilespmem:s4+$0x20];
	v12 =	vshll.u32 v1, $0x10;
	v1 =	vand.u32 $0xFFFF0000, v1;
	v7 =	vmax.f32 v7, $0.0e+00;
	[tilespmem:s6+$0xFFFFFFE0] =	vst v5  }
0x1dc: {  	v5 =	vld [tilespmem:s4+$0xFFFFFFC0];
	v13 =	vshll.u32 v2, $0x10;
	v2 =	vand.u32 $0xFFFF0000, v2;
	[tilespmem:s6+$0xFFFFFFF0] =	vst v6  }
0x1dd: {  	s11 =	sadd.s32 $0x4, s11;
	v6 =	vld [tilespmem:s14+$0xFFFFFFE0];
	v12 =	vadd.f32 v13, v12;
	v13 =	vshll.u32 v3, $0x10;
	v3 =	vand.u32 $0xFFFF0000, v3;
	[tilespmem:s6+$0x20] =	vst v8  }
0x1de: {  	p0 =	slt.u32 s11, $0x7C;
	v1 =	vadd.f32 v2, v1;
	v8 =	vld [tilespmem:s4+$0xFFFFFFE0];
	v2 =	vshll.u32 v4, $0x10;
	v4 =	vand.u32 $0xFFFF0000, v4;
	[tilespmem:s6+$0x30] =	vst v9;
	s6 =	smov.u32 s10  }
0x1df: {  	v9 =	vld [tilespmem:s14+$0x0];
	v12 =	vmax.f32 v12, $0.0e+00;
	v13 =	vadd.f32 v2, v13;
	v14 =	vadd.f32 v4, v3;
	[tilespmem:s10+$0x60] =	vst v7  }
0x1e0: {  	v3 =	vshll.u32 v11, $0x10;
	v1 =	vmax.f32 v1, $0.0e+00;
	v2 =	vld [tilespmem:s4+$0x0];
	v4 =	vshll.u32 v10, $0x10;
	[tilespmem:s10+$0xFFFFFFA0] =	vst v12  }
0x1e1: {  	v11 =	vand.u32 $0xFFFF0000, v11;
	v10 =	vand.u32 $0xFFFF0000, v10;
	v7 =	vld [tilespmem:s14+$0xFFFFFFC0];
	v3 =	vadd.f32 v4, v3;
	[tilespmem:s10+$0xFFFFFFB0] =	vst v1  }
0x1e2: {  	v1 =	vshll.u32 v5, $0x10;
	v4 =	vand.u32 $0xFFFF0000, v5;
	v5 =	vadd.f32 v10, v11;
	v10 =	vld [tilespmem:s8+$0x10];
	s8 =	smov.u32 s14  }
0x1e3: {  	s10 =	sadd.s32 $0x100, s10;
	v11 =	vshll.u32 v6, $0x10;
	v12 =	vshll.u32 v8, $0x10;
	v3 =	vmax.f32 v3, $0.0e+00;
	v15 =	vld [tilespmem:s5+$0x10];
	s5 =	smov.u32 s4  }
0x1e4: {  	v6 =	vand.u32 $0xFFFF0000, v6;
	v8 =	vand.u32 $0xFFFF0000, v8;
	[tilespmem:s10+$0x40] =	vst v3;
	v3 =	vmax.f32 v5, $0.0e+00  }
0x1e5: {  	v5 =	vshll.u32 v9, $0x10;
	v9 =	vand.u32 $0xFFFF0000, v9;
	v16 =	vshll.u32 v2, $0x10;
	[tilespmem:s10+$0x50] =	vst v3  }
0x1e6: {  	v2 =	vand.u32 $0xFFFF0000, v2;
	v3 =	vshll.u32 v7, $0x10;
	v7 =	vand.u32 $0xFFFF0000, v7;
	v17 =	vld [tilespmem:s14+$0x30]  }
0x1e7: {  	v1 =	vadd.f32 v1, v3;
	v3 =	vadd.f32 v4, v7;
	v4 =	vld [tilespmem:s4+$0x30];
	v7 =	vshll.u32 v10, $0x10  }
0x1e8: {  	v11 =	vadd.f32 v12, v11;
	v6 =	vadd.f32 v8, v6;
	v8 =	vshll.u32 v15, $0x10  }
0x1e9: {  	v5 =	vadd.f32 v16, v5;
	v2 =	vadd.f32 v2, v9;
	v1 =	vmax.f32 v1, $0.0e+00  }
0x1ea: {  	v6 =	vmax.f32 v6, $0.0e+00;
	[tilespmem:s10+$0xFFFFFF80] =	vst v1;
	v1 =	vmax.f32 v3, $0.0e+00;
	v3 =	vmax.f32 v11, $0.0e+00  }
.Ltmp6:
0x1eb: {  	v9 =	vand.u32 $0xFFFF0000, v10;
	v5 =	vmax.f32 v5, $0.0e+00;
	v11 =	vmax.f32 v2, $0.0e+00;
	[tilespmem:s10+$0xFFFFFF90] =	vst v1;
	(pc) =	sbr.rel @p0 .LBB2_15-.Ltmp6, $4  }
0x1ec: {  	v12 =	vand.u32 $0xFFFF0000, v15;
	v1 =	vld [tilespmem:s14+$0xFFFFFFD0];
	[tilespmem:s10+$0xFFFFFFC0] =	vst v3;
	v3 =	vand.u32 $0xFFFF0000, v17;
	v10 =	vand.u32 $0xFFFF0000, v4  }
0x1ed: {  	v15 =	vshll.u32 v4, $0x10;
	v2 =	vld [tilespmem:s4+$0xFFFFFFD0];
	[tilespmem:s10+$0xFFFFFFD0] =	vst v6;
	v6 =	vshll.u32 v17, $0x10;
	v10 =	vadd.f32 v10, v3  }
0x1ee: {  	v8 =	vadd.f32 v8, v7;
	v9 =	vadd.f32 v12, v9;
	v3 =	vld [tilespmem:s14+$0xFFFFFFF0];
	[tilespmem:s10+$0x0] =	vst v5;
	v5 =	vmax.f32 v13, $0.0e+00  }
0x1ef: {  	v7 =	vadd.f32 v15, v6;
	s14 =	sadd.s32 $0x80, s14;
	v6 =	vmax.f32 v14, $0.0e+00;
	v4 =	vld [tilespmem:s4+$0xFFFFFFF0];
	[tilespmem:s10+$0x10] =	vst v11;
	v10 =	vmax.f32 v10, $0.0e+00  }
0x1f0: {  	_ = 	snop  }
0x1f1: {  	[tilespmem:s10+$0x70] =	vst v10;
	v8 =	vmax.f32 v8, $0.0e+00;
	v9 =	vmax.f32 v9, $0.0e+00;
	v10 =	vld [tilespmem:s8+$0x10]  }
0x1f2: {  	[tilespmem:s6+$0xFFFFFFE0] =	vst v5;
	v12 =	vld [tilespmem:s5+$0x10];
	v11 =	vshll.u32 v1, $0x10;
	v1 =	vand.u32 $0xFFFF0000, v1;
	v5 =	vshll.u32 v2, $0x10  }
0x1f3: {  	[tilespmem:s6+$0xFFFFFFF0] =	vst v6;
	v7 =	vmax.f32 v7, $0.0e+00;
	v2 =	vand.u32 $0xFFFF0000, v2;
	v5 =	vadd.f32 v5, v11  }
0x1f4: {  	[tilespmem:s6+$0x20] =	vst v8;
	v6 =	vshll.u32 v3, $0x10;
	v3 =	vand.u32 $0xFFFF0000, v3;
	v1 =	vadd.f32 v2, v1  }
0x1f5: {  	[tilespmem:s6+$0x30] =	vst v9;
	v2 =	vshll.u32 v4, $0x10;
	v4 =	vand.u32 $0xFFFF0000, v4;
	v5 =	vmax.f32 v5, $0.0e+00  }
0x1f6: {  	[tilespmem:s10+$0x60] =	vst v7;
	v2 =	vadd.f32 v2, v6;
	v3 =	vadd.f32 v4, v3;
	v1 =	vmax.f32 v1, $0.0e+00  }
0x1f7: {  	v4 =	vshll.u32 v10, $0x10;
	v6 =	vand.u32 $0xFFFF0000, v10;
	[tilespmem:s10+$0xFFFFFFA0] =	vst v5;
	v5 =	vshll.u32 v12, $0x10  }
0x1f8: {  	[tilespmem:s10+$0xFFFFFFB0] =	vst v1;
	v1 =	vand.u32 $0xFFFF0000, v12;
	v2 =	vmax.f32 v2, $0.0e+00;
	v4 =	vadd.f32 v5, v4  }
0x1f9: {  	v1 =	vadd.f32 v1, v6;
	v3 =	vmax.f32 v3, $0.0e+00;
	[tilespmem:s10+$0xFFFFFFE0] =	vst v2  }
0x1fa: {  	[tilespmem:s10+$0xFFFFFFF0] =	vst v3;
	v2 =	vmax.f32 v4, $0.0e+00  }
0x1fb: {  	v1 =	vmax.f32 v1, $0.0e+00;
	[tilespmem:s10+$0x20] =	vst v2  }
0x1fc: {  	s4 =	simm.s32 $0x2700;
	[tilespmem:s10+$0x30] =	vst v1  }
0x1fd: {  	[spmem:s2] =	stream.indirect.scatter.add.f32 [tilespmem:s16], [sflag:$0x5], $0x40, s4, s19, $0xb8;
	[tilespmem:$0x14800] =	vst v63  }
0x1fe: {  	_ =	swait.ge [sflag:s30], $0x1000  }
0x1ff: {  	[sflag:s30] =	ssyncset.done $0x0  }
0x200: {  	[sflag:s30] =	ssyncadd.s32 $0xFFFFF000  }
0x201: {  	_ =	swait.ge [sflag:s31], $0x1000  }
0x202: {  	[sflag:s31] =	ssyncset.done $0x0  }
0x203: {  	[sflag:s31] =	ssyncadd.s32 $0xFFFFF000  }
0x204: {  	_ =	swait.ge [sflag:s7], $0x2000  }
0x205: {  	[sflag:s7] =	ssyncset.done $0x0  }
0x206: {  	s28 =	simm.s32 $0x3840;
	[sflag:s7] =	ssyncadd.s32 $0xFFFFE000  }
0x207: {  	s29 =	simm.s32 $0x5840;
	v1 =	vld [tilespmem:s28+$0x20]  }
0x208: {  	v2 =	vld [tilespmem:s29+$0x20];
	_ =	sdelay $0x1  }
0x209: {  	v3 =	vld [tilespmem:s29+$0xFFFFFFC0]  }
0x20a: {  	v5 =	vld [tilespmem:s28+$0xFFFFFFE0]  }
0x20b: {  	v4 =	vld [tilespmem:s28+$0xFFFFFFC0]  }
0x20c: {  	v8 =	vld [tilespmem:s29+$0xFFFFFFE0];
	v6 =	vshll.u32 v1, $0x10;
	v7 =	vshll.u32 v2, $0x10  }
0x20d: {  	s4 =	simm.s32 $0x58C0;
	v9 =	vld [tilespmem:s29+$0x0];
	v1 =	vand.u32 $0xFFFF0000, v1;
	v2 =	vand.u32 $0xFFFF0000, v2;
	v6 =	vadd.f32 v7, v6  }
0x20e: {  	s8 =	simm.s32 $0x38C0;
	v54 =	vld [tilespmem:s4+$0xFFFFFFC0];
	v1 =	vadd.f32 v2, v1  }
0x20f: {  	s6 =	simm.s32 $0x8880;
	v14 =	vld [tilespmem:s8+$0xFFFFFFE0];
	v10 =	vshll.u32 v5, $0x10;
	v6 =	vmax.f32 v6, $0.0e+00  }
0x210: {  	v15 =	vld [tilespmem:s4+$0xFFFFFFE0];
	v2 =	vshll.u32 v3, $0x10;
	v1 =	vmax.f32 v1, $0.0e+00;
	[tilespmem:s6+$0x40] =	vst v6;
	v6 =	vshll.u32 v4, $0x10  }
0x211: {  	v7 =	vld [tilespmem:s28+$0x0];
	v3 =	vand.u32 $0xFFFF0000, v3;
	[tilespmem:s6+$0x50] =	vst v1;
	v1 =	vand.u32 $0xFFFF0000, v4;
	v2 =	vadd.f32 v2, v6  }
0x212: {  	v5 =	vand.u32 $0xFFFF0000, v5;
	v4 =	vshll.u32 v8, $0x10;
	v6 =	vld [tilespmem:s28+$0x30];
	v1 =	vadd.f32 v3, v1  }
0x213: {  	v3 =	vand.u32 $0xFFFF0000, v8;
	v8 =	vld [tilespmem:s29+$0x30];
	v4 =	vadd.f32 v4, v10;
	v2 =	vmax.f32 v2, $0.0e+00  }
0x214: {  	v12 =	vand.u32 $0xFFFF0000, v54;
	v3 =	vadd.f32 v3, v5;
	v1 =	vmax.f32 v1, $0.0e+00;
	[tilespmem:s6+$0xFFFFFF80] =	vst v2  }
0x215: {  	v17 =	vshll.u32 v14, $0x10;
	v18 =	vshll.u32 v15, $0x10;
	v10 =	vld [tilespmem:s4+$0x20];
	v2 =	vmax.f32 v4, $0.0e+00;
	[tilespmem:s6+$0xFFFFFF90] =	vst v1  }
0x216: {  	v1 =	vshll.u32 v7, $0x10;
	v4 =	vshll.u32 v9, $0x10;
	v3 =	vmax.f32 v3, $0.0e+00;
	v5 =	vld [tilespmem:s28+$0xFFFFFFD0];
	[tilespmem:s6+$0xFFFFFFC0] =	vst v2  }
0x217: {  	v2 =	vand.u32 $0xFFFF0000, v7;
	v7 =	vand.u32 $0xFFFF0000, v9;
	v1 =	vadd.f32 v4, v1;
	v4 =	vld [tilespmem:s29+$0xFFFFFFD0];
	[tilespmem:s6+$0xFFFFFFD0] =	vst v3  }
0x218: {  	v2 =	vadd.f32 v7, v2;
	v3 =	vand.u32 $0xFFFF0000, v6;
	v7 =	vand.u32 $0xFFFF0000, v8;
	v9 =	vld [tilespmem:s28+$0xFFFFFFF0]  }
0x219: {  	v6 =	vshll.u32 v6, $0x10;
	v8 =	vshll.u32 v8, $0x10;
	v3 =	vadd.f32 v7, v3;
	v7 =	vld [tilespmem:s29+$0xFFFFFFF0]  }
0x21a: {  	v14 =	vand.u32 $0xFFFF0000, v14;
	v15 =	vand.u32 $0xFFFF0000, v15;
	v6 =	vadd.f32 v8, v6;
	v8 =	vld [tilespmem:s8+$0x20]  }
0x21b: {  	v58 =	vadd.f32 v18, v17;
	v1 =	vmax.f32 v1, $0.0e+00;
	v2 =	vmax.f32 v2, $0.0e+00  }
0x21c: {  	v11 =	vshll.u32 v5, $0x10;
	v5 =	vand.u32 $0xFFFF0000, v5;
	v13 =	vshll.u32 v4, $0x10  }
0x21d: {  	v16 =	vld [tilespmem:s8+$0x0];
	v4 =	vand.u32 $0xFFFF0000, v4;
	v55 =	vshll.u32 v9, $0x10;
	v9 =	vand.u32 $0xFFFF0000, v9  }
0x21e: {  	v56 =	vld [tilespmem:s8+$0xFFFFFFC0];
	v4 =	vadd.f32 v4, v5;
	v5 =	vshll.u32 v7, $0x10;
	v7 =	vand.u32 $0xFFFF0000, v7  }
0x21f: {  	[tilespmem:s6+$0x0] =	vst v1;
	v1 =	vshll.u32 v8, $0x10;
	v9 =	vadd.f32 v7, v9;
	v7 =	vshll.u32 v10, $0x10  }
0x220: {  	[tilespmem:s6+$0x10] =	vst v2;
	v2 =	vld [tilespmem:s4+$0x0];
	v8 =	vand.u32 $0xFFFF0000, v8;
	v10 =	vand.u32 $0xFFFF0000, v10;
	v1 =	vadd.f32 v7, v1  }
0x221: {  	v14 =	vadd.f32 v15, v14;
	v6 =	vmax.f32 v6, $0.0e+00;
	v8 =	vadd.f32 v10, v8  }
0x222: {  	s10 =	simm.s32 $0x8980;
	v3 =	vmax.f32 v3, $0.0e+00;
	v19 =	vld [tilespmem:s29+$0x10];
	[tilespmem:s6+$0x60] =	vst v6;
	v11 =	vadd.f32 v13, v11;
	v1 =	vmax.f32 v1, $0.0e+00  }
0x223: {  	v6 =	vand.u32 $0xFFFF0000, v16;
	v13 =	vand.u32 $0xFFFF0000, v56;
	[tilespmem:s10+$0x40] =	vst v1;
	v1 =	vmax.f32 v8, $0.0e+00  }
0x224: {  	v11 =	vmax.f32 v11, $0.0e+00;
	v5 =	vadd.f32 v5, v55;
	v4 =	vmax.f32 v4, $0.0e+00;
	v10 =	vld [tilespmem:s28+$0x10];
	[tilespmem:s10+$0x50] =	vst v1  }
0x225: {  	[tilespmem:s6+$0x70] =	vst v3;
	v7 =	vshll.u32 v54, $0x10;
	v3 =	vshll.u32 v2, $0x10;
	v1 =	vshll.u32 v56, $0x10;
	v57 =	vld [tilespmem:s8+$0x30]  }
0x226: {  	v2 =	vand.u32 $0xFFFF0000, v2;
	[tilespmem:s6+$0xFFFFFFB0] =	vst v4;
	v4 =	vmax.f32 v58, $0.0e+00;
	v1 =	vadd.f32 v7, v1;
	v59 =	vld [tilespmem:s4+$0x30]  }
0x227: {  	v60 =	vshll.u32 v19, $0x10;
	v2 =	vadd.f32 v2, v6;
	v7 =	vadd.f32 v12, v13  }
0x228: {  	[tilespmem:s6+$0xFFFFFFA0] =	vst v11;
	v6 =	vmax.f32 v14, $0.0e+00;
	v8 =	vshll.u32 v16, $0x10;
	v1 =	vmax.f32 v1, $0.0e+00  }
0x229: {  	v5 =	vmax.f32 v5, $0.0e+00;
	v3 =	vadd.f32 v3, v8;
	[tilespmem:s10+$0xFFFFFF80] =	vst v1;
	v1 =	vmax.f32 v7, $0.0e+00  }
0x22a: {  	v11 =	vshll.u32 v10, $0x10;
	v8 =	vand.u32 $0xFFFF0000, v10;
	v10 =	vand.u32 $0xFFFF0000, v19;
	[tilespmem:s10+$0xFFFFFF90] =	vst v1  }
0x22b: {  	[tilespmem:s10+$0xFFFFFFC0] =	vst v4;
	v7 =	vmax.f32 v3, $0.0e+00;
	v1 =	vld [tilespmem:s8+$0xFFFFFFD0];
	v3 =	vand.u32 $0xFFFF0000, v57;
	v4 =	vand.u32 $0xFFFF0000, v59  }
0x22c: {  	[tilespmem:s10+$0xFFFFFFD0] =	vst v6;
	v61 =	vmax.f32 v2, $0.0e+00;
	v8 =	vadd.f32 v10, v8;
	v2 =	vld [tilespmem:s4+$0xFFFFFFD0];
	v63 =	vadd.f32 v4, v3  }
0x22d: {  	s11 =	simm.s32 $0x4;
	[tilespmem:s10+$0x0] =	vst v7;
	v7 =	vadd.f32 v60, v11;
	v6 =	vshll.u32 v57, $0x10;
	v62 =	vshll.u32 v59, $0x10;
	v3 =	vld [tilespmem:s8+$0xFFFFFFF0]  }
0x22e: {  	s14 =	simm.s32 $0x3940;
	s5 =	simm.s32 $0x58C0;
	s23 =	simm.s32 $0x1480;
	v9 =	vmax.f32 v9, $0.0e+00;
	[tilespmem:s10+$0x10] =	vst v61;
	v4 =	vld [tilespmem:s4+$0xFFFFFFF0];
	v6 =	vadd.f32 v62, v6;
	v10 =	vmax.f32 v63, $0.0e+00  }
.LBB2_17:
0x22f: {  	v11 =	vld [tilespmem:s14+$0x20];
	[tilespmem:s10+$0x70] =	vst v10;
	s4 =	sadd.s32 $0x80, s4;
	v7 =	vmax.f32 v7, $0.0e+00;
	v8 =	vmax.f32 v8, $0.0e+00  }
0x230: {  	v10 =	vld [tilespmem:s4+$0x20];
	v12 =	vshll.u32 v1, $0x10;
	v1 =	vand.u32 $0xFFFF0000, v1;
	v6 =	vmax.f32 v6, $0.0e+00;
	[tilespmem:s6+$0xFFFFFFE0] =	vst v5  }
0x231: {  	v5 =	vld [tilespmem:s4+$0xFFFFFFC0];
	v13 =	vshll.u32 v2, $0x10;
	v2 =	vand.u32 $0xFFFF0000, v2;
	[tilespmem:s6+$0xFFFFFFF0] =	vst v9  }
0x232: {  	s11 =	sadd.s32 $0x4, s11;
	v9 =	vld [tilespmem:s14+$0xFFFFFFE0];
	v12 =	vadd.f32 v13, v12;
	v13 =	vshll.u32 v3, $0x10;
	v3 =	vand.u32 $0xFFFF0000, v3;
	[tilespmem:s6+$0x20] =	vst v7  }
0x233: {  	p0 =	slt.u32 s11, $0x7C;
	v1 =	vadd.f32 v2, v1;
	v7 =	vld [tilespmem:s4+$0xFFFFFFE0];
	v2 =	vshll.u32 v4, $0x10;
	v4 =	vand.u32 $0xFFFF0000, v4;
	[tilespmem:s6+$0x30] =	vst v8;
	s6 =	smov.u32 s10  }
0x234: {  	v8 =	vld [tilespmem:s14+$0x0];
	v12 =	vmax.f32 v12, $0.0e+00;
	v13 =	vadd.f32 v2, v13;
	v14 =	vadd.f32 v4, v3;
	[tilespmem:s10+$0x60] =	vst v6  }
0x235: {  	v3 =	vshll.u32 v11, $0x10;
	v1 =	vmax.f32 v1, $0.0e+00;
	v2 =	vld [tilespmem:s4+$0x0];
	v4 =	vshll.u32 v10, $0x10;
	[tilespmem:s10+$0xFFFFFFA0] =	vst v12  }
0x236: {  	v11 =	vand.u32 $0xFFFF0000, v11;
	v10 =	vand.u32 $0xFFFF0000, v10;
	v6 =	vld [tilespmem:s14+$0xFFFFFFC0];
	v3 =	vadd.f32 v4, v3;
	[tilespmem:s10+$0xFFFFFFB0] =	vst v1  }
0x237: {  	v1 =	vshll.u32 v5, $0x10;
	v4 =	vand.u32 $0xFFFF0000, v5;
	v5 =	vadd.f32 v10, v11;
	v10 =	vld [tilespmem:s8+$0x10];
	s8 =	smov.u32 s14  }
0x238: {  	s10 =	sadd.s32 $0x100, s10;
	v11 =	vshll.u32 v9, $0x10;
	v12 =	vshll.u32 v7, $0x10;
	v3 =	vmax.f32 v3, $0.0e+00;
	v15 =	vld [tilespmem:s5+$0x10];
	s5 =	smov.u32 s4  }
0x239: {  	v9 =	vand.u32 $0xFFFF0000, v9;
	v7 =	vand.u32 $0xFFFF0000, v7;
	[tilespmem:s10+$0x40] =	vst v3;
	v3 =	vmax.f32 v5, $0.0e+00  }
0x23a: {  	v5 =	vshll.u32 v8, $0x10;
	v8 =	vand.u32 $0xFFFF0000, v8;
	v16 =	vshll.u32 v2, $0x10;
	[tilespmem:s10+$0x50] =	vst v3  }
0x23b: {  	v2 =	vand.u32 $0xFFFF0000, v2;
	v3 =	vshll.u32 v6, $0x10;
	v6 =	vand.u32 $0xFFFF0000, v6;
	v17 =	vld [tilespmem:s14+$0x30]  }
0x23c: {  	v1 =	vadd.f32 v1, v3;
	v3 =	vadd.f32 v4, v6;
	v4 =	vld [tilespmem:s4+$0x30];
	v6 =	vshll.u32 v10, $0x10  }
0x23d: {  	v11 =	vadd.f32 v12, v11;
	v7 =	vadd.f32 v7, v9;
	v9 =	vshll.u32 v15, $0x10  }
0x23e: {  	v5 =	vadd.f32 v16, v5;
	v2 =	vadd.f32 v2, v8;
	v1 =	vmax.f32 v1, $0.0e+00  }
0x23f: {  	v7 =	vmax.f32 v7, $0.0e+00;
	[tilespmem:s10+$0xFFFFFF80] =	vst v1;
	v1 =	vmax.f32 v3, $0.0e+00;
	v3 =	vmax.f32 v11, $0.0e+00  }
.Ltmp7:
0x240: {  	v8 =	vand.u32 $0xFFFF0000, v10;
	v5 =	vmax.f32 v5, $0.0e+00;
	v11 =	vmax.f32 v2, $0.0e+00;
	[tilespmem:s10+$0xFFFFFF90] =	vst v1;
	(pc) =	sbr.rel @p0 .LBB2_17-.Ltmp7, $4  }
0x241: {  	v12 =	vand.u32 $0xFFFF0000, v15;
	v1 =	vld [tilespmem:s14+$0xFFFFFFD0];
	[tilespmem:s10+$0xFFFFFFC0] =	vst v3;
	v3 =	vand.u32 $0xFFFF0000, v17;
	v10 =	vand.u32 $0xFFFF0000, v4  }
0x242: {  	v15 =	vshll.u32 v17, $0x10;
	v16 =	vshll.u32 v4, $0x10;
	v2 =	vld [tilespmem:s4+$0xFFFFFFD0];
	[tilespmem:s10+$0xFFFFFFD0] =	vst v7;
	v10 =	vadd.f32 v10, v3  }
0x243: {  	v8 =	vadd.f32 v12, v8;
	v7 =	vadd.f32 v9, v6;
	v3 =	vld [tilespmem:s14+$0xFFFFFFF0];
	[tilespmem:s10+$0x0] =	vst v5;
	v5 =	vmax.f32 v13, $0.0e+00  }
0x244: {  	v6 =	vadd.f32 v16, v15;
	v9 =	vmax.f32 v14, $0.0e+00;
	s14 =	sadd.s32 $0x80, s14;
	v4 =	vld [tilespmem:s4+$0xFFFFFFF0];
	[tilespmem:s10+$0x10] =	vst v11;
	v10 =	vmax.f32 v10, $0.0e+00  }
0x245: {  	_ = 	snop  }
0x246: {  	[tilespmem:s10+$0x70] =	vst v10;
	v12 =	vld [tilespmem:s8+$0x10];
	v54 =	vmax.f32 v7, $0.0e+00;
	v55 =	vmax.f32 v8, $0.0e+00  }
0x247: {  	[tilespmem:s6+$0xFFFFFFE0] =	vst v5;
	v57 =	vld [tilespmem:s5+$0x10];
	v53 =	vshll.u32 v1, $0x10;
	v1 =	vand.u32 $0xFFFF0000, v1;
	v11 =	vshll.u32 v2, $0x10  }
0x248: {  	[tilespmem:s6+$0xFFFFFFF0] =	vst v9;
	v6 =	vmax.f32 v6, $0.0e+00;
	v2 =	vand.u32 $0xFFFF0000, v2;
	v56 =	vadd.f32 v11, v53  }
0x249: {  	[tilespmem:s6+$0x20] =	vst v54;
	v58 =	vshll.u32 v3, $0x10;
	v3 =	vand.u32 $0xFFFF0000, v3;
	v1 =	vadd.f32 v2, v1  }
0x24a: {  	[tilespmem:s6+$0x30] =	vst v55;
	v2 =	vshll.u32 v4, $0x10;
	v59 =	vand.u32 $0xFFFF0000, v4;
	v60 =	vmax.f32 v56, $0.0e+00  }
0x24b: {  	[tilespmem:s10+$0x60] =	vst v6;
	v2 =	vadd.f32 v2, v58;
	v3 =	vadd.f32 v59, v3;
	v1 =	vmax.f32 v1, $0.0e+00  }
0x24c: {  	v61 =	vshll.u32 v12, $0x10;
	v62 =	vshll.u32 v57, $0x10;
	v63 =	vand.u32 $0xFFFF0000, v12;
	[tilespmem:s10+$0xFFFFFFA0] =	vst v60  }
0x24d: {  	[tilespmem:s10+$0xFFFFFFB0] =	vst v1;
	v1 =	vand.u32 $0xFFFF0000, v57;
	v4 =	vadd.f32 v62, v61;
	v2 =	vmax.f32 v2, $0.0e+00  }
0x24e: {  	v1 =	vadd.f32 v1, v63;
	v3 =	vmax.f32 v3, $0.0e+00;
	[tilespmem:s10+$0xFFFFFFE0] =	vst v2  }
0x24f: {  	v2 =	vmax.f32 v4, $0.0e+00;
	[tilespmem:s10+$0xFFFFFFF0] =	vst v3  }
0x250: {  	v1 =	vmax.f32 v1, $0.0e+00;
	[tilespmem:s10+$0x20] =	vst v2  }
0x251: {  	s15 =	sadd.s32 $0x1, s15;
	[tilespmem:s10+$0x30] =	vst v1  }
0x252: {  	[spmem:s2] =	stream.indirect.scatter.add.f32 [tilespmem:s0], [sflag:$0x6], $0x40, s9, s19, $0xb8;
	[tilespmem:$0x14800] =	vst v63  }
0x253: {  	p0 =	sne.s32 s15, $0x4;
	_ =	swait.ge [sflag:s1], $0x2000  }
.Ltmp8:
0x254: {  	[sflag:s1] =	ssyncset.done $0x0;
	(pc) =	sbr.rel @p0 .LBB2_4-.Ltmp8, $4  }
0x255: {  	[sflag:s1] =	ssyncadd.s32 $0xFFFFE000  }
0x256: {  	_ =	swait.ge [sflag:s7], $0x2000  }
0x257: {  	[sflag:s7] =	ssyncset.done $0x0  }
0x258: {  	[sflag:s7] =	ssyncadd.s32 $0xFFFFE000  }
0x259: {  	s4 =	stileid.u32;
	[bflag:$0x0] =	sbarrier.arrive $0xFFFF  }
0x25a: {  	s4 =	sshll.u32 s4, $0x6;
	s11 =	rddreg [dreg:$0x6]  }
0x25b: {  	s6 =	rddreg [dreg:$0xc];
	s4 =	sor.u32 $0x1C07, s4;
	s5 =	sshrl.u32 s11, $0x3  }
0x25c: {  	[hbm:s6], [sflag:s4] =	dma.local [spmem:s5], $0x1400  }
0x25d: {  	_ =	swait.ge [sflag:s17], $0x1400  }
0x25e: {  	s28 =	rddreg [dreg:$0xe]  }
0x25f: {  	s29 =	rddreg [dreg:$0xd];
	s5 =	sadd.s32 $0x1, s28  }
0x260: {  	p0 =	sne.s32 s5, s29  }
.Ltmp9:
0x261: {  	_ = 	snop;
	(pc) =	sbr.rel @p0 .LBB2_1-.Ltmp9, $3  }
0x262: {  	_ =	sdelay $0x1  }
0x263: {  	[sflag:s17] =	ssyncset.done $0x0  }
0x264: {  	[sflag:s17] =	ssyncadd.s32 $0xFFFFEC00  }
0x265: {  	_ =	sfence.sel $0x180000  }
0x266: {  	[bflag:$0x0] =	sbarrier.arrive $0xFFFF  }
0x267: {  	_ =	strace $0x90000047  }
0x268: {  	s0 =	stileid.u32;
	[bflag:$0x2] =	sbarrier.arrive $0xFFFF  }
0x269: {  	p0 =	sne.s32 s0, $0x0;
	s0 =	rddreg [dreg:$0x3]  }
0x26a: {  	s0 =	sadd.s32 @!p0 $0x100000, s0  }
0x26b: {  	[sflag:s0] =	ssyncadd.tile.s32 @!p0 $0x1;
	_ =	shalt  }
.Lfunc_end2:
_tile_overlayer_lowered:
.L_overlay_start_2:
0x26c: {  	(tag) =	ssettag $0x2  }
0x26d: {  	s0 =	rddreg [dreg:$0x0];
	s2 =	stileid.u32  }
0x26e: {  	s1 =	rddreg [dreg:$0x1];
	p0 =	sne.s32 s2, $0x0  }
0x26f: {  	s3 =	rddreg [dreg:$0x2];
	[bflag:$0x3] =	sbarrier.arrive $0xFFFF;
	s2 =	simm.s32 @!p0 $0x1C07  }
0x270: {  	[timem:s3], [sflag:s2] =	dma.local @!p0 [hbm:s0], s1  }
0x271: {  	s0 =	simm.s32 @!p0 $0x7  }
0x272: {  	_ =	swait.ge @!p0 [sflag:s0], s1  }
0x273: {  	s1 =	ssub.s32 @!p0 $0x0, s1;
	[sflag:s0] =	ssyncset.done @!p0 $0x0  }
0x274: {  	[sflag:s0] =	ssyncadd.s32 @!p0 s1  }
0x275: {  	[bflag:$0x3] =	sbarrier.arrive $0xFFFF  }
0x276: {  	_ =	shalt  }

</sc_bundles>
